<compile_context>
chip_gen: v7x
topology: tpu7x:2x2x1
jax: 0.10.2.dev20260603
libtpu: 0.0.44.dev20260713+nightly
codegen_flags: <defaults>
</compile_context>

<pallas_src>
import jax
import jax.numpy as jnp
from jax import lax
from jax.experimental import pallas as pl
from jax.experimental.pallas import tpu as pltpu
from jax.experimental.pallas import tpu_sc as plsc

N = 10000
E = 320000
F_E = 16
N_GRAPHS = 16

NC = 2
NS = 16
CB = E // 128
CB_PER_TILE = CB // NS
KCB = 12
NSTEP = CB_PER_TILE // KCB
KCBT = 4
N_PAD = 10240


def _sc_scatter_body(col_hbm, attr4_hbm, sums_out, cnt_out,
                     a0, a1, i0, i1, sums8, cnt1,
                     sa0, sa1, si0, si1):
  c = lax.axis_index("c")
  s = lax.axis_index("s")

  def zrow(i, _):
    z = jnp.zeros((16,), jnp.float32)
    for f in range(8):
      sums8[f, pl.ds(i * 16, 16)] = z
    cnt1[pl.ds(i * 16, 16)] = z
    return 0
  lax.fori_loop(0, N_PAD // 16, zrow, 0)

  abuf = [a0, a1]
  ibuf = [i0, i1]
  asem = [sa0, sa1]
  isem = [si0, si1]
  cb0 = s * CB_PER_TILE
  ones16 = jnp.ones((16,), jnp.float32)

  def start_in(step, sl):
    cb = cb0 + step * KCB
    ha = pltpu.async_copy(attr4_hbm.at[c, pl.ds(cb, KCB)], abuf[sl], asem[sl])
    hi = pltpu.async_copy(col_hbm.at[pl.ds(cb * 128, KCB * 128)], ibuf[sl],
                          isem[sl])
    return ha, hi

  def consume(sl, ncb=KCB):
    def per_cb(cbl, _):
      def per_grp(g, _):
        lo = g * 16
        iv = ibuf[sl][pl.ds(cbl * 128 + lo, 16)]
        for f in range(8):
          v = abuf[sl][cbl, f, pl.ds(lo, 16)]
          plsc.addupdate_scatter(
              sums8, [jnp.full((16,), f, jnp.int32), iv], v)
        plsc.addupdate_scatter(cnt1, [iv], ones16)
        return 0
      lax.fori_loop(0, 8, per_grp, 0)
      return 0
    lax.fori_loop(0, ncb, per_cb, 0)

  pend = [None, None]
  pend[0] = start_in(0, 0)
  for step in range(NSTEP):
    sl = step & 1
    ha, hi = pend[sl]
    ha.wait()
    hi.wait()
    if step + 1 < NSTEP:
      pend[1 - sl] = start_in(step + 1, 1 - sl)
    consume(sl)

  @pl.when(s == NS - 1)
  def _tail():
    cb = NS * CB_PER_TILE
    pltpu.sync_copy(attr4_hbm.at[c, pl.ds(cb, KCBT)], a0.at[pl.ds(0, KCBT)])
    pltpu.sync_copy(col_hbm.at[pl.ds(cb * 128, KCBT * 128)], i0.at[pl.ds(0, KCBT * 128)])
    consume(0, KCBT)

  pltpu.sync_copy(sums8, sums_out.at[c, s])

  @pl.when(c == 0)
  def _wcnt():
    pltpu.sync_copy(cnt1, cnt_out.at[s])


def _sc_scatter(col, attr4):
  mesh = plsc.VectorSubcoreMesh(core_axis_name="c", subcore_axis_name="s")
  kern = pl.kernel(
      _sc_scatter_body,
      out_type=[
          jax.ShapeDtypeStruct((NC, NS, 8, N_PAD), jnp.float32),
          jax.ShapeDtypeStruct((NS, N_PAD), jnp.float32),
      ],
      mesh=mesh,
      scratch_types=[
          pltpu.VMEM((KCB, 8, 128), jnp.float32),
          pltpu.VMEM((KCB, 8, 128), jnp.float32),
          pltpu.VMEM((KCB * 128,), jnp.int32),
          pltpu.VMEM((KCB * 128,), jnp.int32),
          pltpu.VMEM((8, N_PAD), jnp.float32),
          pltpu.VMEM((N_PAD,), jnp.float32),
          pltpu.SemaphoreType.DMA,
          pltpu.SemaphoreType.DMA,
          pltpu.SemaphoreType.DMA,
          pltpu.SemaphoreType.DMA,
      ],
      compiler_params=pltpu.CompilerParams(use_tc_tiling_on_sc=False,
                                           needs_layout_passes=False,
                                           skip_device_barrier=True),
  )
  return kern(col, attr4)


BN = 640


def _mlp_pre_body(x_ref, batch_ref, u_ref, w1x_ref, w1u_ref, b1_ref, hx_ref):
  uw = jnp.dot(u_ref[...], w1u_ref[...], preferred_element_type=jnp.float32)
  b = batch_ref[0, 0, :]
  onehot = jnp.where(
      b[:, None] == lax.broadcasted_iota(jnp.int32, (1, N_GRAPHS), 1),
      1.0, 0.0)
  h = jnp.dot(x_ref[...], w1x_ref[...], preferred_element_type=jnp.float32)
  h += jnp.dot(onehot, uw, preferred_element_type=jnp.float32)
  hx_ref[...] = h + b1_ref[...]


def _mlp_pre(x, batch3, u, w1x, w1u, b1):
  grid = N_PAD // BN
  full = lambda shape: pl.BlockSpec(shape, lambda i: (0,) * len(shape))
  return pl.pallas_call(
      _mlp_pre_body,
      grid=(grid,),
      in_specs=[
          pl.BlockSpec((BN, 128), lambda i: (i, 0)),
          pl.BlockSpec((1, 1, BN), lambda i: (i, 0, 0)),
          full((N_GRAPHS, 128)),
          full((128, 128)),
          full((128, 128)),
          full((1, 128)),
      ],
      out_specs=pl.BlockSpec((BN, 128), lambda i: (i, 0)),
      out_shape=jax.ShapeDtypeStruct((N, 128), jnp.float32),
      compiler_params=pltpu.CompilerParams(skip_device_barrier=True),
  )(x, batch3, u, w1x, w1u, b1)


def _mlp_post_body(hx_ref, s_ref, c_ref, w1e_ref, w2_ref, b2_ref, out_ref):
  ssum = jnp.sum(s_ref[...], axis=1)
  st = ssum.reshape(F_E, BN)
  cnt = jnp.sum(c_ref[...], axis=0)
  e_agg_t = st / jnp.maximum(cnt, 1.0)[None, :]
  h = hx_ref[...] + jnp.dot(e_agg_t.T, w1e_ref[...],
                            preferred_element_type=jnp.float32)
  h = jnp.maximum(h, 0.0)
  out_ref[...] = jnp.dot(h, w2_ref[...],
                         preferred_element_type=jnp.float32) + b2_ref[...]


def _mlp_post(hx, sums_p, cnt_p, w1e, w2, b2):
  grid = N_PAD // BN
  full = lambda shape: pl.BlockSpec(shape, lambda i: (0,) * len(shape))
  return pl.pallas_call(
      _mlp_post_body,
      grid=(grid,),
      in_specs=[
          pl.BlockSpec((BN, 128), lambda i: (i, 0)),
          pl.BlockSpec((NC, NS, 8, BN), lambda i: (0, 0, 0, i)),
          pl.BlockSpec((NS, BN), lambda i: (0, i)),
          full((F_E, 128)),
          full((128, 128)),
          full((1, 128)),
      ],
      out_specs=pl.BlockSpec((BN, 128), lambda i: (i, 0)),
      out_shape=jax.ShapeDtypeStruct((N, 128), jnp.float32),
      compiler_params=pltpu.CompilerParams(skip_device_barrier=True),
  )(hx, sums_p, cnt_p, w1e, w2, b2)


@jax.jit
def kernel(x, edge_index, edge_attr, u, batch, W1, b1, W2, b2):
  col = edge_index[1].astype(jnp.int32)
  attr4 = edge_attr.T.reshape(2, 8, CB, 128).transpose(0, 2, 1, 3)
  sums_p, cnt_p = _sc_scatter(col, attr4)
  batch_pad = jnp.concatenate(
      [batch.astype(jnp.int32), jnp.zeros((N_PAD - N,), jnp.int32)])
  batch3 = batch_pad.reshape(N_PAD // BN, 1, BN)
  w1x = W1[:128]
  w1e = W1[128:128 + F_E]
  w1u = W1[128 + F_E:]
  hx = _mlp_pre(x, batch3, u, w1x, w1u, b1.reshape(1, 128))
  return _mlp_post(hx, sums_p, cnt_p, w1e, W2, b2.reshape(1, 128))

# --- scband reference (transcript-rebuilt; emitter-appended) ---
"""Pipeline reference for scband-node-model-5909875000173 (READ-ONLY COPY).

The authoritative reference and input builder live on the scoring server;
editing this copy changes nothing except your own understanding.
"""

import jax, jax.numpy as jnp
import numpy as np

N = 10000
E = 320000
F_X = 128
F_E = 16
F_U = 128
N_GRAPHS = 16
F_OUT = 128


def setup_inputs(seed: int = 0) -> dict:
    key = jax.random.key(seed)
    ks = jax.random.split(key, 9)
    x = jax.random.normal(ks[0], (N, F_X), dtype=jnp.float32)
    edge_index = jax.random.randint(ks[1], (2, E), 0, N)
    edge_attr = jax.random.normal(ks[2], (E, F_E), dtype=jnp.float32)
    u = jax.random.normal(ks[3], (N_GRAPHS, F_U), dtype=jnp.float32)
    batch = jnp.sort(jax.random.randint(ks[4], (N,), 0, N_GRAPHS))
    f_in = F_E + F_X + F_U
    W1 = jax.random.normal(ks[5], (f_in, F_OUT), dtype=jnp.float32) * 0.05
    b1 = jnp.zeros((F_OUT,), dtype=jnp.float32)
    W2 = jax.random.normal(ks[6], (F_OUT, F_OUT), dtype=jnp.float32) * 0.05
    b2 = jnp.zeros((F_OUT,), dtype=jnp.float32)
    return {"x": x, "edge_index": edge_index, "edge_attr": edge_attr, "u": u,
            "batch": batch, "W1": W1, "b1": b1, "W2": W2, "b2": b2}


def reference(x, edge_index, edge_attr, u, batch, W1, b1, W2, b2):
    # row, col = edge_index
    col = edge_index[1]
    n = x.shape[0]
    # scatter_mean(edge_attr, col, dim=0) with output padded to n rows
    sums = jax.ops.segment_sum(edge_attr, col, num_segments=n)
    counts = jax.ops.segment_sum(jnp.ones((edge_attr.shape[0],), dtype=edge_attr.dtype), col, num_segments=n)
    e_agg_node = sums / jnp.clip(counts, 1.0)[:, None]
    out = jnp.concatenate([x, e_agg_node, u[batch]], axis=1)
    # phi_x = Linear -> ReLU -> Linear
    h = jnp.maximum(out @ W1 + b1, 0.0)
    return h @ W2 + b2

if __name__ == "__main__":
    import jax
    _d = setup_inputs()
    print(jax.jit(kernel)(*tuple(_d.values())))

</pallas_src>

<mosaic_0001>
#map = affine_map<(d0, d1) -> (0)>
#map1 = affine_map<(d0, d1) -> (0, 0, 0, 0)>
#map2 = affine_map<(d0, d1) -> (0, 0)>
module attributes {stable_mosaic.version = 14 : i64} {
  func.func @_sc_scatter_body(%arg0: i32, %arg1: i32, %arg2: memref<320000xi32, #tpu.memory_space<hbm>>, %arg3: memref<2x2500x8x128xf32, #tpu.memory_space<hbm>>, %arg4: memref<2x16x8x10240xf32, #tpu.memory_space<hbm>>, %arg5: memref<16x10240xf32, #tpu.memory_space<hbm>>, %arg6: memref<12x8x128xf32, #tpu.memory_space<vmem>>, %arg7: memref<12x8x128xf32, #tpu.memory_space<vmem>>, %arg8: memref<1536xi32, #tpu.memory_space<vmem>>, %arg9: memref<1536xi32, #tpu.memory_space<vmem>>, %arg10: memref<8x10240xf32, #tpu.memory_space<vmem>>, %arg11: memref<10240xf32, #tpu.memory_space<vmem>>, %arg12: memref<!tpu.dma_semaphore, #tpu.memory_space<semaphore_mem>>, %arg13: memref<!tpu.dma_semaphore, #tpu.memory_space<semaphore_mem>>, %arg14: memref<!tpu.dma_semaphore, #tpu.memory_space<semaphore_mem>>, %arg15: memref<!tpu.dma_semaphore, #tpu.memory_space<semaphore_mem>>) attributes {dimension_semantics = [#tpu.dimension_semantics<core_parallel>, #tpu.dimension_semantics<subcore_parallel>], iteration_bounds = array<i64: 2, 16>, scalar_prefetch = 0 : i64, scratch_operands = 10 : i64, tpu.core_type = #tpu.core_type<sc_vector_subcore>, window_params = [{transform_indices = #map}, {transform_indices = #map1}, {transform_indices = #map1}, {transform_indices = #map2}]} {
    %scan3A = arith.constant 0 : i32
    %scan3A_0 = arith.constant 0 : i32
    %scan3A_1 = arith.constant 640 : i32
    %scan3A_2 = arith.addi %scan3A_0, %scan3A_1 : i32
    %scan3A_3 = arith.constant 1 : i32
    %scan3A_4 = scf.for %scan3A_415 = %scan3A_0 to %scan3A_2 step %scan3A_3 iter_args(%scan3A_416 = %scan3A) -> (i32)  : i32 {
      %broadcast_in_dim3A_417 = arith.constant 0.000000e+00 : f32
      %broadcast_in_dim3A_418 = vector.broadcast %broadcast_in_dim3A_417 : f32 to vector<16xf32>
      %mul3A_419 = arith.constant 16 : i32
      %mul3A_420 = arith.muli %scan3A_415, %mul3A_419 : i32
      %swap3A = arith.constant 0 : i32
      %swap3A_421 = arith.index_cast %swap3A : i32 to index
      %swap3A_422 = arith.index_cast %mul3A_420 : i32 to index
      %swap3A_423 = tpu.vector_load %arg10[%swap3A_421, %swap3A_422] {strides = array<i32>} : memref<8x10240xf32, #tpu.memory_space<vmem>>, vector<16xf32>,
      tpu.vector_store %arg10[%swap3A_421, %swap3A_422], %broadcast_in_dim3A_418 {strides = array<i32>} : memref<8x10240xf32, #tpu.memory_space<vmem>>, vector<16xf32>,
      %mul3A_424 = arith.constant 16 : i32
      %mul3A_425 = arith.muli %scan3A_415, %mul3A_424 : i32
      %swap3A_426 = arith.constant 1 : i32
      %swap3A_427 = arith.index_cast %swap3A_426 : i32 to index
      %swap3A_428 = arith.index_cast %mul3A_425 : i32 to index
      %swap3A_429 = tpu.vector_load %arg10[%swap3A_427, %swap3A_428] {strides = array<i32>} : memref<8x10240xf32, #tpu.memory_space<vmem>>, vector<16xf32>,
      tpu.vector_store %arg10[%swap3A_427, %swap3A_428], %broadcast_in_dim3A_418 {strides = array<i32>} : memref<8x10240xf32, #tpu.memory_space<vmem>>, vector<16xf32>,
      %mul3A_430 = arith.constant 16 : i32
      %mul3A_431 = arith.muli %scan3A_415, %mul3A_430 : i32
      %swap3A_432 = arith.constant 2 : i32
      %swap3A_433 = arith.index_cast %swap3A_432 : i32 to index
      %swap3A_434 = arith.index_cast %mul3A_431 : i32 to index
      %swap3A_435 = tpu.vector_load %arg10[%swap3A_433, %swap3A_434] {strides = array<i32>} : memref<8x10240xf32, #tpu.memory_space<vmem>>, vector<16xf32>,
      tpu.vector_store %arg10[%swap3A_433, %swap3A_434], %broadcast_in_dim3A_418 {strides = array<i32>} : memref<8x10240xf32, #tpu.memory_space<vmem>>, vector<16xf32>,
      %mul3A_436 = arith.constant 16 : i32
      %mul3A_437 = arith.muli %scan3A_415, %mul3A_436 : i32
      %swap3A_438 = arith.constant 3 : i32
      %swap3A_439 = arith.index_cast %swap3A_438 : i32 to index
      %swap3A_440 = arith.index_cast %mul3A_437 : i32 to index
      %swap3A_441 = tpu.vector_load %arg10[%swap3A_439, %swap3A_440] {strides = array<i32>} : memref<8x10240xf32, #tpu.memory_space<vmem>>, vector<16xf32>,
      tpu.vector_store %arg10[%swap3A_439, %swap3A_440], %broadcast_in_dim3A_418 {strides = array<i32>} : memref<8x10240xf32, #tpu.memory_space<vmem>>, vector<16xf32>,
      %mul3A_442 = arith.constant 16 : i32
      %mul3A_443 = arith.muli %scan3A_415, %mul3A_442 : i32
      %swap3A_444 = arith.constant 4 : i32
      %swap3A_445 = arith.index_cast %swap3A_444 : i32 to index
      %swap3A_446 = arith.index_cast %mul3A_443 : i32 to index
      %swap3A_447 = tpu.vector_load %arg10[%swap3A_445, %swap3A_446] {strides = array<i32>} : memref<8x10240xf32, #tpu.memory_space<vmem>>, vector<16xf32>,
      tpu.vector_store %arg10[%swap3A_445, %swap3A_446], %broadcast_in_dim3A_418 {strides = array<i32>} : memref<8x10240xf32, #tpu.memory_space<vmem>>, vector<16xf32>,
      %mul3A_448 = arith.constant 16 : i32
      %mul3A_449 = arith.muli %scan3A_415, %mul3A_448 : i32
      %swap3A_450 = arith.constant 5 : i32
      %swap3A_451 = arith.index_cast %swap3A_450 : i32 to index
      %swap3A_452 = arith.index_cast %mul3A_449 : i32 to index
      %swap3A_453 = tpu.vector_load %arg10[%swap3A_451, %swap3A_452] {strides = array<i32>} : memref<8x10240xf32, #tpu.memory_space<vmem>>, vector<16xf32>,
      tpu.vector_store %arg10[%swap3A_451, %swap3A_452], %broadcast_in_dim3A_418 {strides = array<i32>} : memref<8x10240xf32, #tpu.memory_space<vmem>>, vector<16xf32>,
      %mul3A_454 = arith.constant 16 : i32
      %mul3A_455 = arith.muli %scan3A_415, %mul3A_454 : i32
      %swap3A_456 = arith.constant 6 : i32
      %swap3A_457 = arith.index_cast %swap3A_456 : i32 to index
      %swap3A_458 = arith.index_cast %mul3A_455 : i32 to index
      %swap3A_459 = tpu.vector_load %arg10[%swap3A_457, %swap3A_458] {strides = array<i32>} : memref<8x10240xf32, #tpu.memory_space<vmem>>, vector<16xf32>,
      tpu.vector_store %arg10[%swap3A_457, %swap3A_458], %broadcast_in_dim3A_418 {strides = array<i32>} : memref<8x10240xf32, #tpu.memory_space<vmem>>, vector<16xf32>,
      %mul3A_460 = arith.constant 16 : i32
      %mul3A_461 = arith.muli %scan3A_415, %mul3A_460 : i32
      %swap3A_462 = arith.constant 7 : i32
      %swap3A_463 = arith.index_cast %swap3A_462 : i32 to index
      %swap3A_464 = arith.index_cast %mul3A_461 : i32 to index
      %swap3A_465 = tpu.vector_load %arg10[%swap3A_463, %swap3A_464] {strides = array<i32>} : memref<8x10240xf32, #tpu.memory_space<vmem>>, vector<16xf32>,
      tpu.vector_store %arg10[%swap3A_463, %swap3A_464], %broadcast_in_dim3A_418 {strides = array<i32>} : memref<8x10240xf32, #tpu.memory_space<vmem>>, vector<16xf32>,
      %mul3A_466 = arith.constant 16 : i32
      %mul3A_467 = arith.muli %scan3A_415, %mul3A_466 : i32
      %swap3A_468 = arith.index_cast %mul3A_467 : i32 to index
      %swap3A_469 = tpu.vector_load %arg11[%swap3A_468] {strides = array<i32>} : memref<10240xf32, #tpu.memory_space<vmem>>, vector<16xf32>,
      tpu.vector_store %arg11[%swap3A_468], %broadcast_in_dim3A_418 {strides = array<i32>} : memref<10240xf32, #tpu.memory_space<vmem>>, vector<16xf32>,
      %scan3A_470 = arith.constant 0 : i32
      scf.yield %scan3A_470 : i32
    }
    %scan3A_5 = arith.constant 640 : i32
    %mul3A = arith.constant 156 : i32
    %mul3A_6 = arith.muli %arg1, %mul3A : i32
    %broadcast_in_dim3A = arith.constant 1.000000e+00 : f32
    %broadcast_in_dim3A_7 = vector.broadcast %broadcast_in_dim3A : f32 to vector<16xf32>
    %add3A = arith.constant 0 : i32
    %add3A_8 = arith.addi %mul3A_6, %add3A : i32
    %dma_start3A = arith.constant 0 : i32
    %dma_start3A_9 = arith.constant 0 : i32
    %dma_start3A_10 = tpu.memref_slice %arg3[%arg0, %add3A_8, %dma_start3A, %dma_start3A_9] : memref<2x2500x8x128xf32, #tpu.memory_space<hbm>> -> memref<1x12x8x128xf32, #tpu.memory_space<hbm>>
    %dma_start3A_11 = tpu.memref_squeeze %dma_start3A_10 : memref<1x12x8x128xf32, #tpu.memory_space<hbm>> -> memref<12x8x128xf32, #tpu.memory_space<hbm>>
    %dma_start3A_12 = arith.constant 0 : i32
    %dma_start3A_13 = arith.constant 0 : i32
    %dma_start3A_14 = tpu.memref_slice %arg3[%arg0, %add3A_8, %dma_start3A_12, %dma_start3A_13] : memref<2x2500x8x128xf32, #tpu.memory_space<hbm>> -> memref<1x12x8x128xf32, #tpu.memory_space<hbm>>
    %dma_start3A_15 = tpu.memref_squeeze %dma_start3A_14 : memref<1x12x8x128xf32, #tpu.memory_space<hbm>> -> memref<12x8x128xf32, #tpu.memory_space<hbm>>
    tpu.enqueue_dma source(%dma_start3A_15 : memref<12x8x128xf32, #tpu.memory_space<hbm>>) target(%arg6 : memref<12x8x128xf32, #tpu.memory_space<vmem>>) target_semaphore(%arg12 : memref<!tpu.dma_semaphore, #tpu.memory_space<semaphore_mem>>)
    %mul3A_16 = arith.constant 128 : i32
    %mul3A_17 = arith.muli %add3A_8, %mul3A_16 : i32
    %dma_start3A_18 = tpu.memref_slice %arg2[%mul3A_17] : memref<320000xi32, #tpu.memory_space<hbm>> -> memref<1536xi32, #tpu.memory_space<hbm>>
    %dma_start3A_19 = tpu.memref_slice %arg2[%mul3A_17] : memref<320000xi32, #tpu.memory_space<hbm>> -> memref<1536xi32, #tpu.memory_space<hbm>>
    tpu.enqueue_dma source(%dma_start3A_19 : memref<1536xi32, #tpu.memory_space<hbm>>) target(%arg8 : memref<1536xi32, #tpu.memory_space<vmem>>) target_semaphore(%arg14 : memref<!tpu.dma_semaphore, #tpu.memory_space<semaphore_mem>>)
    %dma_wait3A = arith.constant 0 : i32
    %dma_wait3A_20 = arith.constant 0 : i32
    %dma_wait3A_21 = tpu.memref_slice %arg3[%arg0, %add3A_8, %dma_wait3A, %dma_wait3A_20] : memref<2x2500x8x128xf32, #tpu.memory_space<hbm>> -> memref<1x12x8x128xf32, #tpu.memory_space<hbm>>
    %dma_wait3A_22 = tpu.memref_squeeze %dma_wait3A_21 : memref<1x12x8x128xf32, #tpu.memory_space<hbm>> -> memref<12x8x128xf32, #tpu.memory_space<hbm>>
    %dma_wait3A_23 = arith.constant 0 : i32
    %dma_wait3A_24 = arith.constant 0 : i32
    %dma_wait3A_25 = tpu.memref_slice %arg3[%arg0, %add3A_8, %dma_wait3A_23, %dma_wait3A_24] : memref<2x2500x8x128xf32, #tpu.memory_space<hbm>> -> memref<1x12x8x128xf32, #tpu.memory_space<hbm>>
    %dma_wait3A_26 = tpu.memref_squeeze %dma_wait3A_25 : memref<1x12x8x128xf32, #tpu.memory_space<hbm>> -> memref<12x8x128xf32, #tpu.memory_space<hbm>>
    tpu.wait_dma2 semaphore(%arg12 : memref<!tpu.dma_semaphore, #tpu.memory_space<semaphore_mem>>) src(%dma_wait3A_26 : memref<12x8x128xf32, #tpu.memory_space<hbm>>) dst(%arg6 : memref<12x8x128xf32, #tpu.memory_space<vmem>>)
    %dma_wait3A_27 = tpu.memref_slice %arg2[%mul3A_17] : memref<320000xi32, #tpu.memory_space<hbm>> -> memref<1536xi32, #tpu.memory_space<hbm>>
    %dma_wait3A_28 = tpu.memref_slice %arg2[%mul3A_17] : memref<320000xi32, #tpu.memory_space<hbm>> -> memref<1536xi32, #tpu.memory_space<hbm>>
    tpu.wait_dma2 semaphore(%arg14 : memref<!tpu.dma_semaphore, #tpu.memory_space<semaphore_mem>>) src(%dma_wait3A_28 : memref<1536xi32, #tpu.memory_space<hbm>>) dst(%arg8 : memref<1536xi32, #tpu.memory_space<vmem>>)
    %add3A_29 = arith.constant 12 : i32
    %add3A_30 = arith.addi %mul3A_6, %add3A_29 : i32
    %dma_start3A_31 = arith.constant 0 : i32
    %dma_start3A_32 = arith.constant 0 : i32
    %dma_start3A_33 = tpu.memref_slice %arg3[%arg0, %add3A_30, %dma_start3A_31, %dma_start3A_32] : memref<2x2500x8x128xf32, #tpu.memory_space<hbm>> -> memref<1x12x8x128xf32, #tpu.memory_space<hbm>>
    %dma_start3A_34 = tpu.memref_squeeze %dma_start3A_33 : memref<1x12x8x128xf32, #tpu.memory_space<hbm>> -> memref<12x8x128xf32, #tpu.memory_space<hbm>>
    %dma_start3A_35 = arith.constant 0 : i32
    %dma_start3A_36 = arith.constant 0 : i32
    %dma_start3A_37 = tpu.memref_slice %arg3[%arg0, %add3A_30, %dma_start3A_35, %dma_start3A_36] : memref<2x2500x8x128xf32, #tpu.memory_space<hbm>> -> memref<1x12x8x128xf32, #tpu.memory_space<hbm>>
    %dma_start3A_38 = tpu.memref_squeeze %dma_start3A_37 : memref<1x12x8x128xf32, #tpu.memory_space<hbm>> -> memref<12x8x128xf32, #tpu.memory_space<hbm>>
    tpu.enqueue_dma source(%dma_start3A_38 : memref<12x8x128xf32, #tpu.memory_space<hbm>>) target(%arg7 : memref<12x8x128xf32, #tpu.memory_space<vmem>>) target_semaphore(%arg13 : memref<!tpu.dma_semaphore, #tpu.memory_space<semaphore_mem>>)
    %mul3A_39 = arith.constant 128 : i32
    %mul3A_40 = arith.muli %add3A_30, %mul3A_39 : i32
    %dma_start3A_41 = tpu.memref_slice %arg2[%mul3A_40] : memref<320000xi32, #tpu.memory_space<hbm>> -> memref<1536xi32, #tpu.memory_space<hbm>>
    %dma_start3A_42 = tpu.memref_slice %arg2[%mul3A_40] : memref<320000xi32, #tpu.memory_space<hbm>> -> memref<1536xi32, #tpu.memory_space<hbm>>
    tpu.enqueue_dma source(%dma_start3A_42 : memref<1536xi32, #tpu.memory_space<hbm>>) target(%arg9 : memref<1536xi32, #tpu.memory_space<vmem>>) target_semaphore(%arg15 : memref<!tpu.dma_semaphore, #tpu.memory_space<semaphore_mem>>)
    %scan3A_43 = arith.constant 0 : i32
    %scan3A_44 = arith.constant 0 : i32
    %scan3A_45 = arith.constant 12 : i32
    %scan3A_46 = arith.addi %scan3A_44, %scan3A_45 : i32
    %scan3A_47 = arith.constant 1 : i32
    %scan3A_48 = scf.for %scan3A_415 = %scan3A_44 to %scan3A_46 step %scan3A_47 iter_args(%scan3A_416 = %scan3A_43) -> (i32)  : i32 {
      %scan3A_417 = arith.constant 0 : i32
      %scan3A_418 = arith.constant 0 : i32
      %scan3A_419 = arith.constant 8 : i32
      %scan3A_420 = arith.addi %scan3A_418, %scan3A_419 : i32
      %scan3A_421 = arith.constant 1 : i32
      %scan3A_422 = scf.for %scan3A_425 = %scan3A_418 to %scan3A_420 step %scan3A_421 iter_args(%scan3A_426 = %scan3A_417) -> (i32)  : i32 {
        %mul3A_427 = arith.constant 16 : i32
        %mul3A_428 = arith.muli %scan3A_425, %mul3A_427 : i32
        %mul3A_429 = arith.constant 128 : i32
        %mul3A_430 = arith.muli %scan3A_415, %mul3A_429 : i32
        %add3A_431 = arith.addi %mul3A_430, %mul3A_428 : i32
        %get3A = arith.index_cast %add3A_431 : i32 to index
        %get3A_432 = tpu.vector_load %arg8[%get3A] {strides = array<i32>} : memref<1536xi32, #tpu.memory_space<vmem>>, vector<16xi32>,
        %get3A_433 = arith.constant 0 : i32
        %get3A_434 = arith.index_cast %scan3A_415 : i32 to index
        %get3A_435 = arith.index_cast %get3A_433 : i32 to index
        %get3A_436 = arith.index_cast %mul3A_428 : i32 to index
        %get3A_437 = tpu.vector_load %arg6[%get3A_434, %get3A_435, %get3A_436] {strides = array<i32>} : memref<12x8x128xf32, #tpu.memory_space<vmem>>, vector<16xf32>,
        %broadcast_in_dim3A_438 = arith.constant 0 : i32
        %broadcast_in_dim3A_439 = vector.broadcast %broadcast_in_dim3A_438 : i32 to vector<16xi32>
        tpu.vector_store_idx %arg10[%broadcast_in_dim3A_439, %get3A_432], %get3A_437 {add = true} : memref<8x10240xf32, #tpu.memory_space<vmem>>[vector<16xi32>, vector<16xi32>], vector<16xf32>,
        %get3A_440 = arith.constant 1 : i32
        %get3A_441 = arith.index_cast %scan3A_415 : i32 to index
        %get3A_442 = arith.index_cast %get3A_440 : i32 to index
        %get3A_443 = arith.index_cast %mul3A_428 : i32 to index
        %get3A_444 = tpu.vector_load %arg6[%get3A_441, %get3A_442, %get3A_443] {strides = array<i32>} : memref<12x8x128xf32, #tpu.memory_space<vmem>>, vector<16xf32>,
        %broadcast_in_dim3A_445 = arith.constant 1 : i32
        %broadcast_in_dim3A_446 = vector.broadcast %broadcast_in_dim3A_445 : i32 to vector<16xi32>
        tpu.vector_store_idx %arg10[%broadcast_in_dim3A_446, %get3A_432], %get3A_444 {add = true} : memref<8x10240xf32, #tpu.memory_space<vmem>>[vector<16xi32>, vector<16xi32>], vector<16xf32>,
        %get3A_447 = arith.constant 2 : i32
        %get3A_448 = arith.index_cast %scan3A_415 : i32 to index
        %get3A_449 = arith.index_cast %get3A_447 : i32 to index
        %get3A_450 = arith.index_cast %mul3A_428 : i32 to index
        %get3A_451 = tpu.vector_load %arg6[%get3A_448, %get3A_449, %get3A_450] {strides = array<i32>} : memref<12x8x128xf32, #tpu.memory_space<vmem>>, vector<16xf32>,
        %broadcast_in_dim3A_452 = arith.constant 2 : i32
        %broadcast_in_dim3A_453 = vector.broadcast %broadcast_in_dim3A_452 : i32 to vector<16xi32>
        tpu.vector_store_idx %arg10[%broadcast_in_dim3A_453, %get3A_432], %get3A_451 {add = true} : memref<8x10240xf32, #tpu.memory_space<vmem>>[vector<16xi32>, vector<16xi32>], vector<16xf32>,
        %get3A_454 = arith.constant 3 : i32
        %get3A_455 = arith.index_cast %scan3A_415 : i32 to index
        %get3A_456 = arith.index_cast %get3A_454 : i32 to index
        %get3A_457 = arith.index_cast %mul3A_428 : i32 to index
        %get3A_458 = tpu.vector_load %arg6[%get3A_455, %get3A_456, %get3A_457] {strides = array<i32>} : memref<12x8x128xf32, #tpu.memory_space<vmem>>, vector<16xf32>,
        %broadcast_in_dim3A_459 = arith.constant 3 : i32
        %broadcast_in_dim3A_460 = vector.broadcast %broadcast_in_dim3A_459 : i32 to vector<16xi32>
        tpu.vector_store_idx %arg10[%broadcast_in_dim3A_460, %get3A_432], %get3A_458 {add = true} : memref<8x10240xf32, #tpu.memory_space<vmem>>[vector<16xi32>, vector<16xi32>], vector<16xf32>,
        %get3A_461 = arith.constant 4 : i32
        %get3A_462 = arith.index_cast %scan3A_415 : i32 to index
        %get3A_463 = arith.index_cast %get3A_461 : i32 to index
        %get3A_464 = arith.index_cast %mul3A_428 : i32 to index
        %get3A_465 = tpu.vector_load %arg6[%get3A_462, %get3A_463, %get3A_464] {strides = array<i32>} : memref<12x8x128xf32, #tpu.memory_space<vmem>>, vector<16xf32>,
        %broadcast_in_dim3A_466 = arith.constant 4 : i32
        %broadcast_in_dim3A_467 = vector.broadcast %broadcast_in_dim3A_466 : i32 to vector<16xi32>
        tpu.vector_store_idx %arg10[%broadcast_in_dim3A_467, %get3A_432], %get3A_465 {add = true} : memref<8x10240xf32, #tpu.memory_space<vmem>>[vector<16xi32>, vector<16xi32>], vector<16xf32>,
        %get3A_468 = arith.constant 5 : i32
        %get3A_469 = arith.index_cast %scan3A_415 : i32 to index
        %get3A_470 = arith.index_cast %get3A_468 : i32 to index
        %get3A_471 = arith.index_cast %mul3A_428 : i32 to index
        %get3A_472 = tpu.vector_load %arg6[%get3A_469, %get3A_470, %get3A_471] {strides = array<i32>} : memref<12x8x128xf32, #tpu.memory_space<vmem>>, vector<16xf32>,
        %broadcast_in_dim3A_473 = arith.constant 5 : i32
        %broadcast_in_dim3A_474 = vector.broadcast %broadcast_in_dim3A_473 : i32 to vector<16xi32>
        tpu.vector_store_idx %arg10[%broadcast_in_dim3A_474, %get3A_432], %get3A_472 {add = true} : memref<8x10240xf32, #tpu.memory_space<vmem>>[vector<16xi32>, vector<16xi32>], vector<16xf32>,
        %get3A_475 = arith.constant 6 : i32
        %get3A_476 = arith.index_cast %scan3A_415 : i32 to index
        %get3A_477 = arith.index_cast %get3A_475 : i32 to index
        %get3A_478 = arith.index_cast %mul3A_428 : i32 to index
        %get3A_479 = tpu.vector_load %arg6[%get3A_476, %get3A_477, %get3A_478] {strides = array<i32>} : memref<12x8x128xf32, #tpu.memory_space<vmem>>, vector<16xf32>,
        %broadcast_in_dim3A_480 = arith.constant 6 : i32
        %broadcast_in_dim3A_481 = vector.broadcast %broadcast_in_dim3A_480 : i32 to vector<16xi32>
        tpu.vector_store_idx %arg10[%broadcast_in_dim3A_481, %get3A_432], %get3A_479 {add = true} : memref<8x10240xf32, #tpu.memory_space<vmem>>[vector<16xi32>, vector<16xi32>], vector<16xf32>,
        %get3A_482 = arith.constant 7 : i32
        %get3A_483 = arith.index_cast %scan3A_415 : i32 to index
        %get3A_484 = arith.index_cast %get3A_482 : i32 to index
        %get3A_485 = arith.index_cast %mul3A_428 : i32 to index
        %get3A_486 = tpu.vector_load %arg6[%get3A_483, %get3A_484, %get3A_485] {strides = array<i32>} : memref<12x8x128xf32, #tpu.memory_space<vmem>>, vector<16xf32>,
        %broadcast_in_dim3A_487 = arith.constant 7 : i32
        %broadcast_in_dim3A_488 = vector.broadcast %broadcast_in_dim3A_487 : i32 to vector<16xi32>
        tpu.vector_store_idx %arg10[%broadcast_in_dim3A_488, %get3A_432], %get3A_486 {add = true} : memref<8x10240xf32, #tpu.memory_space<vmem>>[vector<16xi32>, vector<16xi32>], vector<16xf32>,
        tpu.vector_store_idx %arg11[%get3A_432], %broadcast_in_dim3A_7 {add = true} : memref<10240xf32, #tpu.memory_space<vmem>>[vector<16xi32>], vector<16xf32>,
        %scan3A_489 = arith.constant 0 : i32
        scf.yield %scan3A_489 : i32
      }
      %scan3A_423 = arith.constant 8 : i32
      %scan3A_424 = arith.constant 0 : i32
      scf.yield %scan3A_424 : i32
    }
    %scan3A_49 = arith.constant 12 : i32
    %dma_wait3A_50 = arith.constant 0 : i32
    %dma_wait3A_51 = arith.constant 0 : i32
    %dma_wait3A_52 = tpu.memref_slice %arg3[%arg0, %add3A_30, %dma_wait3A_50, %dma_wait3A_51] : memref<2x2500x8x128xf32, #tpu.memory_space<hbm>> -> memref<1x12x8x128xf32, #tpu.memory_space<hbm>>
    %dma_wait3A_53 = tpu.memref_squeeze %dma_wait3A_52 : memref<1x12x8x128xf32, #tpu.memory_space<hbm>> -> memref<12x8x128xf32, #tpu.memory_space<hbm>>
    %dma_wait3A_54 = arith.constant 0 : i32
    %dma_wait3A_55 = arith.constant 0 : i32
    %dma_wait3A_56 = tpu.memref_slice %arg3[%arg0, %add3A_30, %dma_wait3A_54, %dma_wait3A_55] : memref<2x2500x8x128xf32, #tpu.memory_space<hbm>> -> memref<1x12x8x128xf32, #tpu.memory_space<hbm>>
    %dma_wait3A_57 = tpu.memref_squeeze %dma_wait3A_56 : memref<1x12x8x128xf32, #tpu.memory_space<hbm>> -> memref<12x8x128xf32, #tpu.memory_space<hbm>>
    tpu.wait_dma2 semaphore(%arg13 : memref<!tpu.dma_semaphore, #tpu.memory_space<semaphore_mem>>) src(%dma_wait3A_57 : memref<12x8x128xf32, #tpu.memory_space<hbm>>) dst(%arg7 : memref<12x8x128xf32, #tpu.memory_space<vmem>>)
    %dma_wait3A_58 = tpu.memref_slice %arg2[%mul3A_40] : memref<320000xi32, #tpu.memory_space<hbm>> -> memref<1536xi32, #tpu.memory_space<hbm>>
    %dma_wait3A_59 = tpu.memref_slice %arg2[%mul3A_40] : memref<320000xi32, #tpu.memory_space<hbm>> -> memref<1536xi32, #tpu.memory_space<hbm>>
    tpu.wait_dma2 semaphore(%arg15 : memref<!tpu.dma_semaphore, #tpu.memory_space<semaphore_mem>>) src(%dma_wait3A_59 : memref<1536xi32, #tpu.memory_space<hbm>>) dst(%arg9 : memref<1536xi32, #tpu.memory_space<vmem>>)
    %add3A_60 = arith.constant 24 : i32
    %add3A_61 = arith.addi %mul3A_6, %add3A_60 : i32
    %dma_start3A_62 = arith.constant 0 : i32
    %dma_start3A_63 = arith.constant 0 : i32
    %dma_start3A_64 = tpu.memref_slice %arg3[%arg0, %add3A_61, %dma_start3A_62, %dma_start3A_63] : memref<2x2500x8x128xf32, #tpu.memory_space<hbm>> -> memref<1x12x8x128xf32, #tpu.memory_space<hbm>>
    %dma_start3A_65 = tpu.memref_squeeze %dma_start3A_64 : memref<1x12x8x128xf32, #tpu.memory_space<hbm>> -> memref<12x8x128xf32, #tpu.memory_space<hbm>>
    %dma_start3A_66 = arith.constant 0 : i32
    %dma_start3A_67 = arith.constant 0 : i32
    %dma_start3A_68 = tpu.memref_slice %arg3[%arg0, %add3A_61, %dma_start3A_66, %dma_start3A_67] : memref<2x2500x8x128xf32, #tpu.memory_space<hbm>> -> memref<1x12x8x128xf32, #tpu.memory_space<hbm>>
    %dma_start3A_69 = tpu.memref_squeeze %dma_start3A_68 : memref<1x12x8x128xf32, #tpu.memory_space<hbm>> -> memref<12x8x128xf32, #tpu.memory_space<hbm>>
    tpu.enqueue_dma source(%dma_start3A_69 : memref<12x8x128xf32, #tpu.memory_space<hbm>>) target(%arg6 : memref<12x8x128xf32, #tpu.memory_space<vmem>>) target_semaphore(%arg12 : memref<!tpu.dma_semaphore, #tpu.memory_space<semaphore_mem>>)
    %mul3A_70 = arith.constant 128 : i32
    %mul3A_71 = arith.muli %add3A_61, %mul3A_70 : i32
    %dma_start3A_72 = tpu.memref_slice %arg2[%mul3A_71] : memref<320000xi32, #tpu.memory_space<hbm>> -> memref<1536xi32, #tpu.memory_space<hbm>>
    %dma_start3A_73 = tpu.memref_slice %arg2[%mul3A_71] : memref<320000xi32, #tpu.memory_space<hbm>> -> memref<1536xi32, #tpu.memory_space<hbm>>
    tpu.enqueue_dma source(%dma_start3A_73 : memref<1536xi32, #tpu.memory_space<hbm>>) target(%arg8 : memref<1536xi32, #tpu.memory_space<vmem>>) target_semaphore(%arg14 : memref<!tpu.dma_semaphore, #tpu.memory_space<semaphore_mem>>)
    %scan3A_74 = arith.constant 0 : i32
    %scan3A_75 = arith.constant 0 : i32
    %scan3A_76 = arith.constant 12 : i32
    %scan3A_77 = arith.addi %scan3A_75, %scan3A_76 : i32
    %scan3A_78 = arith.constant 1 : i32
    %scan3A_79 = scf.for %scan3A_415 = %scan3A_75 to %scan3A_77 step %scan3A_78 iter_args(%scan3A_416 = %scan3A_74) -> (i32)  : i32 {
      %scan3A_417 = arith.constant 0 : i32
      %scan3A_418 = arith.constant 0 : i32
      %scan3A_419 = arith.constant 8 : i32
      %scan3A_420 = arith.addi %scan3A_418, %scan3A_419 : i32
      %scan3A_421 = arith.constant 1 : i32
      %scan3A_422 = scf.for %scan3A_425 = %scan3A_418 to %scan3A_420 step %scan3A_421 iter_args(%scan3A_426 = %scan3A_417) -> (i32)  : i32 {
        %mul3A_427 = arith.constant 16 : i32
        %mul3A_428 = arith.muli %scan3A_425, %mul3A_427 : i32
        %mul3A_429 = arith.constant 128 : i32
        %mul3A_430 = arith.muli %scan3A_415, %mul3A_429 : i32
        %add3A_431 = arith.addi %mul3A_430, %mul3A_428 : i32
        %get3A = arith.index_cast %add3A_431 : i32 to index
        %get3A_432 = tpu.vector_load %arg9[%get3A] {strides = array<i32>} : memref<1536xi32, #tpu.memory_space<vmem>>, vector<16xi32>,
        %get3A_433 = arith.constant 0 : i32
        %get3A_434 = arith.index_cast %scan3A_415 : i32 to index
        %get3A_435 = arith.index_cast %get3A_433 : i32 to index
        %get3A_436 = arith.index_cast %mul3A_428 : i32 to index
        %get3A_437 = tpu.vector_load %arg7[%get3A_434, %get3A_435, %get3A_436] {strides = array<i32>} : memref<12x8x128xf32, #tpu.memory_space<vmem>>, vector<16xf32>,
        %broadcast_in_dim3A_438 = arith.constant 0 : i32
        %broadcast_in_dim3A_439 = vector.broadcast %broadcast_in_dim3A_438 : i32 to vector<16xi32>
        tpu.vector_store_idx %arg10[%broadcast_in_dim3A_439, %get3A_432], %get3A_437 {add = true} : memref<8x10240xf32, #tpu.memory_space<vmem>>[vector<16xi32>, vector<16xi32>], vector<16xf32>,
        %get3A_440 = arith.constant 1 : i32
        %get3A_441 = arith.index_cast %scan3A_415 : i32 to index
        %get3A_442 = arith.index_cast %get3A_440 : i32 to index
        %get3A_443 = arith.index_cast %mul3A_428 : i32 to index
        %get3A_444 = tpu.vector_load %arg7[%get3A_441, %get3A_442, %get3A_443] {strides = array<i32>} : memref<12x8x128xf32, #tpu.memory_space<vmem>>, vector<16xf32>,
        %broadcast_in_dim3A_445 = arith.constant 1 : i32
        %broadcast_in_dim3A_446 = vector.broadcast %broadcast_in_dim3A_445 : i32 to vector<16xi32>
        tpu.vector_store_idx %arg10[%broadcast_in_dim3A_446, %get3A_432], %get3A_444 {add = true} : memref<8x10240xf32, #tpu.memory_space<vmem>>[vector<16xi32>, vector<16xi32>], vector<16xf32>,
        %get3A_447 = arith.constant 2 : i32
        %get3A_448 = arith.index_cast %scan3A_415 : i32 to index
        %get3A_449 = arith.index_cast %get3A_447 : i32 to index
        %get3A_450 = arith.index_cast %mul3A_428 : i32 to index
        %get3A_451 = tpu.vector_load %arg7[%get3A_448, %get3A_449, %get3A_450] {strides = array<i32>} : memref<12x8x128xf32, #tpu.memory_space<vmem>>, vector<16xf32>,
        %broadcast_in_dim3A_452 = arith.constant 2 : i32
        %broadcast_in_dim3A_453 = vector.broadcast %broadcast_in_dim3A_452 : i32 to vector<16xi32>
        tpu.vector_store_idx %arg10[%broadcast_in_dim3A_453, %get3A_432], %get3A_451 {add = true} : memref<8x10240xf32, #tpu.memory_space<vmem>>[vector<16xi32>, vector<16xi32>], vector<16xf32>,
        %get3A_454 = arith.constant 3 : i32
        %get3A_455 = arith.index_cast %scan3A_415 : i32 to index
        %get3A_456 = arith.index_cast %get3A_454 : i32 to index
        %get3A_457 = arith.index_cast %mul3A_428 : i32 to index
        %get3A_458 = tpu.vector_load %arg7[%get3A_455, %get3A_456, %get3A_457] {strides = array<i32>} : memref<12x8x128xf32, #tpu.memory_space<vmem>>, vector<16xf32>,
        %broadcast_in_dim3A_459 = arith.constant 3 : i32
        %broadcast_in_dim3A_460 = vector.broadcast %broadcast_in_dim3A_459 : i32 to vector<16xi32>
        tpu.vector_store_idx %arg10[%broadcast_in_dim3A_460, %get3A_432], %get3A_458 {add = true} : memref<8x10240xf32, #tpu.memory_space<vmem>>[vector<16xi32>, vector<16xi32>], vector<16xf32>,
        %get3A_461 = arith.constant 4 : i32
        %get3A_462 = arith.index_cast %scan3A_415 : i32 to index
        %get3A_463 = arith.index_cast %get3A_461 : i32 to index
        %get3A_464 = arith.index_cast %mul3A_428 : i32 to index
        %get3A_465 = tpu.vector_load %arg7[%get3A_462, %get3A_463, %get3A_464] {strides = array<i32>} : memref<12x8x128xf32, #tpu.memory_space<vmem>>, vector<16xf32>,
        %broadcast_in_dim3A_466 = arith.constant 4 : i32
        %broadcast_in_dim3A_467 = vector.broadcast %broadcast_in_dim3A_466 : i32 to vector<16xi32>
        tpu.vector_store_idx %arg10[%broadcast_in_dim3A_467, %get3A_432], %get3A_465 {add = true} : memref<8x10240xf32, #tpu.memory_space<vmem>>[vector<16xi32>, vector<16xi32>], vector<16xf32>,
        %get3A_468 = arith.constant 5 : i32
        %get3A_469 = arith.index_cast %scan3A_415 : i32 to index
        %get3A_470 = arith.index_cast %get3A_468 : i32 to index
        %get3A_471 = arith.index_cast %mul3A_428 : i32 to index
        %get3A_472 = tpu.vector_load %arg7[%get3A_469, %get3A_470, %get3A_471] {strides = array<i32>} : memref<12x8x128xf32, #tpu.memory_space<vmem>>, vector<16xf32>,
        %broadcast_in_dim3A_473 = arith.constant 5 : i32
        %broadcast_in_dim3A_474 = vector.broadcast %broadcast_in_dim3A_473 : i32 to vector<16xi32>
        tpu.vector_store_idx %arg10[%broadcast_in_dim3A_474, %get3A_432], %get3A_472 {add = true} : memref<8x10240xf32, #tpu.memory_space<vmem>>[vector<16xi32>, vector<16xi32>], vector<16xf32>,
        %get3A_475 = arith.constant 6 : i32
        %get3A_476 = arith.index_cast %scan3A_415 : i32 to index
        %get3A_477 = arith.index_cast %get3A_475 : i32 to index
        %get3A_478 = arith.index_cast %mul3A_428 : i32 to index
        %get3A_479 = tpu.vector_load %arg7[%get3A_476, %get3A_477, %get3A_478] {strides = array<i32>} : memref<12x8x128xf32, #tpu.memory_space<vmem>>, vector<16xf32>,
        %broadcast_in_dim3A_480 = arith.constant 6 : i32
        %broadcast_in_dim3A_481 = vector.broadcast %broadcast_in_dim3A_480 : i32 to vector<16xi32>
        tpu.vector_store_idx %arg10[%broadcast_in_dim3A_481, %get3A_432], %get3A_479 {add = true} : memref<8x10240xf32, #tpu.memory_space<vmem>>[vector<16xi32>, vector<16xi32>], vector<16xf32>,
        %get3A_482 = arith.constant 7 : i32
        %get3A_483 = arith.index_cast %scan3A_415 : i32 to index
        %get3A_484 = arith.index_cast %get3A_482 : i32 to index
        %get3A_485 = arith.index_cast %mul3A_428 : i32 to index
        %get3A_486 = tpu.vector_load %arg7[%get3A_483, %get3A_484, %get3A_485] {strides = array<i32>} : memref<12x8x128xf32, #tpu.memory_space<vmem>>, vector<16xf32>,
        %broadcast_in_dim3A_487 = arith.constant 7 : i32
        %broadcast_in_dim3A_488 = vector.broadcast %broadcast_in_dim3A_487 : i32 to vector<16xi32>
        tpu.vector_store_idx %arg10[%broadcast_in_dim3A_488, %get3A_432], %get3A_486 {add = true} : memref<8x10240xf32, #tpu.memory_space<vmem>>[vector<16xi32>, vector<16xi32>], vector<16xf32>,
        tpu.vector_store_idx %arg11[%get3A_432], %broadcast_in_dim3A_7 {add = true} : memref<10240xf32, #tpu.memory_space<vmem>>[vector<16xi32>], vector<16xf32>,
        %scan3A_489 = arith.constant 0 : i32
        scf.yield %scan3A_489 : i32
      }
      %scan3A_423 = arith.constant 8 : i32
      %scan3A_424 = arith.constant 0 : i32
      scf.yield %scan3A_424 : i32
    }
    %scan3A_80 = arith.constant 12 : i32
    %dma_wait3A_81 = arith.constant 0 : i32
    %dma_wait3A_82 = arith.constant 0 : i32
    %dma_wait3A_83 = tpu.memref_slice %arg3[%arg0, %add3A_61, %dma_wait3A_81, %dma_wait3A_82] : memref<2x2500x8x128xf32, #tpu.memory_space<hbm>> -> memref<1x12x8x128xf32, #tpu.memory_space<hbm>>
    %dma_wait3A_84 = tpu.memref_squeeze %dma_wait3A_83 : memref<1x12x8x128xf32, #tpu.memory_space<hbm>> -> memref<12x8x128xf32, #tpu.memory_space<hbm>>
    %dma_wait3A_85 = arith.constant 0 : i32
    %dma_wait3A_86 = arith.constant 0 : i32
    %dma_wait3A_87 = tpu.memref_slice %arg3[%arg0, %add3A_61, %dma_wait3A_85, %dma_wait3A_86] : memref<2x2500x8x128xf32, #tpu.memory_space<hbm>> -> memref<1x12x8x128xf32, #tpu.memory_space<hbm>>
    %dma_wait3A_88 = tpu.memref_squeeze %dma_wait3A_87 : memref<1x12x8x128xf32, #tpu.memory_space<hbm>> -> memref<12x8x128xf32, #tpu.memory_space<hbm>>
    tpu.wait_dma2 semaphore(%arg12 : memref<!tpu.dma_semaphore, #tpu.memory_space<semaphore_mem>>) src(%dma_wait3A_88 : memref<12x8x128xf32, #tpu.memory_space<hbm>>) dst(%arg6 : memref<12x8x128xf32, #tpu.memory_space<vmem>>)
    %dma_wait3A_89 = tpu.memref_slice %arg2[%mul3A_71] : memref<320000xi32, #tpu.memory_space<hbm>> -> memref<1536xi32, #tpu.memory_space<hbm>>
    %dma_wait3A_90 = tpu.memref_slice %arg2[%mul3A_71] : memref<320000xi32, #tpu.memory_space<hbm>> -> memref<1536xi32, #tpu.memory_space<hbm>>
    tpu.wait_dma2 semaphore(%arg14 : memref<!tpu.dma_semaphore, #tpu.memory_space<semaphore_mem>>) src(%dma_wait3A_90 : memref<1536xi32, #tpu.memory_space<hbm>>) dst(%arg8 : memref<1536xi32, #tpu.memory_space<vmem>>)
    %add3A_91 = arith.constant 36 : i32
    %add3A_92 = arith.addi %mul3A_6, %add3A_91 : i32
    %dma_start3A_93 = arith.constant 0 : i32
    %dma_start3A_94 = arith.constant 0 : i32
    %dma_start3A_95 = tpu.memref_slice %arg3[%arg0, %add3A_92, %dma_start3A_93, %dma_start3A_94] : memref<2x2500x8x128xf32, #tpu.memory_space<hbm>> -> memref<1x12x8x128xf32, #tpu.memory_space<hbm>>
    %dma_start3A_96 = tpu.memref_squeeze %dma_start3A_95 : memref<1x12x8x128xf32, #tpu.memory_space<hbm>> -> memref<12x8x128xf32, #tpu.memory_space<hbm>>
    %dma_start3A_97 = arith.constant 0 : i32
    %dma_start3A_98 = arith.constant 0 : i32
    %dma_start3A_99 = tpu.memref_slice %arg3[%arg0, %add3A_92, %dma_start3A_97, %dma_start3A_98] : memref<2x2500x8x128xf32, #tpu.memory_space<hbm>> -> memref<1x12x8x128xf32, #tpu.memory_space<hbm>>
    %dma_start3A_100 = tpu.memref_squeeze %dma_start3A_99 : memref<1x12x8x128xf32, #tpu.memory_space<hbm>> -> memref<12x8x128xf32, #tpu.memory_space<hbm>>
    tpu.enqueue_dma source(%dma_start3A_100 : memref<12x8x128xf32, #tpu.memory_space<hbm>>) target(%arg7 : memref<12x8x128xf32, #tpu.memory_space<vmem>>) target_semaphore(%arg13 : memref<!tpu.dma_semaphore, #tpu.memory_space<semaphore_mem>>)
    %mul3A_101 = arith.constant 128 : i32
    %mul3A_102 = arith.muli %add3A_92, %mul3A_101 : i32
    %dma_start3A_103 = tpu.memref_slice %arg2[%mul3A_102] : memref<320000xi32, #tpu.memory_space<hbm>> -> memref<1536xi32, #tpu.memory_space<hbm>>
    %dma_start3A_104 = tpu.memref_slice %arg2[%mul3A_102] : memref<320000xi32, #tpu.memory_space<hbm>> -> memref<1536xi32, #tpu.memory_space<hbm>>
    tpu.enqueue_dma source(%dma_start3A_104 : memref<1536xi32, #tpu.memory_space<hbm>>) target(%arg9 : memref<1536xi32, #tpu.memory_space<vmem>>) target_semaphore(%arg15 : memref<!tpu.dma_semaphore, #tpu.memory_space<semaphore_mem>>)
    %scan3A_105 = arith.constant 0 : i32
    %scan3A_106 = arith.constant 0 : i32
    %scan3A_107 = arith.constant 12 : i32
    %scan3A_108 = arith.addi %scan3A_106, %scan3A_107 : i32
    %scan3A_109 = arith.constant 1 : i32
    %scan3A_110 = scf.for %scan3A_415 = %scan3A_106 to %scan3A_108 step %scan3A_109 iter_args(%scan3A_416 = %scan3A_105) -> (i32)  : i32 {
      %scan3A_417 = arith.constant 0 : i32
      %scan3A_418 = arith.constant 0 : i32
      %scan3A_419 = arith.constant 8 : i32
      %scan3A_420 = arith.addi %scan3A_418, %scan3A_419 : i32
      %scan3A_421 = arith.constant 1 : i32
      %scan3A_422 = scf.for %scan3A_425 = %scan3A_418 to %scan3A_420 step %scan3A_421 iter_args(%scan3A_426 = %scan3A_417) -> (i32)  : i32 {
        %mul3A_427 = arith.constant 16 : i32
        %mul3A_428 = arith.muli %scan3A_425, %mul3A_427 : i32
        %mul3A_429 = arith.constant 128 : i32
        %mul3A_430 = arith.muli %scan3A_415, %mul3A_429 : i32
        %add3A_431 = arith.addi %mul3A_430, %mul3A_428 : i32
        %get3A = arith.index_cast %add3A_431 : i32 to index
        %get3A_432 = tpu.vector_load %arg8[%get3A] {strides = array<i32>} : memref<1536xi32, #tpu.memory_space<vmem>>, vector<16xi32>,
        %get3A_433 = arith.constant 0 : i32
        %get3A_434 = arith.index_cast %scan3A_415 : i32 to index
        %get3A_435 = arith.index_cast %get3A_433 : i32 to index
        %get3A_436 = arith.index_cast %mul3A_428 : i32 to index
        %get3A_437 = tpu.vector_load %arg6[%get3A_434, %get3A_435, %get3A_436] {strides = array<i32>} : memref<12x8x128xf32, #tpu.memory_space<vmem>>, vector<16xf32>,
        %broadcast_in_dim3A_438 = arith.constant 0 : i32
        %broadcast_in_dim3A_439 = vector.broadcast %broadcast_in_dim3A_438 : i32 to vector<16xi32>
        tpu.vector_store_idx %arg10[%broadcast_in_dim3A_439, %get3A_432], %get3A_437 {add = true} : memref<8x10240xf32, #tpu.memory_space<vmem>>[vector<16xi32>, vector<16xi32>], vector<16xf32>,
        %get3A_440 = arith.constant 1 : i32
        %get3A_441 = arith.index_cast %scan3A_415 : i32 to index
        %get3A_442 = arith.index_cast %get3A_440 : i32 to index
        %get3A_443 = arith.index_cast %mul3A_428 : i32 to index
        %get3A_444 = tpu.vector_load %arg6[%get3A_441, %get3A_442, %get3A_443] {strides = array<i32>} : memref<12x8x128xf32, #tpu.memory_space<vmem>>, vector<16xf32>,
        %broadcast_in_dim3A_445 = arith.constant 1 : i32
        %broadcast_in_dim3A_446 = vector.broadcast %broadcast_in_dim3A_445 : i32 to vector<16xi32>
        tpu.vector_store_idx %arg10[%broadcast_in_dim3A_446, %get3A_432], %get3A_444 {add = true} : memref<8x10240xf32, #tpu.memory_space<vmem>>[vector<16xi32>, vector<16xi32>], vector<16xf32>,
        %get3A_447 = arith.constant 2 : i32
        %get3A_448 = arith.index_cast %scan3A_415 : i32 to index
        %get3A_449 = arith.index_cast %get3A_447 : i32 to index
        %get3A_450 = arith.index_cast %mul3A_428 : i32 to index
        %get3A_451 = tpu.vector_load %arg6[%get3A_448, %get3A_449, %get3A_450] {strides = array<i32>} : memref<12x8x128xf32, #tpu.memory_space<vmem>>, vector<16xf32>,
        %broadcast_in_dim3A_452 = arith.constant 2 : i32
        %broadcast_in_dim3A_453 = vector.broadcast %broadcast_in_dim3A_452 : i32 to vector<16xi32>
        tpu.vector_store_idx %arg10[%broadcast_in_dim3A_453, %get3A_432], %get3A_451 {add = true} : memref<8x10240xf32, #tpu.memory_space<vmem>>[vector<16xi32>, vector<16xi32>], vector<16xf32>,
        %get3A_454 = arith.constant 3 : i32
        %get3A_455 = arith.index_cast %scan3A_415 : i32 to index
        %get3A_456 = arith.index_cast %get3A_454 : i32 to index
        %get3A_457 = arith.index_cast %mul3A_428 : i32 to index
        %get3A_458 = tpu.vector_load %arg6[%get3A_455, %get3A_456, %get3A_457] {strides = array<i32>} : memref<12x8x128xf32, #tpu.memory_space<vmem>>, vector<16xf32>,
        %broadcast_in_dim3A_459 = arith.constant 3 : i32
        %broadcast_in_dim3A_460 = vector.broadcast %broadcast_in_dim3A_459 : i32 to vector<16xi32>
        tpu.vector_store_idx %arg10[%broadcast_in_dim3A_460, %get3A_432], %get3A_458 {add = true} : memref<8x10240xf32, #tpu.memory_space<vmem>>[vector<16xi32>, vector<16xi32>], vector<16xf32>,
        %get3A_461 = arith.constant 4 : i32
        %get3A_462 = arith.index_cast %scan3A_415 : i32 to index
        %get3A_463 = arith.index_cast %get3A_461 : i32 to index
        %get3A_464 = arith.index_cast %mul3A_428 : i32 to index
        %get3A_465 = tpu.vector_load %arg6[%get3A_462, %get3A_463, %get3A_464] {strides = array<i32>} : memref<12x8x128xf32, #tpu.memory_space<vmem>>, vector<16xf32>,
        %broadcast_in_dim3A_466 = arith.constant 4 : i32
        %broadcast_in_dim3A_467 = vector.broadcast %broadcast_in_dim3A_466 : i32 to vector<16xi32>
        tpu.vector_store_idx %arg10[%broadcast_in_dim3A_467, %get3A_432], %get3A_465 {add = true} : memref<8x10240xf32, #tpu.memory_space<vmem>>[vector<16xi32>, vector<16xi32>], vector<16xf32>,
        %get3A_468 = arith.constant 5 : i32
        %get3A_469 = arith.index_cast %scan3A_415 : i32 to index
        %get3A_470 = arith.index_cast %get3A_468 : i32 to index
        %get3A_471 = arith.index_cast %mul3A_428 : i32 to index
        %get3A_472 = tpu.vector_load %arg6[%get3A_469, %get3A_470, %get3A_471] {strides = array<i32>} : memref<12x8x128xf32, #tpu.memory_space<vmem>>, vector<16xf32>,
        %broadcast_in_dim3A_473 = arith.constant 5 : i32
        %broadcast_in_dim3A_474 = vector.broadcast %broadcast_in_dim3A_473 : i32 to vector<16xi32>
        tpu.vector_store_idx %arg10[%broadcast_in_dim3A_474, %get3A_432], %get3A_472 {add = true} : memref<8x10240xf32, #tpu.memory_space<vmem>>[vector<16xi32>, vector<16xi32>], vector<16xf32>,
        %get3A_475 = arith.constant 6 : i32
        %get3A_476 = arith.index_cast %scan3A_415 : i32 to index
        %get3A_477 = arith.index_cast %get3A_475 : i32 to index
        %get3A_478 = arith.index_cast %mul3A_428 : i32 to index
        %get3A_479 = tpu.vector_load %arg6[%get3A_476, %get3A_477, %get3A_478] {strides = array<i32>} : memref<12x8x128xf32, #tpu.memory_space<vmem>>, vector<16xf32>,
        %broadcast_in_dim3A_480 = arith.constant 6 : i32
        %broadcast_in_dim3A_481 = vector.broadcast %broadcast_in_dim3A_480 : i32 to vector<16xi32>
        tpu.vector_store_idx %arg10[%broadcast_in_dim3A_481, %get3A_432], %get3A_479 {add = true} : memref<8x10240xf32, #tpu.memory_space<vmem>>[vector<16xi32>, vector<16xi32>], vector<16xf32>,
        %get3A_482 = arith.constant 7 : i32
        %get3A_483 = arith.index_cast %scan3A_415 : i32 to index
        %get3A_484 = arith.index_cast %get3A_482 : i32 to index
        %get3A_485 = arith.index_cast %mul3A_428 : i32 to index
        %get3A_486 = tpu.vector_load %arg6[%get3A_483, %get3A_484, %get3A_485] {strides = array<i32>} : memref<12x8x128xf32, #tpu.memory_space<vmem>>, vector<16xf32>,
        %broadcast_in_dim3A_487 = arith.constant 7 : i32
        %broadcast_in_dim3A_488 = vector.broadcast %broadcast_in_dim3A_487 : i32 to vector<16xi32>
        tpu.vector_store_idx %arg10[%broadcast_in_dim3A_488, %get3A_432], %get3A_486 {add = true} : memref<8x10240xf32, #tpu.memory_space<vmem>>[vector<16xi32>, vector<16xi32>], vector<16xf32>,
        tpu.vector_store_idx %arg11[%get3A_432], %broadcast_in_dim3A_7 {add = true} : memref<10240xf32, #tpu.memory_space<vmem>>[vector<16xi32>], vector<16xf32>,
        %scan3A_489 = arith.constant 0 : i32
        scf.yield %scan3A_489 : i32
      }
      %scan3A_423 = arith.constant 8 : i32
      %scan3A_424 = arith.constant 0 : i32
      scf.yield %scan3A_424 : i32
    }
    %scan3A_111 = arith.constant 12 : i32
    %dma_wait3A_112 = arith.constant 0 : i32
    %dma_wait3A_113 = arith.constant 0 : i32
    %dma_wait3A_114 = tpu.memref_slice %arg3[%arg0, %add3A_92, %dma_wait3A_112, %dma_wait3A_113] : memref<2x2500x8x128xf32, #tpu.memory_space<hbm>> -> memref<1x12x8x128xf32, #tpu.memory_space<hbm>>
    %dma_wait3A_115 = tpu.memref_squeeze %dma_wait3A_114 : memref<1x12x8x128xf32, #tpu.memory_space<hbm>> -> memref<12x8x128xf32, #tpu.memory_space<hbm>>
    %dma_wait3A_116 = arith.constant 0 : i32
    %dma_wait3A_117 = arith.constant 0 : i32
    %dma_wait3A_118 = tpu.memref_slice %arg3[%arg0, %add3A_92, %dma_wait3A_116, %dma_wait3A_117] : memref<2x2500x8x128xf32, #tpu.memory_space<hbm>> -> memref<1x12x8x128xf32, #tpu.memory_space<hbm>>
    %dma_wait3A_119 = tpu.memref_squeeze %dma_wait3A_118 : memref<1x12x8x128xf32, #tpu.memory_space<hbm>> -> memref<12x8x128xf32, #tpu.memory_space<hbm>>
    tpu.wait_dma2 semaphore(%arg13 : memref<!tpu.dma_semaphore, #tpu.memory_space<semaphore_mem>>) src(%dma_wait3A_119 : memref<12x8x128xf32, #tpu.memory_space<hbm>>) dst(%arg7 : memref<12x8x128xf32, #tpu.memory_space<vmem>>)
    %dma_wait3A_120 = tpu.memref_slice %arg2[%mul3A_102] : memref<320000xi32, #tpu.memory_space<hbm>> -> memref<1536xi32, #tpu.memory_space<hbm>>
    %dma_wait3A_121 = tpu.memref_slice %arg2[%mul3A_102] : memref<320000xi32, #tpu.memory_space<hbm>> -> memref<1536xi32, #tpu.memory_space<hbm>>
    tpu.wait_dma2 semaphore(%arg15 : memref<!tpu.dma_semaphore, #tpu.memory_space<semaphore_mem>>) src(%dma_wait3A_121 : memref<1536xi32, #tpu.memory_space<hbm>>) dst(%arg9 : memref<1536xi32, #tpu.memory_space<vmem>>)
    %add3A_122 = arith.constant 48 : i32
    %add3A_123 = arith.addi %mul3A_6, %add3A_122 : i32
    %dma_start3A_124 = arith.constant 0 : i32
    %dma_start3A_125 = arith.constant 0 : i32
    %dma_start3A_126 = tpu.memref_slice %arg3[%arg0, %add3A_123, %dma_start3A_124, %dma_start3A_125] : memref<2x2500x8x128xf32, #tpu.memory_space<hbm>> -> memref<1x12x8x128xf32, #tpu.memory_space<hbm>>
    %dma_start3A_127 = tpu.memref_squeeze %dma_start3A_126 : memref<1x12x8x128xf32, #tpu.memory_space<hbm>> -> memref<12x8x128xf32, #tpu.memory_space<hbm>>
    %dma_start3A_128 = arith.constant 0 : i32
    %dma_start3A_129 = arith.constant 0 : i32
    %dma_start3A_130 = tpu.memref_slice %arg3[%arg0, %add3A_123, %dma_start3A_128, %dma_start3A_129] : memref<2x2500x8x128xf32, #tpu.memory_space<hbm>> -> memref<1x12x8x128xf32, #tpu.memory_space<hbm>>
    %dma_start3A_131 = tpu.memref_squeeze %dma_start3A_130 : memref<1x12x8x128xf32, #tpu.memory_space<hbm>> -> memref<12x8x128xf32, #tpu.memory_space<hbm>>
    tpu.enqueue_dma source(%dma_start3A_131 : memref<12x8x128xf32, #tpu.memory_space<hbm>>) target(%arg6 : memref<12x8x128xf32, #tpu.memory_space<vmem>>) target_semaphore(%arg12 : memref<!tpu.dma_semaphore, #tpu.memory_space<semaphore_mem>>)
    %mul3A_132 = arith.constant 128 : i32
    %mul3A_133 = arith.muli %add3A_123, %mul3A_132 : i32
    %dma_start3A_134 = tpu.memref_slice %arg2[%mul3A_133] : memref<320000xi32, #tpu.memory_space<hbm>> -> memref<1536xi32, #tpu.memory_space<hbm>>
    %dma_start3A_135 = tpu.memref_slice %arg2[%mul3A_133] : memref<320000xi32, #tpu.memory_space<hbm>> -> memref<1536xi32, #tpu.memory_space<hbm>>
    tpu.enqueue_dma source(%dma_start3A_135 : memref<1536xi32, #tpu.memory_space<hbm>>) target(%arg8 : memref<1536xi32, #tpu.memory_space<vmem>>) target_semaphore(%arg14 : memref<!tpu.dma_semaphore, #tpu.memory_space<semaphore_mem>>)
    %scan3A_136 = arith.constant 0 : i32
    %scan3A_137 = arith.constant 0 : i32
    %scan3A_138 = arith.constant 12 : i32
    %scan3A_139 = arith.addi %scan3A_137, %scan3A_138 : i32
    %scan3A_140 = arith.constant 1 : i32
    %scan3A_141 = scf.for %scan3A_415 = %scan3A_137 to %scan3A_139 step %scan3A_140 iter_args(%scan3A_416 = %scan3A_136) -> (i32)  : i32 {
      %scan3A_417 = arith.constant 0 : i32
      %scan3A_418 = arith.constant 0 : i32
      %scan3A_419 = arith.constant 8 : i32
      %scan3A_420 = arith.addi %scan3A_418, %scan3A_419 : i32
      %scan3A_421 = arith.constant 1 : i32
      %scan3A_422 = scf.for %scan3A_425 = %scan3A_418 to %scan3A_420 step %scan3A_421 iter_args(%scan3A_426 = %scan3A_417) -> (i32)  : i32 {
        %mul3A_427 = arith.constant 16 : i32
        %mul3A_428 = arith.muli %scan3A_425, %mul3A_427 : i32
        %mul3A_429 = arith.constant 128 : i32
        %mul3A_430 = arith.muli %scan3A_415, %mul3A_429 : i32
        %add3A_431 = arith.addi %mul3A_430, %mul3A_428 : i32
        %get3A = arith.index_cast %add3A_431 : i32 to index
        %get3A_432 = tpu.vector_load %arg9[%get3A] {strides = array<i32>} : memref<1536xi32, #tpu.memory_space<vmem>>, vector<16xi32>,
        %get3A_433 = arith.constant 0 : i32
        %get3A_434 = arith.index_cast %scan3A_415 : i32 to index
        %get3A_435 = arith.index_cast %get3A_433 : i32 to index
        %get3A_436 = arith.index_cast %mul3A_428 : i32 to index
        %get3A_437 = tpu.vector_load %arg7[%get3A_434, %get3A_435, %get3A_436] {strides = array<i32>} : memref<12x8x128xf32, #tpu.memory_space<vmem>>, vector<16xf32>,
        %broadcast_in_dim3A_438 = arith.constant 0 : i32
        %broadcast_in_dim3A_439 = vector.broadcast %broadcast_in_dim3A_438 : i32 to vector<16xi32>
        tpu.vector_store_idx %arg10[%broadcast_in_dim3A_439, %get3A_432], %get3A_437 {add = true} : memref<8x10240xf32, #tpu.memory_space<vmem>>[vector<16xi32>, vector<16xi32>], vector<16xf32>,
        %get3A_440 = arith.constant 1 : i32
        %get3A_441 = arith.index_cast %scan3A_415 : i32 to index
        %get3A_442 = arith.index_cast %get3A_440 : i32 to index
        %get3A_443 = arith.index_cast %mul3A_428 : i32 to index
        %get3A_444 = tpu.vector_load %arg7[%get3A_441, %get3A_442, %get3A_443] {strides = array<i32>} : memref<12x8x128xf32, #tpu.memory_space<vmem>>, vector<16xf32>,
        %broadcast_in_dim3A_445 = arith.constant 1 : i32
        %broadcast_in_dim3A_446 = vector.broadcast %broadcast_in_dim3A_445 : i32 to vector<16xi32>
        tpu.vector_store_idx %arg10[%broadcast_in_dim3A_446, %get3A_432], %get3A_444 {add = true} : memref<8x10240xf32, #tpu.memory_space<vmem>>[vector<16xi32>, vector<16xi32>], vector<16xf32>,
        %get3A_447 = arith.constant 2 : i32
        %get3A_448 = arith.index_cast %scan3A_415 : i32 to index
        %get3A_449 = arith.index_cast %get3A_447 : i32 to index
        %get3A_450 = arith.index_cast %mul3A_428 : i32 to index
        %get3A_451 = tpu.vector_load %arg7[%get3A_448, %get3A_449, %get3A_450] {strides = array<i32>} : memref<12x8x128xf32, #tpu.memory_space<vmem>>, vector<16xf32>,
        %broadcast_in_dim3A_452 = arith.constant 2 : i32
        %broadcast_in_dim3A_453 = vector.broadcast %broadcast_in_dim3A_452 : i32 to vector<16xi32>
        tpu.vector_store_idx %arg10[%broadcast_in_dim3A_453, %get3A_432], %get3A_451 {add = true} : memref<8x10240xf32, #tpu.memory_space<vmem>>[vector<16xi32>, vector<16xi32>], vector<16xf32>,
        %get3A_454 = arith.constant 3 : i32
        %get3A_455 = arith.index_cast %scan3A_415 : i32 to index
        %get3A_456 = arith.index_cast %get3A_454 : i32 to index
        %get3A_457 = arith.index_cast %mul3A_428 : i32 to index
        %get3A_458 = tpu.vector_load %arg7[%get3A_455, %get3A_456, %get3A_457] {strides = array<i32>} : memref<12x8x128xf32, #tpu.memory_space<vmem>>, vector<16xf32>,
        %broadcast_in_dim3A_459 = arith.constant 3 : i32
        %broadcast_in_dim3A_460 = vector.broadcast %broadcast_in_dim3A_459 : i32 to vector<16xi32>
        tpu.vector_store_idx %arg10[%broadcast_in_dim3A_460, %get3A_432], %get3A_458 {add = true} : memref<8x10240xf32, #tpu.memory_space<vmem>>[vector<16xi32>, vector<16xi32>], vector<16xf32>,
        %get3A_461 = arith.constant 4 : i32
        %get3A_462 = arith.index_cast %scan3A_415 : i32 to index
        %get3A_463 = arith.index_cast %get3A_461 : i32 to index
        %get3A_464 = arith.index_cast %mul3A_428 : i32 to index
        %get3A_465 = tpu.vector_load %arg7[%get3A_462, %get3A_463, %get3A_464] {strides = array<i32>} : memref<12x8x128xf32, #tpu.memory_space<vmem>>, vector<16xf32>,
        %broadcast_in_dim3A_466 = arith.constant 4 : i32
        %broadcast_in_dim3A_467 = vector.broadcast %broadcast_in_dim3A_466 : i32 to vector<16xi32>
        tpu.vector_store_idx %arg10[%broadcast_in_dim3A_467, %get3A_432], %get3A_465 {add = true} : memref<8x10240xf32, #tpu.memory_space<vmem>>[vector<16xi32>, vector<16xi32>], vector<16xf32>,
        %get3A_468 = arith.constant 5 : i32
        %get3A_469 = arith.index_cast %scan3A_415 : i32 to index
        %get3A_470 = arith.index_cast %get3A_468 : i32 to index
        %get3A_471 = arith.index_cast %mul3A_428 : i32 to index
        %get3A_472 = tpu.vector_load %arg7[%get3A_469, %get3A_470, %get3A_471] {strides = array<i32>} : memref<12x8x128xf32, #tpu.memory_space<vmem>>, vector<16xf32>,
        %broadcast_in_dim3A_473 = arith.constant 5 : i32
        %broadcast_in_dim3A_474 = vector.broadcast %broadcast_in_dim3A_473 : i32 to vector<16xi32>
        tpu.vector_store_idx %arg10[%broadcast_in_dim3A_474, %get3A_432], %get3A_472 {add = true} : memref<8x10240xf32, #tpu.memory_space<vmem>>[vector<16xi32>, vector<16xi32>], vector<16xf32>,
        %get3A_475 = arith.constant 6 : i32
        %get3A_476 = arith.index_cast %scan3A_415 : i32 to index
        %get3A_477 = arith.index_cast %get3A_475 : i32 to index
        %get3A_478 = arith.index_cast %mul3A_428 : i32 to index
        %get3A_479 = tpu.vector_load %arg7[%get3A_476, %get3A_477, %get3A_478] {strides = array<i32>} : memref<12x8x128xf32, #tpu.memory_space<vmem>>, vector<16xf32>,
        %broadcast_in_dim3A_480 = arith.constant 6 : i32
        %broadcast_in_dim3A_481 = vector.broadcast %broadcast_in_dim3A_480 : i32 to vector<16xi32>
        tpu.vector_store_idx %arg10[%broadcast_in_dim3A_481, %get3A_432], %get3A_479 {add = true} : memref<8x10240xf32, #tpu.memory_space<vmem>>[vector<16xi32>, vector<16xi32>], vector<16xf32>,
        %get3A_482 = arith.constant 7 : i32
        %get3A_483 = arith.index_cast %scan3A_415 : i32 to index
        %get3A_484 = arith.index_cast %get3A_482 : i32 to index
        %get3A_485 = arith.index_cast %mul3A_428 : i32 to index
        %get3A_486 = tpu.vector_load %arg7[%get3A_483, %get3A_484, %get3A_485] {strides = array<i32>} : memref<12x8x128xf32, #tpu.memory_space<vmem>>, vector<16xf32>,
        %broadcast_in_dim3A_487 = arith.constant 7 : i32
        %broadcast_in_dim3A_488 = vector.broadcast %broadcast_in_dim3A_487 : i32 to vector<16xi32>
        tpu.vector_store_idx %arg10[%broadcast_in_dim3A_488, %get3A_432], %get3A_486 {add = true} : memref<8x10240xf32, #tpu.memory_space<vmem>>[vector<16xi32>, vector<16xi32>], vector<16xf32>,
        tpu.vector_store_idx %arg11[%get3A_432], %broadcast_in_dim3A_7 {add = true} : memref<10240xf32, #tpu.memory_space<vmem>>[vector<16xi32>], vector<16xf32>,
        %scan3A_489 = arith.constant 0 : i32
        scf.yield %scan3A_489 : i32
      }
      %scan3A_423 = arith.constant 8 : i32
      %scan3A_424 = arith.constant 0 : i32
      scf.yield %scan3A_424 : i32
    }
    %scan3A_142 = arith.constant 12 : i32
    %dma_wait3A_143 = arith.constant 0 : i32
    %dma_wait3A_144 = arith.constant 0 : i32
    %dma_wait3A_145 = tpu.memref_slice %arg3[%arg0, %add3A_123, %dma_wait3A_143, %dma_wait3A_144] : memref<2x2500x8x128xf32, #tpu.memory_space<hbm>> -> memref<1x12x8x128xf32, #tpu.memory_space<hbm>>
    %dma_wait3A_146 = tpu.memref_squeeze %dma_wait3A_145 : memref<1x12x8x128xf32, #tpu.memory_space<hbm>> -> memref<12x8x128xf32, #tpu.memory_space<hbm>>
    %dma_wait3A_147 = arith.constant 0 : i32
    %dma_wait3A_148 = arith.constant 0 : i32
    %dma_wait3A_149 = tpu.memref_slice %arg3[%arg0, %add3A_123, %dma_wait3A_147, %dma_wait3A_148] : memref<2x2500x8x128xf32, #tpu.memory_space<hbm>> -> memref<1x12x8x128xf32, #tpu.memory_space<hbm>>
    %dma_wait3A_150 = tpu.memref_squeeze %dma_wait3A_149 : memref<1x12x8x128xf32, #tpu.memory_space<hbm>> -> memref<12x8x128xf32, #tpu.memory_space<hbm>>
    tpu.wait_dma2 semaphore(%arg12 : memref<!tpu.dma_semaphore, #tpu.memory_space<semaphore_mem>>) src(%dma_wait3A_150 : memref<12x8x128xf32, #tpu.memory_space<hbm>>) dst(%arg6 : memref<12x8x128xf32, #tpu.memory_space<vmem>>)
    %dma_wait3A_151 = tpu.memref_slice %arg2[%mul3A_133] : memref<320000xi32, #tpu.memory_space<hbm>> -> memref<1536xi32, #tpu.memory_space<hbm>>
    %dma_wait3A_152 = tpu.memref_slice %arg2[%mul3A_133] : memref<320000xi32, #tpu.memory_space<hbm>> -> memref<1536xi32, #tpu.memory_space<hbm>>
    tpu.wait_dma2 semaphore(%arg14 : memref<!tpu.dma_semaphore, #tpu.memory_space<semaphore_mem>>) src(%dma_wait3A_152 : memref<1536xi32, #tpu.memory_space<hbm>>) dst(%arg8 : memref<1536xi32, #tpu.memory_space<vmem>>)
    %add3A_153 = arith.constant 60 : i32
    %add3A_154 = arith.addi %mul3A_6, %add3A_153 : i32
    %dma_start3A_155 = arith.constant 0 : i32
    %dma_start3A_156 = arith.constant 0 : i32
    %dma_start3A_157 = tpu.memref_slice %arg3[%arg0, %add3A_154, %dma_start3A_155, %dma_start3A_156] : memref<2x2500x8x128xf32, #tpu.memory_space<hbm>> -> memref<1x12x8x128xf32, #tpu.memory_space<hbm>>
    %dma_start3A_158 = tpu.memref_squeeze %dma_start3A_157 : memref<1x12x8x128xf32, #tpu.memory_space<hbm>> -> memref<12x8x128xf32, #tpu.memory_space<hbm>>
    %dma_start3A_159 = arith.constant 0 : i32
    %dma_start3A_160 = arith.constant 0 : i32
    %dma_start3A_161 = tpu.memref_slice %arg3[%arg0, %add3A_154, %dma_start3A_159, %dma_start3A_160] : memref<2x2500x8x128xf32, #tpu.memory_space<hbm>> -> memref<1x12x8x128xf32, #tpu.memory_space<hbm>>
    %dma_start3A_162 = tpu.memref_squeeze %dma_start3A_161 : memref<1x12x8x128xf32, #tpu.memory_space<hbm>> -> memref<12x8x128xf32, #tpu.memory_space<hbm>>
    tpu.enqueue_dma source(%dma_start3A_162 : memref<12x8x128xf32, #tpu.memory_space<hbm>>) target(%arg7 : memref<12x8x128xf32, #tpu.memory_space<vmem>>) target_semaphore(%arg13 : memref<!tpu.dma_semaphore, #tpu.memory_space<semaphore_mem>>)
    %mul3A_163 = arith.constant 128 : i32
    %mul3A_164 = arith.muli %add3A_154, %mul3A_163 : i32
    %dma_start3A_165 = tpu.memref_slice %arg2[%mul3A_164] : memref<320000xi32, #tpu.memory_space<hbm>> -> memref<1536xi32, #tpu.memory_space<hbm>>
    %dma_start3A_166 = tpu.memref_slice %arg2[%mul3A_164] : memref<320000xi32, #tpu.memory_space<hbm>> -> memref<1536xi32, #tpu.memory_space<hbm>>
    tpu.enqueue_dma source(%dma_start3A_166 : memref<1536xi32, #tpu.memory_space<hbm>>) target(%arg9 : memref<1536xi32, #tpu.memory_space<vmem>>) target_semaphore(%arg15 : memref<!tpu.dma_semaphore, #tpu.memory_space<semaphore_mem>>)
    %scan3A_167 = arith.constant 0 : i32
    %scan3A_168 = arith.constant 0 : i32
    %scan3A_169 = arith.constant 12 : i32
    %scan3A_170 = arith.addi %scan3A_168, %scan3A_169 : i32
    %scan3A_171 = arith.constant 1 : i32
    %scan3A_172 = scf.for %scan3A_415 = %scan3A_168 to %scan3A_170 step %scan3A_171 iter_args(%scan3A_416 = %scan3A_167) -> (i32)  : i32 {
      %scan3A_417 = arith.constant 0 : i32
      %scan3A_418 = arith.constant 0 : i32
      %scan3A_419 = arith.constant 8 : i32
      %scan3A_420 = arith.addi %scan3A_418, %scan3A_419 : i32
      %scan3A_421 = arith.constant 1 : i32
      %scan3A_422 = scf.for %scan3A_425 = %scan3A_418 to %scan3A_420 step %scan3A_421 iter_args(%scan3A_426 = %scan3A_417) -> (i32)  : i32 {
        %mul3A_427 = arith.constant 16 : i32
        %mul3A_428 = arith.muli %scan3A_425, %mul3A_427 : i32
        %mul3A_429 = arith.constant 128 : i32
        %mul3A_430 = arith.muli %scan3A_415, %mul3A_429 : i32
        %add3A_431 = arith.addi %mul3A_430, %mul3A_428 : i32
        %get3A = arith.index_cast %add3A_431 : i32 to index
        %get3A_432 = tpu.vector_load %arg8[%get3A] {strides = array<i32>} : memref<1536xi32, #tpu.memory_space<vmem>>, vector<16xi32>,
        %get3A_433 = arith.constant 0 : i32
        %get3A_434 = arith.index_cast %scan3A_415 : i32 to index
        %get3A_435 = arith.index_cast %get3A_433 : i32 to index
        %get3A_436 = arith.index_cast %mul3A_428 : i32 to index
        %get3A_437 = tpu.vector_load %arg6[%get3A_434, %get3A_435, %get3A_436] {strides = array<i32>} : memref<12x8x128xf32, #tpu.memory_space<vmem>>, vector<16xf32>,
        %broadcast_in_dim3A_438 = arith.constant 0 : i32
        %broadcast_in_dim3A_439 = vector.broadcast %broadcast_in_dim3A_438 : i32 to vector<16xi32>
        tpu.vector_store_idx %arg10[%broadcast_in_dim3A_439, %get3A_432], %get3A_437 {add = true} : memref<8x10240xf32, #tpu.memory_space<vmem>>[vector<16xi32>, vector<16xi32>], vector<16xf32>,
        %get3A_440 = arith.constant 1 : i32
        %get3A_441 = arith.index_cast %scan3A_415 : i32 to index
        %get3A_442 = arith.index_cast %get3A_440 : i32 to index
        %get3A_443 = arith.index_cast %mul3A_428 : i32 to index
        %get3A_444 = tpu.vector_load %arg6[%get3A_441, %get3A_442, %get3A_443] {strides = array<i32>} : memref<12x8x128xf32, #tpu.memory_space<vmem>>, vector<16xf32>,
        %broadcast_in_dim3A_445 = arith.constant 1 : i32
        %broadcast_in_dim3A_446 = vector.broadcast %broadcast_in_dim3A_445 : i32 to vector<16xi32>
        tpu.vector_store_idx %arg10[%broadcast_in_dim3A_446, %get3A_432], %get3A_444 {add = true} : memref<8x10240xf32, #tpu.memory_space<vmem>>[vector<16xi32>, vector<16xi32>], vector<16xf32>,
        %get3A_447 = arith.constant 2 : i32
        %get3A_448 = arith.index_cast %scan3A_415 : i32 to index
        %get3A_449 = arith.index_cast %get3A_447 : i32 to index
        %get3A_450 = arith.index_cast %mul3A_428 : i32 to index
        %get3A_451 = tpu.vector_load %arg6[%get3A_448, %get3A_449, %get3A_450] {strides = array<i32>} : memref<12x8x128xf32, #tpu.memory_space<vmem>>, vector<16xf32>,
        %broadcast_in_dim3A_452 = arith.constant 2 : i32
        %broadcast_in_dim3A_453 = vector.broadcast %broadcast_in_dim3A_452 : i32 to vector<16xi32>
        tpu.vector_store_idx %arg10[%broadcast_in_dim3A_453, %get3A_432], %get3A_451 {add = true} : memref<8x10240xf32, #tpu.memory_space<vmem>>[vector<16xi32>, vector<16xi32>], vector<16xf32>,
        %get3A_454 = arith.constant 3 : i32
        %get3A_455 = arith.index_cast %scan3A_415 : i32 to index
        %get3A_456 = arith.index_cast %get3A_454 : i32 to index
        %get3A_457 = arith.index_cast %mul3A_428 : i32 to index
        %get3A_458 = tpu.vector_load %arg6[%get3A_455, %get3A_456, %get3A_457] {strides = array<i32>} : memref<12x8x128xf32, #tpu.memory_space<vmem>>, vector<16xf32>,
        %broadcast_in_dim3A_459 = arith.constant 3 : i32
        %broadcast_in_dim3A_460 = vector.broadcast %broadcast_in_dim3A_459 : i32 to vector<16xi32>
        tpu.vector_store_idx %arg10[%broadcast_in_dim3A_460, %get3A_432], %get3A_458 {add = true} : memref<8x10240xf32, #tpu.memory_space<vmem>>[vector<16xi32>, vector<16xi32>], vector<16xf32>,
        %get3A_461 = arith.constant 4 : i32
        %get3A_462 = arith.index_cast %scan3A_415 : i32 to index
        %get3A_463 = arith.index_cast %get3A_461 : i32 to index
        %get3A_464 = arith.index_cast %mul3A_428 : i32 to index
        %get3A_465 = tpu.vector_load %arg6[%get3A_462, %get3A_463, %get3A_464] {strides = array<i32>} : memref<12x8x128xf32, #tpu.memory_space<vmem>>, vector<16xf32>,
        %broadcast_in_dim3A_466 = arith.constant 4 : i32
        %broadcast_in_dim3A_467 = vector.broadcast %broadcast_in_dim3A_466 : i32 to vector<16xi32>
        tpu.vector_store_idx %arg10[%broadcast_in_dim3A_467, %get3A_432], %get3A_465 {add = true} : memref<8x10240xf32, #tpu.memory_space<vmem>>[vector<16xi32>, vector<16xi32>], vector<16xf32>,
        %get3A_468 = arith.constant 5 : i32
        %get3A_469 = arith.index_cast %scan3A_415 : i32 to index
        %get3A_470 = arith.index_cast %get3A_468 : i32 to index
        %get3A_471 = arith.index_cast %mul3A_428 : i32 to index
        %get3A_472 = tpu.vector_load %arg6[%get3A_469, %get3A_470, %get3A_471] {strides = array<i32>} : memref<12x8x128xf32, #tpu.memory_space<vmem>>, vector<16xf32>,
        %broadcast_in_dim3A_473 = arith.constant 5 : i32
        %broadcast_in_dim3A_474 = vector.broadcast %broadcast_in_dim3A_473 : i32 to vector<16xi32>
        tpu.vector_store_idx %arg10[%broadcast_in_dim3A_474, %get3A_432], %get3A_472 {add = true} : memref<8x10240xf32, #tpu.memory_space<vmem>>[vector<16xi32>, vector<16xi32>], vector<16xf32>,
        %get3A_475 = arith.constant 6 : i32
        %get3A_476 = arith.index_cast %scan3A_415 : i32 to index
        %get3A_477 = arith.index_cast %get3A_475 : i32 to index
        %get3A_478 = arith.index_cast %mul3A_428 : i32 to index
        %get3A_479 = tpu.vector_load %arg6[%get3A_476, %get3A_477, %get3A_478] {strides = array<i32>} : memref<12x8x128xf32, #tpu.memory_space<vmem>>, vector<16xf32>,
        %broadcast_in_dim3A_480 = arith.constant 6 : i32
        %broadcast_in_dim3A_481 = vector.broadcast %broadcast_in_dim3A_480 : i32 to vector<16xi32>
        tpu.vector_store_idx %arg10[%broadcast_in_dim3A_481, %get3A_432], %get3A_479 {add = true} : memref<8x10240xf32, #tpu.memory_space<vmem>>[vector<16xi32>, vector<16xi32>], vector<16xf32>,
        %get3A_482 = arith.constant 7 : i32
        %get3A_483 = arith.index_cast %scan3A_415 : i32 to index
        %get3A_484 = arith.index_cast %get3A_482 : i32 to index
        %get3A_485 = arith.index_cast %mul3A_428 : i32 to index
        %get3A_486 = tpu.vector_load %arg6[%get3A_483, %get3A_484, %get3A_485] {strides = array<i32>} : memref<12x8x128xf32, #tpu.memory_space<vmem>>, vector<16xf32>,
        %broadcast_in_dim3A_487 = arith.constant 7 : i32
        %broadcast_in_dim3A_488 = vector.broadcast %broadcast_in_dim3A_487 : i32 to vector<16xi32>
        tpu.vector_store_idx %arg10[%broadcast_in_dim3A_488, %get3A_432], %get3A_486 {add = true} : memref<8x10240xf32, #tpu.memory_space<vmem>>[vector<16xi32>, vector<16xi32>], vector<16xf32>,
        tpu.vector_store_idx %arg11[%get3A_432], %broadcast_in_dim3A_7 {add = true} : memref<10240xf32, #tpu.memory_space<vmem>>[vector<16xi32>], vector<16xf32>,
        %scan3A_489 = arith.constant 0 : i32
        scf.yield %scan3A_489 : i32
      }
      %scan3A_423 = arith.constant 8 : i32
      %scan3A_424 = arith.constant 0 : i32
      scf.yield %scan3A_424 : i32
    }
    %scan3A_173 = arith.constant 12 : i32
    %dma_wait3A_174 = arith.constant 0 : i32
    %dma_wait3A_175 = arith.constant 0 : i32
    %dma_wait3A_176 = tpu.memref_slice %arg3[%arg0, %add3A_154, %dma_wait3A_174, %dma_wait3A_175] : memref<2x2500x8x128xf32, #tpu.memory_space<hbm>> -> memref<1x12x8x128xf32, #tpu.memory_space<hbm>>
    %dma_wait3A_177 = tpu.memref_squeeze %dma_wait3A_176 : memref<1x12x8x128xf32, #tpu.memory_space<hbm>> -> memref<12x8x128xf32, #tpu.memory_space<hbm>>
    %dma_wait3A_178 = arith.constant 0 : i32
    %dma_wait3A_179 = arith.constant 0 : i32
    %dma_wait3A_180 = tpu.memref_slice %arg3[%arg0, %add3A_154, %dma_wait3A_178, %dma_wait3A_179] : memref<2x2500x8x128xf32, #tpu.memory_space<hbm>> -> memref<1x12x8x128xf32, #tpu.memory_space<hbm>>
    %dma_wait3A_181 = tpu.memref_squeeze %dma_wait3A_180 : memref<1x12x8x128xf32, #tpu.memory_space<hbm>> -> memref<12x8x128xf32, #tpu.memory_space<hbm>>
    tpu.wait_dma2 semaphore(%arg13 : memref<!tpu.dma_semaphore, #tpu.memory_space<semaphore_mem>>) src(%dma_wait3A_181 : memref<12x8x128xf32, #tpu.memory_space<hbm>>) dst(%arg7 : memref<12x8x128xf32, #tpu.memory_space<vmem>>)
    %dma_wait3A_182 = tpu.memref_slice %arg2[%mul3A_164] : memref<320000xi32, #tpu.memory_space<hbm>> -> memref<1536xi32, #tpu.memory_space<hbm>>
    %dma_wait3A_183 = tpu.memref_slice %arg2[%mul3A_164] : memref<320000xi32, #tpu.memory_space<hbm>> -> memref<1536xi32, #tpu.memory_space<hbm>>
    tpu.wait_dma2 semaphore(%arg15 : memref<!tpu.dma_semaphore, #tpu.memory_space<semaphore_mem>>) src(%dma_wait3A_183 : memref<1536xi32, #tpu.memory_space<hbm>>) dst(%arg9 : memref<1536xi32, #tpu.memory_space<vmem>>)
    %add3A_184 = arith.constant 72 : i32
    %add3A_185 = arith.addi %mul3A_6, %add3A_184 : i32
    %dma_start3A_186 = arith.constant 0 : i32
    %dma_start3A_187 = arith.constant 0 : i32
    %dma_start3A_188 = tpu.memref_slice %arg3[%arg0, %add3A_185, %dma_start3A_186, %dma_start3A_187] : memref<2x2500x8x128xf32, #tpu.memory_space<hbm>> -> memref<1x12x8x128xf32, #tpu.memory_space<hbm>>
    %dma_start3A_189 = tpu.memref_squeeze %dma_start3A_188 : memref<1x12x8x128xf32, #tpu.memory_space<hbm>> -> memref<12x8x128xf32, #tpu.memory_space<hbm>>
    %dma_start3A_190 = arith.constant 0 : i32
    %dma_start3A_191 = arith.constant 0 : i32
    %dma_start3A_192 = tpu.memref_slice %arg3[%arg0, %add3A_185, %dma_start3A_190, %dma_start3A_191] : memref<2x2500x8x128xf32, #tpu.memory_space<hbm>> -> memref<1x12x8x128xf32, #tpu.memory_space<hbm>>
    %dma_start3A_193 = tpu.memref_squeeze %dma_start3A_192 : memref<1x12x8x128xf32, #tpu.memory_space<hbm>> -> memref<12x8x128xf32, #tpu.memory_space<hbm>>
    tpu.enqueue_dma source(%dma_start3A_193 : memref<12x8x128xf32, #tpu.memory_space<hbm>>) target(%arg6 : memref<12x8x128xf32, #tpu.memory_space<vmem>>) target_semaphore(%arg12 : memref<!tpu.dma_semaphore, #tpu.memory_space<semaphore_mem>>)
    %mul3A_194 = arith.constant 128 : i32
    %mul3A_195 = arith.muli %add3A_185, %mul3A_194 : i32
    %dma_start3A_196 = tpu.memref_slice %arg2[%mul3A_195] : memref<320000xi32, #tpu.memory_space<hbm>> -> memref<1536xi32, #tpu.memory_space<hbm>>
    %dma_start3A_197 = tpu.memref_slice %arg2[%mul3A_195] : memref<320000xi32, #tpu.memory_space<hbm>> -> memref<1536xi32, #tpu.memory_space<hbm>>
    tpu.enqueue_dma source(%dma_start3A_197 : memref<1536xi32, #tpu.memory_space<hbm>>) target(%arg8 : memref<1536xi32, #tpu.memory_space<vmem>>) target_semaphore(%arg14 : memref<!tpu.dma_semaphore, #tpu.memory_space<semaphore_mem>>)
    %scan3A_198 = arith.constant 0 : i32
    %scan3A_199 = arith.constant 0 : i32
    %scan3A_200 = arith.constant 12 : i32
    %scan3A_201 = arith.addi %scan3A_199, %scan3A_200 : i32
    %scan3A_202 = arith.constant 1 : i32
    %scan3A_203 = scf.for %scan3A_415 = %scan3A_199 to %scan3A_201 step %scan3A_202 iter_args(%scan3A_416 = %scan3A_198) -> (i32)  : i32 {
      %scan3A_417 = arith.constant 0 : i32
      %scan3A_418 = arith.constant 0 : i32
      %scan3A_419 = arith.constant 8 : i32
      %scan3A_420 = arith.addi %scan3A_418, %scan3A_419 : i32
      %scan3A_421 = arith.constant 1 : i32
      %scan3A_422 = scf.for %scan3A_425 = %scan3A_418 to %scan3A_420 step %scan3A_421 iter_args(%scan3A_426 = %scan3A_417) -> (i32)  : i32 {
        %mul3A_427 = arith.constant 16 : i32
        %mul3A_428 = arith.muli %scan3A_425, %mul3A_427 : i32
        %mul3A_429 = arith.constant 128 : i32
        %mul3A_430 = arith.muli %scan3A_415, %mul3A_429 : i32
        %add3A_431 = arith.addi %mul3A_430, %mul3A_428 : i32
        %get3A = arith.index_cast %add3A_431 : i32 to index
        %get3A_432 = tpu.vector_load %arg9[%get3A] {strides = array<i32>} : memref<1536xi32, #tpu.memory_space<vmem>>, vector<16xi32>,
        %get3A_433 = arith.constant 0 : i32
        %get3A_434 = arith.index_cast %scan3A_415 : i32 to index
        %get3A_435 = arith.index_cast %get3A_433 : i32 to index
        %get3A_436 = arith.index_cast %mul3A_428 : i32 to index
        %get3A_437 = tpu.vector_load %arg7[%get3A_434, %get3A_435, %get3A_436] {strides = array<i32>} : memref<12x8x128xf32, #tpu.memory_space<vmem>>, vector<16xf32>,
        %broadcast_in_dim3A_438 = arith.constant 0 : i32
        %broadcast_in_dim3A_439 = vector.broadcast %broadcast_in_dim3A_438 : i32 to vector<16xi32>
        tpu.vector_store_idx %arg10[%broadcast_in_dim3A_439, %get3A_432], %get3A_437 {add = true} : memref<8x10240xf32, #tpu.memory_space<vmem>>[vector<16xi32>, vector<16xi32>], vector<16xf32>,
        %get3A_440 = arith.constant 1 : i32
        %get3A_441 = arith.index_cast %scan3A_415 : i32 to index
        %get3A_442 = arith.index_cast %get3A_440 : i32 to index
        %get3A_443 = arith.index_cast %mul3A_428 : i32 to index
        %get3A_444 = tpu.vector_load %arg7[%get3A_441, %get3A_442, %get3A_443] {strides = array<i32>} : memref<12x8x128xf32, #tpu.memory_space<vmem>>, vector<16xf32>,
        %broadcast_in_dim3A_445 = arith.constant 1 : i32
        %broadcast_in_dim3A_446 = vector.broadcast %broadcast_in_dim3A_445 : i32 to vector<16xi32>
        tpu.vector_store_idx %arg10[%broadcast_in_dim3A_446, %get3A_432], %get3A_444 {add = true} : memref<8x10240xf32, #tpu.memory_space<vmem>>[vector<16xi32>, vector<16xi32>], vector<16xf32>,
        %get3A_447 = arith.constant 2 : i32
        %get3A_448 = arith.index_cast %scan3A_415 : i32 to index
        %get3A_449 = arith.index_cast %get3A_447 : i32 to index
        %get3A_450 = arith.index_cast %mul3A_428 : i32 to index
        %get3A_451 = tpu.vector_load %arg7[%get3A_448, %get3A_449, %get3A_450] {strides = array<i32>} : memref<12x8x128xf32, #tpu.memory_space<vmem>>, vector<16xf32>,
        %broadcast_in_dim3A_452 = arith.constant 2 : i32
        %broadcast_in_dim3A_453 = vector.broadcast %broadcast_in_dim3A_452 : i32 to vector<16xi32>
        tpu.vector_store_idx %arg10[%broadcast_in_dim3A_453, %get3A_432], %get3A_451 {add = true} : memref<8x10240xf32, #tpu.memory_space<vmem>>[vector<16xi32>, vector<16xi32>], vector<16xf32>,
        %get3A_454 = arith.constant 3 : i32
        %get3A_455 = arith.index_cast %scan3A_415 : i32 to index
        %get3A_456 = arith.index_cast %get3A_454 : i32 to index
        %get3A_457 = arith.index_cast %mul3A_428 : i32 to index
        %get3A_458 = tpu.vector_load %arg7[%get3A_455, %get3A_456, %get3A_457] {strides = array<i32>} : memref<12x8x128xf32, #tpu.memory_space<vmem>>, vector<16xf32>,
        %broadcast_in_dim3A_459 = arith.constant 3 : i32
        %broadcast_in_dim3A_460 = vector.broadcast %broadcast_in_dim3A_459 : i32 to vector<16xi32>
        tpu.vector_store_idx %arg10[%broadcast_in_dim3A_460, %get3A_432], %get3A_458 {add = true} : memref<8x10240xf32, #tpu.memory_space<vmem>>[vector<16xi32>, vector<16xi32>], vector<16xf32>,
        %get3A_461 = arith.constant 4 : i32
        %get3A_462 = arith.index_cast %scan3A_415 : i32 to index
        %get3A_463 = arith.index_cast %get3A_461 : i32 to index
        %get3A_464 = arith.index_cast %mul3A_428 : i32 to index
        %get3A_465 = tpu.vector_load %arg7[%get3A_462, %get3A_463, %get3A_464] {strides = array<i32>} : memref<12x8x128xf32, #tpu.memory_space<vmem>>, vector<16xf32>,
        %broadcast_in_dim3A_466 = arith.constant 4 : i32
        %broadcast_in_dim3A_467 = vector.broadcast %broadcast_in_dim3A_466 : i32 to vector<16xi32>
        tpu.vector_store_idx %arg10[%broadcast_in_dim3A_467, %get3A_432], %get3A_465 {add = true} : memref<8x10240xf32, #tpu.memory_space<vmem>>[vector<16xi32>, vector<16xi32>], vector<16xf32>,
        %get3A_468 = arith.constant 5 : i32
        %get3A_469 = arith.index_cast %scan3A_415 : i32 to index
        %get3A_470 = arith.index_cast %get3A_468 : i32 to index
        %get3A_471 = arith.index_cast %mul3A_428 : i32 to index
        %get3A_472 = tpu.vector_load %arg7[%get3A_469, %get3A_470, %get3A_471] {strides = array<i32>} : memref<12x8x128xf32, #tpu.memory_space<vmem>>, vector<16xf32>,
        %broadcast_in_dim3A_473 = arith.constant 5 : i32
        %broadcast_in_dim3A_474 = vector.broadcast %broadcast_in_dim3A_473 : i32 to vector<16xi32>
        tpu.vector_store_idx %arg10[%broadcast_in_dim3A_474, %get3A_432], %get3A_472 {add = true} : memref<8x10240xf32, #tpu.memory_space<vmem>>[vector<16xi32>, vector<16xi32>], vector<16xf32>,
        %get3A_475 = arith.constant 6 : i32
        %get3A_476 = arith.index_cast %scan3A_415 : i32 to index
        %get3A_477 = arith.index_cast %get3A_475 : i32 to index
        %get3A_478 = arith.index_cast %mul3A_428 : i32 to index
        %get3A_479 = tpu.vector_load %arg7[%get3A_476, %get3A_477, %get3A_478] {strides = array<i32>} : memref<12x8x128xf32, #tpu.memory_space<vmem>>, vector<16xf32>,
        %broadcast_in_dim3A_480 = arith.constant 6 : i32
        %broadcast_in_dim3A_481 = vector.broadcast %broadcast_in_dim3A_480 : i32 to vector<16xi32>
        tpu.vector_store_idx %arg10[%broadcast_in_dim3A_481, %get3A_432], %get3A_479 {add = true} : memref<8x10240xf32, #tpu.memory_space<vmem>>[vector<16xi32>, vector<16xi32>], vector<16xf32>,
        %get3A_482 = arith.constant 7 : i32
        %get3A_483 = arith.index_cast %scan3A_415 : i32 to index
        %get3A_484 = arith.index_cast %get3A_482 : i32 to index
        %get3A_485 = arith.index_cast %mul3A_428 : i32 to index
        %get3A_486 = tpu.vector_load %arg7[%get3A_483, %get3A_484, %get3A_485] {strides = array<i32>} : memref<12x8x128xf32, #tpu.memory_space<vmem>>, vector<16xf32>,
        %broadcast_in_dim3A_487 = arith.constant 7 : i32
        %broadcast_in_dim3A_488 = vector.broadcast %broadcast_in_dim3A_487 : i32 to vector<16xi32>
        tpu.vector_store_idx %arg10[%broadcast_in_dim3A_488, %get3A_432], %get3A_486 {add = true} : memref<8x10240xf32, #tpu.memory_space<vmem>>[vector<16xi32>, vector<16xi32>], vector<16xf32>,
        tpu.vector_store_idx %arg11[%get3A_432], %broadcast_in_dim3A_7 {add = true} : memref<10240xf32, #tpu.memory_space<vmem>>[vector<16xi32>], vector<16xf32>,
        %scan3A_489 = arith.constant 0 : i32
        scf.yield %scan3A_489 : i32
      }
      %scan3A_423 = arith.constant 8 : i32
      %scan3A_424 = arith.constant 0 : i32
      scf.yield %scan3A_424 : i32
    }
    %scan3A_204 = arith.constant 12 : i32
    %dma_wait3A_205 = arith.constant 0 : i32
    %dma_wait3A_206 = arith.constant 0 : i32
    %dma_wait3A_207 = tpu.memref_slice %arg3[%arg0, %add3A_185, %dma_wait3A_205, %dma_wait3A_206] : memref<2x2500x8x128xf32, #tpu.memory_space<hbm>> -> memref<1x12x8x128xf32, #tpu.memory_space<hbm>>
    %dma_wait3A_208 = tpu.memref_squeeze %dma_wait3A_207 : memref<1x12x8x128xf32, #tpu.memory_space<hbm>> -> memref<12x8x128xf32, #tpu.memory_space<hbm>>
    %dma_wait3A_209 = arith.constant 0 : i32
    %dma_wait3A_210 = arith.constant 0 : i32
    %dma_wait3A_211 = tpu.memref_slice %arg3[%arg0, %add3A_185, %dma_wait3A_209, %dma_wait3A_210] : memref<2x2500x8x128xf32, #tpu.memory_space<hbm>> -> memref<1x12x8x128xf32, #tpu.memory_space<hbm>>
    %dma_wait3A_212 = tpu.memref_squeeze %dma_wait3A_211 : memref<1x12x8x128xf32, #tpu.memory_space<hbm>> -> memref<12x8x128xf32, #tpu.memory_space<hbm>>
    tpu.wait_dma2 semaphore(%arg12 : memref<!tpu.dma_semaphore, #tpu.memory_space<semaphore_mem>>) src(%dma_wait3A_212 : memref<12x8x128xf32, #tpu.memory_space<hbm>>) dst(%arg6 : memref<12x8x128xf32, #tpu.memory_space<vmem>>)
    %dma_wait3A_213 = tpu.memref_slice %arg2[%mul3A_195] : memref<320000xi32, #tpu.memory_space<hbm>> -> memref<1536xi32, #tpu.memory_space<hbm>>
    %dma_wait3A_214 = tpu.memref_slice %arg2[%mul3A_195] : memref<320000xi32, #tpu.memory_space<hbm>> -> memref<1536xi32, #tpu.memory_space<hbm>>
    tpu.wait_dma2 semaphore(%arg14 : memref<!tpu.dma_semaphore, #tpu.memory_space<semaphore_mem>>) src(%dma_wait3A_214 : memref<1536xi32, #tpu.memory_space<hbm>>) dst(%arg8 : memref<1536xi32, #tpu.memory_space<vmem>>)
    %add3A_215 = arith.constant 84 : i32
    %add3A_216 = arith.addi %mul3A_6, %add3A_215 : i32
    %dma_start3A_217 = arith.constant 0 : i32
    %dma_start3A_218 = arith.constant 0 : i32
    %dma_start3A_219 = tpu.memref_slice %arg3[%arg0, %add3A_216, %dma_start3A_217, %dma_start3A_218] : memref<2x2500x8x128xf32, #tpu.memory_space<hbm>> -> memref<1x12x8x128xf32, #tpu.memory_space<hbm>>
    %dma_start3A_220 = tpu.memref_squeeze %dma_start3A_219 : memref<1x12x8x128xf32, #tpu.memory_space<hbm>> -> memref<12x8x128xf32, #tpu.memory_space<hbm>>
    %dma_start3A_221 = arith.constant 0 : i32
    %dma_start3A_222 = arith.constant 0 : i32
    %dma_start3A_223 = tpu.memref_slice %arg3[%arg0, %add3A_216, %dma_start3A_221, %dma_start3A_222] : memref<2x2500x8x128xf32, #tpu.memory_space<hbm>> -> memref<1x12x8x128xf32, #tpu.memory_space<hbm>>
    %dma_start3A_224 = tpu.memref_squeeze %dma_start3A_223 : memref<1x12x8x128xf32, #tpu.memory_space<hbm>> -> memref<12x8x128xf32, #tpu.memory_space<hbm>>
    tpu.enqueue_dma source(%dma_start3A_224 : memref<12x8x128xf32, #tpu.memory_space<hbm>>) target(%arg7 : memref<12x8x128xf32, #tpu.memory_space<vmem>>) target_semaphore(%arg13 : memref<!tpu.dma_semaphore, #tpu.memory_space<semaphore_mem>>)
    %mul3A_225 = arith.constant 128 : i32
    %mul3A_226 = arith.muli %add3A_216, %mul3A_225 : i32
    %dma_start3A_227 = tpu.memref_slice %arg2[%mul3A_226] : memref<320000xi32, #tpu.memory_space<hbm>> -> memref<1536xi32, #tpu.memory_space<hbm>>
    %dma_start3A_228 = tpu.memref_slice %arg2[%mul3A_226] : memref<320000xi32, #tpu.memory_space<hbm>> -> memref<1536xi32, #tpu.memory_space<hbm>>
    tpu.enqueue_dma source(%dma_start3A_228 : memref<1536xi32, #tpu.memory_space<hbm>>) target(%arg9 : memref<1536xi32, #tpu.memory_space<vmem>>) target_semaphore(%arg15 : memref<!tpu.dma_semaphore, #tpu.memory_space<semaphore_mem>>)
    %scan3A_229 = arith.constant 0 : i32
    %scan3A_230 = arith.constant 0 : i32
    %scan3A_231 = arith.constant 12 : i32
    %scan3A_232 = arith.addi %scan3A_230, %scan3A_231 : i32
    %scan3A_233 = arith.constant 1 : i32
    %scan3A_234 = scf.for %scan3A_415 = %scan3A_230 to %scan3A_232 step %scan3A_233 iter_args(%scan3A_416 = %scan3A_229) -> (i32)  : i32 {
      %scan3A_417 = arith.constant 0 : i32
      %scan3A_418 = arith.constant 0 : i32
      %scan3A_419 = arith.constant 8 : i32
      %scan3A_420 = arith.addi %scan3A_418, %scan3A_419 : i32
      %scan3A_421 = arith.constant 1 : i32
      %scan3A_422 = scf.for %scan3A_425 = %scan3A_418 to %scan3A_420 step %scan3A_421 iter_args(%scan3A_426 = %scan3A_417) -> (i32)  : i32 {
        %mul3A_427 = arith.constant 16 : i32
        %mul3A_428 = arith.muli %scan3A_425, %mul3A_427 : i32
        %mul3A_429 = arith.constant 128 : i32
        %mul3A_430 = arith.muli %scan3A_415, %mul3A_429 : i32
        %add3A_431 = arith.addi %mul3A_430, %mul3A_428 : i32
        %get3A = arith.index_cast %add3A_431 : i32 to index
        %get3A_432 = tpu.vector_load %arg8[%get3A] {strides = array<i32>} : memref<1536xi32, #tpu.memory_space<vmem>>, vector<16xi32>,
        %get3A_433 = arith.constant 0 : i32
        %get3A_434 = arith.index_cast %scan3A_415 : i32 to index
        %get3A_435 = arith.index_cast %get3A_433 : i32 to index
        %get3A_436 = arith.index_cast %mul3A_428 : i32 to index
        %get3A_437 = tpu.vector_load %arg6[%get3A_434, %get3A_435, %get3A_436] {strides = array<i32>} : memref<12x8x128xf32, #tpu.memory_space<vmem>>, vector<16xf32>,
        %broadcast_in_dim3A_438 = arith.constant 0 : i32
        %broadcast_in_dim3A_439 = vector.broadcast %broadcast_in_dim3A_438 : i32 to vector<16xi32>
        tpu.vector_store_idx %arg10[%broadcast_in_dim3A_439, %get3A_432], %get3A_437 {add = true} : memref<8x10240xf32, #tpu.memory_space<vmem>>[vector<16xi32>, vector<16xi32>], vector<16xf32>,
        %get3A_440 = arith.constant 1 : i32
        %get3A_441 = arith.index_cast %scan3A_415 : i32 to index
        %get3A_442 = arith.index_cast %get3A_440 : i32 to index
        %get3A_443 = arith.index_cast %mul3A_428 : i32 to index
        %get3A_444 = tpu.vector_load %arg6[%get3A_441, %get3A_442, %get3A_443] {strides = array<i32>} : memref<12x8x128xf32, #tpu.memory_space<vmem>>, vector<16xf32>,
        %broadcast_in_dim3A_445 = arith.constant 1 : i32
        %broadcast_in_dim3A_446 = vector.broadcast %broadcast_in_dim3A_445 : i32 to vector<16xi32>
        tpu.vector_store_idx %arg10[%broadcast_in_dim3A_446, %get3A_432], %get3A_444 {add = true} : memref<8x10240xf32, #tpu.memory_space<vmem>>[vector<16xi32>, vector<16xi32>], vector<16xf32>,
        %get3A_447 = arith.constant 2 : i32
        %get3A_448 = arith.index_cast %scan3A_415 : i32 to index
        %get3A_449 = arith.index_cast %get3A_447 : i32 to index
        %get3A_450 = arith.index_cast %mul3A_428 : i32 to index
        %get3A_451 = tpu.vector_load %arg6[%get3A_448, %get3A_449, %get3A_450] {strides = array<i32>} : memref<12x8x128xf32, #tpu.memory_space<vmem>>, vector<16xf32>,
        %broadcast_in_dim3A_452 = arith.constant 2 : i32
        %broadcast_in_dim3A_453 = vector.broadcast %broadcast_in_dim3A_452 : i32 to vector<16xi32>
        tpu.vector_store_idx %arg10[%broadcast_in_dim3A_453, %get3A_432], %get3A_451 {add = true} : memref<8x10240xf32, #tpu.memory_space<vmem>>[vector<16xi32>, vector<16xi32>], vector<16xf32>,
        %get3A_454 = arith.constant 3 : i32
        %get3A_455 = arith.index_cast %scan3A_415 : i32 to index
        %get3A_456 = arith.index_cast %get3A_454 : i32 to index
        %get3A_457 = arith.index_cast %mul3A_428 : i32 to index
        %get3A_458 = tpu.vector_load %arg6[%get3A_455, %get3A_456, %get3A_457] {strides = array<i32>} : memref<12x8x128xf32, #tpu.memory_space<vmem>>, vector<16xf32>,
        %broadcast_in_dim3A_459 = arith.constant 3 : i32
        %broadcast_in_dim3A_460 = vector.broadcast %broadcast_in_dim3A_459 : i32 to vector<16xi32>
        tpu.vector_store_idx %arg10[%broadcast_in_dim3A_460, %get3A_432], %get3A_458 {add = true} : memref<8x10240xf32, #tpu.memory_space<vmem>>[vector<16xi32>, vector<16xi32>], vector<16xf32>,
        %get3A_461 = arith.constant 4 : i32
        %get3A_462 = arith.index_cast %scan3A_415 : i32 to index
        %get3A_463 = arith.index_cast %get3A_461 : i32 to index
        %get3A_464 = arith.index_cast %mul3A_428 : i32 to index
        %get3A_465 = tpu.vector_load %arg6[%get3A_462, %get3A_463, %get3A_464] {strides = array<i32>} : memref<12x8x128xf32, #tpu.memory_space<vmem>>, vector<16xf32>,
        %broadcast_in_dim3A_466 = arith.constant 4 : i32
        %broadcast_in_dim3A_467 = vector.broadcast %broadcast_in_dim3A_466 : i32 to vector<16xi32>
        tpu.vector_store_idx %arg10[%broadcast_in_dim3A_467, %get3A_432], %get3A_465 {add = true} : memref<8x10240xf32, #tpu.memory_space<vmem>>[vector<16xi32>, vector<16xi32>], vector<16xf32>,
        %get3A_468 = arith.constant 5 : i32
        %get3A_469 = arith.index_cast %scan3A_415 : i32 to index
        %get3A_470 = arith.index_cast %get3A_468 : i32 to index
        %get3A_471 = arith.index_cast %mul3A_428 : i32 to index
        %get3A_472 = tpu.vector_load %arg6[%get3A_469, %get3A_470, %get3A_471] {strides = array<i32>} : memref<12x8x128xf32, #tpu.memory_space<vmem>>, vector<16xf32>,
        %broadcast_in_dim3A_473 = arith.constant 5 : i32
        %broadcast_in_dim3A_474 = vector.broadcast %broadcast_in_dim3A_473 : i32 to vector<16xi32>
        tpu.vector_store_idx %arg10[%broadcast_in_dim3A_474, %get3A_432], %get3A_472 {add = true} : memref<8x10240xf32, #tpu.memory_space<vmem>>[vector<16xi32>, vector<16xi32>], vector<16xf32>,
        %get3A_475 = arith.constant 6 : i32
        %get3A_476 = arith.index_cast %scan3A_415 : i32 to index
        %get3A_477 = arith.index_cast %get3A_475 : i32 to index
        %get3A_478 = arith.index_cast %mul3A_428 : i32 to index
        %get3A_479 = tpu.vector_load %arg6[%get3A_476, %get3A_477, %get3A_478] {strides = array<i32>} : memref<12x8x128xf32, #tpu.memory_space<vmem>>, vector<16xf32>,
        %broadcast_in_dim3A_480 = arith.constant 6 : i32
        %broadcast_in_dim3A_481 = vector.broadcast %broadcast_in_dim3A_480 : i32 to vector<16xi32>
        tpu.vector_store_idx %arg10[%broadcast_in_dim3A_481, %get3A_432], %get3A_479 {add = true} : memref<8x10240xf32, #tpu.memory_space<vmem>>[vector<16xi32>, vector<16xi32>], vector<16xf32>,
        %get3A_482 = arith.constant 7 : i32
        %get3A_483 = arith.index_cast %scan3A_415 : i32 to index
        %get3A_484 = arith.index_cast %get3A_482 : i32 to index
        %get3A_485 = arith.index_cast %mul3A_428 : i32 to index
        %get3A_486 = tpu.vector_load %arg6[%get3A_483, %get3A_484, %get3A_485] {strides = array<i32>} : memref<12x8x128xf32, #tpu.memory_space<vmem>>, vector<16xf32>,
        %broadcast_in_dim3A_487 = arith.constant 7 : i32
        %broadcast_in_dim3A_488 = vector.broadcast %broadcast_in_dim3A_487 : i32 to vector<16xi32>
        tpu.vector_store_idx %arg10[%broadcast_in_dim3A_488, %get3A_432], %get3A_486 {add = true} : memref<8x10240xf32, #tpu.memory_space<vmem>>[vector<16xi32>, vector<16xi32>], vector<16xf32>,
        tpu.vector_store_idx %arg11[%get3A_432], %broadcast_in_dim3A_7 {add = true} : memref<10240xf32, #tpu.memory_space<vmem>>[vector<16xi32>], vector<16xf32>,
        %scan3A_489 = arith.constant 0 : i32
        scf.yield %scan3A_489 : i32
      }
      %scan3A_423 = arith.constant 8 : i32
      %scan3A_424 = arith.constant 0 : i32
      scf.yield %scan3A_424 : i32
    }
    %scan3A_235 = arith.constant 12 : i32
    %dma_wait3A_236 = arith.constant 0 : i32
    %dma_wait3A_237 = arith.constant 0 : i32
    %dma_wait3A_238 = tpu.memref_slice %arg3[%arg0, %add3A_216, %dma_wait3A_236, %dma_wait3A_237] : memref<2x2500x8x128xf32, #tpu.memory_space<hbm>> -> memref<1x12x8x128xf32, #tpu.memory_space<hbm>>
    %dma_wait3A_239 = tpu.memref_squeeze %dma_wait3A_238 : memref<1x12x8x128xf32, #tpu.memory_space<hbm>> -> memref<12x8x128xf32, #tpu.memory_space<hbm>>
    %dma_wait3A_240 = arith.constant 0 : i32
    %dma_wait3A_241 = arith.constant 0 : i32
    %dma_wait3A_242 = tpu.memref_slice %arg3[%arg0, %add3A_216, %dma_wait3A_240, %dma_wait3A_241] : memref<2x2500x8x128xf32, #tpu.memory_space<hbm>> -> memref<1x12x8x128xf32, #tpu.memory_space<hbm>>
    %dma_wait3A_243 = tpu.memref_squeeze %dma_wait3A_242 : memref<1x12x8x128xf32, #tpu.memory_space<hbm>> -> memref<12x8x128xf32, #tpu.memory_space<hbm>>
    tpu.wait_dma2 semaphore(%arg13 : memref<!tpu.dma_semaphore, #tpu.memory_space<semaphore_mem>>) src(%dma_wait3A_243 : memref<12x8x128xf32, #tpu.memory_space<hbm>>) dst(%arg7 : memref<12x8x128xf32, #tpu.memory_space<vmem>>)
    %dma_wait3A_244 = tpu.memref_slice %arg2[%mul3A_226] : memref<320000xi32, #tpu.memory_space<hbm>> -> memref<1536xi32, #tpu.memory_space<hbm>>
    %dma_wait3A_245 = tpu.memref_slice %arg2[%mul3A_226] : memref<320000xi32, #tpu.memory_space<hbm>> -> memref<1536xi32, #tpu.memory_space<hbm>>
    tpu.wait_dma2 semaphore(%arg15 : memref<!tpu.dma_semaphore, #tpu.memory_space<semaphore_mem>>) src(%dma_wait3A_245 : memref<1536xi32, #tpu.memory_space<hbm>>) dst(%arg9 : memref<1536xi32, #tpu.memory_space<vmem>>)
    %add3A_246 = arith.constant 96 : i32
    %add3A_247 = arith.addi %mul3A_6, %add3A_246 : i32
    %dma_start3A_248 = arith.constant 0 : i32
    %dma_start3A_249 = arith.constant 0 : i32
    %dma_start3A_250 = tpu.memref_slice %arg3[%arg0, %add3A_247, %dma_start3A_248, %dma_start3A_249] : memref<2x2500x8x128xf32, #tpu.memory_space<hbm>> -> memref<1x12x8x128xf32, #tpu.memory_space<hbm>>
    %dma_start3A_251 = tpu.memref_squeeze %dma_start3A_250 : memref<1x12x8x128xf32, #tpu.memory_space<hbm>> -> memref<12x8x128xf32, #tpu.memory_space<hbm>>
    %dma_start3A_252 = arith.constant 0 : i32
    %dma_start3A_253 = arith.constant 0 : i32
    %dma_start3A_254 = tpu.memref_slice %arg3[%arg0, %add3A_247, %dma_start3A_252, %dma_start3A_253] : memref<2x2500x8x128xf32, #tpu.memory_space<hbm>> -> memref<1x12x8x128xf32, #tpu.memory_space<hbm>>
    %dma_start3A_255 = tpu.memref_squeeze %dma_start3A_254 : memref<1x12x8x128xf32, #tpu.memory_space<hbm>> -> memref<12x8x128xf32, #tpu.memory_space<hbm>>
    tpu.enqueue_dma source(%dma_start3A_255 : memref<12x8x128xf32, #tpu.memory_space<hbm>>) target(%arg6 : memref<12x8x128xf32, #tpu.memory_space<vmem>>) target_semaphore(%arg12 : memref<!tpu.dma_semaphore, #tpu.memory_space<semaphore_mem>>)
    %mul3A_256 = arith.constant 128 : i32
    %mul3A_257 = arith.muli %add3A_247, %mul3A_256 : i32
    %dma_start3A_258 = tpu.memref_slice %arg2[%mul3A_257] : memref<320000xi32, #tpu.memory_space<hbm>> -> memref<1536xi32, #tpu.memory_space<hbm>>
    %dma_start3A_259 = tpu.memref_slice %arg2[%mul3A_257] : memref<320000xi32, #tpu.memory_space<hbm>> -> memref<1536xi32, #tpu.memory_space<hbm>>
    tpu.enqueue_dma source(%dma_start3A_259 : memref<1536xi32, #tpu.memory_space<hbm>>) target(%arg8 : memref<1536xi32, #tpu.memory_space<vmem>>) target_semaphore(%arg14 : memref<!tpu.dma_semaphore, #tpu.memory_space<semaphore_mem>>)
    %scan3A_260 = arith.constant 0 : i32
    %scan3A_261 = arith.constant 0 : i32
    %scan3A_262 = arith.constant 12 : i32
    %scan3A_263 = arith.addi %scan3A_261, %scan3A_262 : i32
    %scan3A_264 = arith.constant 1 : i32
    %scan3A_265 = scf.for %scan3A_415 = %scan3A_261 to %scan3A_263 step %scan3A_264 iter_args(%scan3A_416 = %scan3A_260) -> (i32)  : i32 {
      %scan3A_417 = arith.constant 0 : i32
      %scan3A_418 = arith.constant 0 : i32
      %scan3A_419 = arith.constant 8 : i32
      %scan3A_420 = arith.addi %scan3A_418, %scan3A_419 : i32
      %scan3A_421 = arith.constant 1 : i32
      %scan3A_422 = scf.for %scan3A_425 = %scan3A_418 to %scan3A_420 step %scan3A_421 iter_args(%scan3A_426 = %scan3A_417) -> (i32)  : i32 {
        %mul3A_427 = arith.constant 16 : i32
        %mul3A_428 = arith.muli %scan3A_425, %mul3A_427 : i32
        %mul3A_429 = arith.constant 128 : i32
        %mul3A_430 = arith.muli %scan3A_415, %mul3A_429 : i32
        %add3A_431 = arith.addi %mul3A_430, %mul3A_428 : i32
        %get3A = arith.index_cast %add3A_431 : i32 to index
        %get3A_432 = tpu.vector_load %arg9[%get3A] {strides = array<i32>} : memref<1536xi32, #tpu.memory_space<vmem>>, vector<16xi32>,
        %get3A_433 = arith.constant 0 : i32
        %get3A_434 = arith.index_cast %scan3A_415 : i32 to index
        %get3A_435 = arith.index_cast %get3A_433 : i32 to index
        %get3A_436 = arith.index_cast %mul3A_428 : i32 to index
        %get3A_437 = tpu.vector_load %arg7[%get3A_434, %get3A_435, %get3A_436] {strides = array<i32>} : memref<12x8x128xf32, #tpu.memory_space<vmem>>, vector<16xf32>,
        %broadcast_in_dim3A_438 = arith.constant 0 : i32
        %broadcast_in_dim3A_439 = vector.broadcast %broadcast_in_dim3A_438 : i32 to vector<16xi32>
        tpu.vector_store_idx %arg10[%broadcast_in_dim3A_439, %get3A_432], %get3A_437 {add = true} : memref<8x10240xf32, #tpu.memory_space<vmem>>[vector<16xi32>, vector<16xi32>], vector<16xf32>,
        %get3A_440 = arith.constant 1 : i32
        %get3A_441 = arith.index_cast %scan3A_415 : i32 to index
        %get3A_442 = arith.index_cast %get3A_440 : i32 to index
        %get3A_443 = arith.index_cast %mul3A_428 : i32 to index
        %get3A_444 = tpu.vector_load %arg7[%get3A_441, %get3A_442, %get3A_443] {strides = array<i32>} : memref<12x8x128xf32, #tpu.memory_space<vmem>>, vector<16xf32>,
        %broadcast_in_dim3A_445 = arith.constant 1 : i32
        %broadcast_in_dim3A_446 = vector.broadcast %broadcast_in_dim3A_445 : i32 to vector<16xi32>
        tpu.vector_store_idx %arg10[%broadcast_in_dim3A_446, %get3A_432], %get3A_444 {add = true} : memref<8x10240xf32, #tpu.memory_space<vmem>>[vector<16xi32>, vector<16xi32>], vector<16xf32>,
        %get3A_447 = arith.constant 2 : i32
        %get3A_448 = arith.index_cast %scan3A_415 : i32 to index
        %get3A_449 = arith.index_cast %get3A_447 : i32 to index
        %get3A_450 = arith.index_cast %mul3A_428 : i32 to index
        %get3A_451 = tpu.vector_load %arg7[%get3A_448, %get3A_449, %get3A_450] {strides = array<i32>} : memref<12x8x128xf32, #tpu.memory_space<vmem>>, vector<16xf32>,
        %broadcast_in_dim3A_452 = arith.constant 2 : i32
        %broadcast_in_dim3A_453 = vector.broadcast %broadcast_in_dim3A_452 : i32 to vector<16xi32>
        tpu.vector_store_idx %arg10[%broadcast_in_dim3A_453, %get3A_432], %get3A_451 {add = true} : memref<8x10240xf32, #tpu.memory_space<vmem>>[vector<16xi32>, vector<16xi32>], vector<16xf32>,
        %get3A_454 = arith.constant 3 : i32
        %get3A_455 = arith.index_cast %scan3A_415 : i32 to index
        %get3A_456 = arith.index_cast %get3A_454 : i32 to index
        %get3A_457 = arith.index_cast %mul3A_428 : i32 to index
        %get3A_458 = tpu.vector_load %arg7[%get3A_455, %get3A_456, %get3A_457] {strides = array<i32>} : memref<12x8x128xf32, #tpu.memory_space<vmem>>, vector<16xf32>,
        %broadcast_in_dim3A_459 = arith.constant 3 : i32
        %broadcast_in_dim3A_460 = vector.broadcast %broadcast_in_dim3A_459 : i32 to vector<16xi32>
        tpu.vector_store_idx %arg10[%broadcast_in_dim3A_460, %get3A_432], %get3A_458 {add = true} : memref<8x10240xf32, #tpu.memory_space<vmem>>[vector<16xi32>, vector<16xi32>], vector<16xf32>,
        %get3A_461 = arith.constant 4 : i32
        %get3A_462 = arith.index_cast %scan3A_415 : i32 to index
        %get3A_463 = arith.index_cast %get3A_461 : i32 to index
        %get3A_464 = arith.index_cast %mul3A_428 : i32 to index
        %get3A_465 = tpu.vector_load %arg7[%get3A_462, %get3A_463, %get3A_464] {strides = array<i32>} : memref<12x8x128xf32, #tpu.memory_space<vmem>>, vector<16xf32>,
        %broadcast_in_dim3A_466 = arith.constant 4 : i32
        %broadcast_in_dim3A_467 = vector.broadcast %broadcast_in_dim3A_466 : i32 to vector<16xi32>
        tpu.vector_store_idx %arg10[%broadcast_in_dim3A_467, %get3A_432], %get3A_465 {add = true} : memref<8x10240xf32, #tpu.memory_space<vmem>>[vector<16xi32>, vector<16xi32>], vector<16xf32>,
        %get3A_468 = arith.constant 5 : i32
        %get3A_469 = arith.index_cast %scan3A_415 : i32 to index
        %get3A_470 = arith.index_cast %get3A_468 : i32 to index
        %get3A_471 = arith.index_cast %mul3A_428 : i32 to index
        %get3A_472 = tpu.vector_load %arg7[%get3A_469, %get3A_470, %get3A_471] {strides = array<i32>} : memref<12x8x128xf32, #tpu.memory_space<vmem>>, vector<16xf32>,
        %broadcast_in_dim3A_473 = arith.constant 5 : i32
        %broadcast_in_dim3A_474 = vector.broadcast %broadcast_in_dim3A_473 : i32 to vector<16xi32>
        tpu.vector_store_idx %arg10[%broadcast_in_dim3A_474, %get3A_432], %get3A_472 {add = true} : memref<8x10240xf32, #tpu.memory_space<vmem>>[vector<16xi32>, vector<16xi32>], vector<16xf32>,
        %get3A_475 = arith.constant 6 : i32
        %get3A_476 = arith.index_cast %scan3A_415 : i32 to index
        %get3A_477 = arith.index_cast %get3A_475 : i32 to index
        %get3A_478 = arith.index_cast %mul3A_428 : i32 to index
        %get3A_479 = tpu.vector_load %arg7[%get3A_476, %get3A_477, %get3A_478] {strides = array<i32>} : memref<12x8x128xf32, #tpu.memory_space<vmem>>, vector<16xf32>,
        %broadcast_in_dim3A_480 = arith.constant 6 : i32
        %broadcast_in_dim3A_481 = vector.broadcast %broadcast_in_dim3A_480 : i32 to vector<16xi32>
        tpu.vector_store_idx %arg10[%broadcast_in_dim3A_481, %get3A_432], %get3A_479 {add = true} : memref<8x10240xf32, #tpu.memory_space<vmem>>[vector<16xi32>, vector<16xi32>], vector<16xf32>,
        %get3A_482 = arith.constant 7 : i32
        %get3A_483 = arith.index_cast %scan3A_415 : i32 to index
        %get3A_484 = arith.index_cast %get3A_482 : i32 to index
        %get3A_485 = arith.index_cast %mul3A_428 : i32 to index
        %get3A_486 = tpu.vector_load %arg7[%get3A_483, %get3A_484, %get3A_485] {strides = array<i32>} : memref<12x8x128xf32, #tpu.memory_space<vmem>>, vector<16xf32>,
        %broadcast_in_dim3A_487 = arith.constant 7 : i32
        %broadcast_in_dim3A_488 = vector.broadcast %broadcast_in_dim3A_487 : i32 to vector<16xi32>
        tpu.vector_store_idx %arg10[%broadcast_in_dim3A_488, %get3A_432], %get3A_486 {add = true} : memref<8x10240xf32, #tpu.memory_space<vmem>>[vector<16xi32>, vector<16xi32>], vector<16xf32>,
        tpu.vector_store_idx %arg11[%get3A_432], %broadcast_in_dim3A_7 {add = true} : memref<10240xf32, #tpu.memory_space<vmem>>[vector<16xi32>], vector<16xf32>,
        %scan3A_489 = arith.constant 0 : i32
        scf.yield %scan3A_489 : i32
      }
      %scan3A_423 = arith.constant 8 : i32
      %scan3A_424 = arith.constant 0 : i32
      scf.yield %scan3A_424 : i32
    }
    %scan3A_266 = arith.constant 12 : i32
    %dma_wait3A_267 = arith.constant 0 : i32
    %dma_wait3A_268 = arith.constant 0 : i32
    %dma_wait3A_269 = tpu.memref_slice %arg3[%arg0, %add3A_247, %dma_wait3A_267, %dma_wait3A_268] : memref<2x2500x8x128xf32, #tpu.memory_space<hbm>> -> memref<1x12x8x128xf32, #tpu.memory_space<hbm>>
    %dma_wait3A_270 = tpu.memref_squeeze %dma_wait3A_269 : memref<1x12x8x128xf32, #tpu.memory_space<hbm>> -> memref<12x8x128xf32, #tpu.memory_space<hbm>>
    %dma_wait3A_271 = arith.constant 0 : i32
    %dma_wait3A_272 = arith.constant 0 : i32
    %dma_wait3A_273 = tpu.memref_slice %arg3[%arg0, %add3A_247, %dma_wait3A_271, %dma_wait3A_272] : memref<2x2500x8x128xf32, #tpu.memory_space<hbm>> -> memref<1x12x8x128xf32, #tpu.memory_space<hbm>>
    %dma_wait3A_274 = tpu.memref_squeeze %dma_wait3A_273 : memref<1x12x8x128xf32, #tpu.memory_space<hbm>> -> memref<12x8x128xf32, #tpu.memory_space<hbm>>
    tpu.wait_dma2 semaphore(%arg12 : memref<!tpu.dma_semaphore, #tpu.memory_space<semaphore_mem>>) src(%dma_wait3A_274 : memref<12x8x128xf32, #tpu.memory_space<hbm>>) dst(%arg6 : memref<12x8x128xf32, #tpu.memory_space<vmem>>)
    %dma_wait3A_275 = tpu.memref_slice %arg2[%mul3A_257] : memref<320000xi32, #tpu.memory_space<hbm>> -> memref<1536xi32, #tpu.memory_space<hbm>>
    %dma_wait3A_276 = tpu.memref_slice %arg2[%mul3A_257] : memref<320000xi32, #tpu.memory_space<hbm>> -> memref<1536xi32, #tpu.memory_space<hbm>>
    tpu.wait_dma2 semaphore(%arg14 : memref<!tpu.dma_semaphore, #tpu.memory_space<semaphore_mem>>) src(%dma_wait3A_276 : memref<1536xi32, #tpu.memory_space<hbm>>) dst(%arg8 : memref<1536xi32, #tpu.memory_space<vmem>>)
    %add3A_277 = arith.constant 108 : i32
    %add3A_278 = arith.addi %mul3A_6, %add3A_277 : i32
    %dma_start3A_279 = arith.constant 0 : i32
    %dma_start3A_280 = arith.constant 0 : i32
    %dma_start3A_281 = tpu.memref_slice %arg3[%arg0, %add3A_278, %dma_start3A_279, %dma_start3A_280] : memref<2x2500x8x128xf32, #tpu.memory_space<hbm>> -> memref<1x12x8x128xf32, #tpu.memory_space<hbm>>
    %dma_start3A_282 = tpu.memref_squeeze %dma_start3A_281 : memref<1x12x8x128xf32, #tpu.memory_space<hbm>> -> memref<12x8x128xf32, #tpu.memory_space<hbm>>
    %dma_start3A_283 = arith.constant 0 : i32
    %dma_start3A_284 = arith.constant 0 : i32
    %dma_start3A_285 = tpu.memref_slice %arg3[%arg0, %add3A_278, %dma_start3A_283, %dma_start3A_284] : memref<2x2500x8x128xf32, #tpu.memory_space<hbm>> -> memref<1x12x8x128xf32, #tpu.memory_space<hbm>>
    %dma_start3A_286 = tpu.memref_squeeze %dma_start3A_285 : memref<1x12x8x128xf32, #tpu.memory_space<hbm>> -> memref<12x8x128xf32, #tpu.memory_space<hbm>>
    tpu.enqueue_dma source(%dma_start3A_286 : memref<12x8x128xf32, #tpu.memory_space<hbm>>) target(%arg7 : memref<12x8x128xf32, #tpu.memory_space<vmem>>) target_semaphore(%arg13 : memref<!tpu.dma_semaphore, #tpu.memory_space<semaphore_mem>>)
    %mul3A_287 = arith.constant 128 : i32
    %mul3A_288 = arith.muli %add3A_278, %mul3A_287 : i32
    %dma_start3A_289 = tpu.memref_slice %arg2[%mul3A_288] : memref<320000xi32, #tpu.memory_space<hbm>> -> memref<1536xi32, #tpu.memory_space<hbm>>
    %dma_start3A_290 = tpu.memref_slice %arg2[%mul3A_288] : memref<320000xi32, #tpu.memory_space<hbm>> -> memref<1536xi32, #tpu.memory_space<hbm>>
    tpu.enqueue_dma source(%dma_start3A_290 : memref<1536xi32, #tpu.memory_space<hbm>>) target(%arg9 : memref<1536xi32, #tpu.memory_space<vmem>>) target_semaphore(%arg15 : memref<!tpu.dma_semaphore, #tpu.memory_space<semaphore_mem>>)
    %scan3A_291 = arith.constant 0 : i32
    %scan3A_292 = arith.constant 0 : i32
    %scan3A_293 = arith.constant 12 : i32
    %scan3A_294 = arith.addi %scan3A_292, %scan3A_293 : i32
    %scan3A_295 = arith.constant 1 : i32
    %scan3A_296 = scf.for %scan3A_415 = %scan3A_292 to %scan3A_294 step %scan3A_295 iter_args(%scan3A_416 = %scan3A_291) -> (i32)  : i32 {
      %scan3A_417 = arith.constant 0 : i32
      %scan3A_418 = arith.constant 0 : i32
      %scan3A_419 = arith.constant 8 : i32
      %scan3A_420 = arith.addi %scan3A_418, %scan3A_419 : i32
      %scan3A_421 = arith.constant 1 : i32
      %scan3A_422 = scf.for %scan3A_425 = %scan3A_418 to %scan3A_420 step %scan3A_421 iter_args(%scan3A_426 = %scan3A_417) -> (i32)  : i32 {
        %mul3A_427 = arith.constant 16 : i32
        %mul3A_428 = arith.muli %scan3A_425, %mul3A_427 : i32
        %mul3A_429 = arith.constant 128 : i32
        %mul3A_430 = arith.muli %scan3A_415, %mul3A_429 : i32
        %add3A_431 = arith.addi %mul3A_430, %mul3A_428 : i32
        %get3A = arith.index_cast %add3A_431 : i32 to index
        %get3A_432 = tpu.vector_load %arg8[%get3A] {strides = array<i32>} : memref<1536xi32, #tpu.memory_space<vmem>>, vector<16xi32>,
        %get3A_433 = arith.constant 0 : i32
        %get3A_434 = arith.index_cast %scan3A_415 : i32 to index
        %get3A_435 = arith.index_cast %get3A_433 : i32 to index
        %get3A_436 = arith.index_cast %mul3A_428 : i32 to index
        %get3A_437 = tpu.vector_load %arg6[%get3A_434, %get3A_435, %get3A_436] {strides = array<i32>} : memref<12x8x128xf32, #tpu.memory_space<vmem>>, vector<16xf32>,
        %broadcast_in_dim3A_438 = arith.constant 0 : i32
        %broadcast_in_dim3A_439 = vector.broadcast %broadcast_in_dim3A_438 : i32 to vector<16xi32>
        tpu.vector_store_idx %arg10[%broadcast_in_dim3A_439, %get3A_432], %get3A_437 {add = true} : memref<8x10240xf32, #tpu.memory_space<vmem>>[vector<16xi32>, vector<16xi32>], vector<16xf32>,
        %get3A_440 = arith.constant 1 : i32
        %get3A_441 = arith.index_cast %scan3A_415 : i32 to index
        %get3A_442 = arith.index_cast %get3A_440 : i32 to index
        %get3A_443 = arith.index_cast %mul3A_428 : i32 to index
        %get3A_444 = tpu.vector_load %arg6[%get3A_441, %get3A_442, %get3A_443] {strides = array<i32>} : memref<12x8x128xf32, #tpu.memory_space<vmem>>, vector<16xf32>,
        %broadcast_in_dim3A_445 = arith.constant 1 : i32
        %broadcast_in_dim3A_446 = vector.broadcast %broadcast_in_dim3A_445 : i32 to vector<16xi32>
        tpu.vector_store_idx %arg10[%broadcast_in_dim3A_446, %get3A_432], %get3A_444 {add = true} : memref<8x10240xf32, #tpu.memory_space<vmem>>[vector<16xi32>, vector<16xi32>], vector<16xf32>,
        %get3A_447 = arith.constant 2 : i32
        %get3A_448 = arith.index_cast %scan3A_415 : i32 to index
        %get3A_449 = arith.index_cast %get3A_447 : i32 to index
        %get3A_450 = arith.index_cast %mul3A_428 : i32 to index
        %get3A_451 = tpu.vector_load %arg6[%get3A_448, %get3A_449, %get3A_450] {strides = array<i32>} : memref<12x8x128xf32, #tpu.memory_space<vmem>>, vector<16xf32>,
        %broadcast_in_dim3A_452 = arith.constant 2 : i32
        %broadcast_in_dim3A_453 = vector.broadcast %broadcast_in_dim3A_452 : i32 to vector<16xi32>
        tpu.vector_store_idx %arg10[%broadcast_in_dim3A_453, %get3A_432], %get3A_451 {add = true} : memref<8x10240xf32, #tpu.memory_space<vmem>>[vector<16xi32>, vector<16xi32>], vector<16xf32>,
        %get3A_454 = arith.constant 3 : i32
        %get3A_455 = arith.index_cast %scan3A_415 : i32 to index
        %get3A_456 = arith.index_cast %get3A_454 : i32 to index
        %get3A_457 = arith.index_cast %mul3A_428 : i32 to index
        %get3A_458 = tpu.vector_load %arg6[%get3A_455, %get3A_456, %get3A_457] {strides = array<i32>} : memref<12x8x128xf32, #tpu.memory_space<vmem>>, vector<16xf32>,
        %broadcast_in_dim3A_459 = arith.constant 3 : i32
        %broadcast_in_dim3A_460 = vector.broadcast %broadcast_in_dim3A_459 : i32 to vector<16xi32>
        tpu.vector_store_idx %arg10[%broadcast_in_dim3A_460, %get3A_432], %get3A_458 {add = true} : memref<8x10240xf32, #tpu.memory_space<vmem>>[vector<16xi32>, vector<16xi32>], vector<16xf32>,
        %get3A_461 = arith.constant 4 : i32
        %get3A_462 = arith.index_cast %scan3A_415 : i32 to index
        %get3A_463 = arith.index_cast %get3A_461 : i32 to index
        %get3A_464 = arith.index_cast %mul3A_428 : i32 to index
        %get3A_465 = tpu.vector_load %arg6[%get3A_462, %get3A_463, %get3A_464] {strides = array<i32>} : memref<12x8x128xf32, #tpu.memory_space<vmem>>, vector<16xf32>,
        %broadcast_in_dim3A_466 = arith.constant 4 : i32
        %broadcast_in_dim3A_467 = vector.broadcast %broadcast_in_dim3A_466 : i32 to vector<16xi32>
        tpu.vector_store_idx %arg10[%broadcast_in_dim3A_467, %get3A_432], %get3A_465 {add = true} : memref<8x10240xf32, #tpu.memory_space<vmem>>[vector<16xi32>, vector<16xi32>], vector<16xf32>,
        %get3A_468 = arith.constant 5 : i32
        %get3A_469 = arith.index_cast %scan3A_415 : i32 to index
        %get3A_470 = arith.index_cast %get3A_468 : i32 to index
        %get3A_471 = arith.index_cast %mul3A_428 : i32 to index
        %get3A_472 = tpu.vector_load %arg6[%get3A_469, %get3A_470, %get3A_471] {strides = array<i32>} : memref<12x8x128xf32, #tpu.memory_space<vmem>>, vector<16xf32>,
        %broadcast_in_dim3A_473 = arith.constant 5 : i32
        %broadcast_in_dim3A_474 = vector.broadcast %broadcast_in_dim3A_473 : i32 to vector<16xi32>
        tpu.vector_store_idx %arg10[%broadcast_in_dim3A_474, %get3A_432], %get3A_472 {add = true} : memref<8x10240xf32, #tpu.memory_space<vmem>>[vector<16xi32>, vector<16xi32>], vector<16xf32>,
        %get3A_475 = arith.constant 6 : i32
        %get3A_476 = arith.index_cast %scan3A_415 : i32 to index
        %get3A_477 = arith.index_cast %get3A_475 : i32 to index
        %get3A_478 = arith.index_cast %mul3A_428 : i32 to index
        %get3A_479 = tpu.vector_load %arg6[%get3A_476, %get3A_477, %get3A_478] {strides = array<i32>} : memref<12x8x128xf32, #tpu.memory_space<vmem>>, vector<16xf32>,
        %broadcast_in_dim3A_480 = arith.constant 6 : i32
        %broadcast_in_dim3A_481 = vector.broadcast %broadcast_in_dim3A_480 : i32 to vector<16xi32>
        tpu.vector_store_idx %arg10[%broadcast_in_dim3A_481, %get3A_432], %get3A_479 {add = true} : memref<8x10240xf32, #tpu.memory_space<vmem>>[vector<16xi32>, vector<16xi32>], vector<16xf32>,
        %get3A_482 = arith.constant 7 : i32
        %get3A_483 = arith.index_cast %scan3A_415 : i32 to index
        %get3A_484 = arith.index_cast %get3A_482 : i32 to index
        %get3A_485 = arith.index_cast %mul3A_428 : i32 to index
        %get3A_486 = tpu.vector_load %arg6[%get3A_483, %get3A_484, %get3A_485] {strides = array<i32>} : memref<12x8x128xf32, #tpu.memory_space<vmem>>, vector<16xf32>,
        %broadcast_in_dim3A_487 = arith.constant 7 : i32
        %broadcast_in_dim3A_488 = vector.broadcast %broadcast_in_dim3A_487 : i32 to vector<16xi32>
        tpu.vector_store_idx %arg10[%broadcast_in_dim3A_488, %get3A_432], %get3A_486 {add = true} : memref<8x10240xf32, #tpu.memory_space<vmem>>[vector<16xi32>, vector<16xi32>], vector<16xf32>,
        tpu.vector_store_idx %arg11[%get3A_432], %broadcast_in_dim3A_7 {add = true} : memref<10240xf32, #tpu.memory_space<vmem>>[vector<16xi32>], vector<16xf32>,
        %scan3A_489 = arith.constant 0 : i32
        scf.yield %scan3A_489 : i32
      }
      %scan3A_423 = arith.constant 8 : i32
      %scan3A_424 = arith.constant 0 : i32
      scf.yield %scan3A_424 : i32
    }
    %scan3A_297 = arith.constant 12 : i32
    %dma_wait3A_298 = arith.constant 0 : i32
    %dma_wait3A_299 = arith.constant 0 : i32
    %dma_wait3A_300 = tpu.memref_slice %arg3[%arg0, %add3A_278, %dma_wait3A_298, %dma_wait3A_299] : memref<2x2500x8x128xf32, #tpu.memory_space<hbm>> -> memref<1x12x8x128xf32, #tpu.memory_space<hbm>>
    %dma_wait3A_301 = tpu.memref_squeeze %dma_wait3A_300 : memref<1x12x8x128xf32, #tpu.memory_space<hbm>> -> memref<12x8x128xf32, #tpu.memory_space<hbm>>
    %dma_wait3A_302 = arith.constant 0 : i32
    %dma_wait3A_303 = arith.constant 0 : i32
    %dma_wait3A_304 = tpu.memref_slice %arg3[%arg0, %add3A_278, %dma_wait3A_302, %dma_wait3A_303] : memref<2x2500x8x128xf32, #tpu.memory_space<hbm>> -> memref<1x12x8x128xf32, #tpu.memory_space<hbm>>
    %dma_wait3A_305 = tpu.memref_squeeze %dma_wait3A_304 : memref<1x12x8x128xf32, #tpu.memory_space<hbm>> -> memref<12x8x128xf32, #tpu.memory_space<hbm>>
    tpu.wait_dma2 semaphore(%arg13 : memref<!tpu.dma_semaphore, #tpu.memory_space<semaphore_mem>>) src(%dma_wait3A_305 : memref<12x8x128xf32, #tpu.memory_space<hbm>>) dst(%arg7 : memref<12x8x128xf32, #tpu.memory_space<vmem>>)
    %dma_wait3A_306 = tpu.memref_slice %arg2[%mul3A_288] : memref<320000xi32, #tpu.memory_space<hbm>> -> memref<1536xi32, #tpu.memory_space<hbm>>
    %dma_wait3A_307 = tpu.memref_slice %arg2[%mul3A_288] : memref<320000xi32, #tpu.memory_space<hbm>> -> memref<1536xi32, #tpu.memory_space<hbm>>
    tpu.wait_dma2 semaphore(%arg15 : memref<!tpu.dma_semaphore, #tpu.memory_space<semaphore_mem>>) src(%dma_wait3A_307 : memref<1536xi32, #tpu.memory_space<hbm>>) dst(%arg9 : memref<1536xi32, #tpu.memory_space<vmem>>)
    %add3A_308 = arith.constant 120 : i32
    %add3A_309 = arith.addi %mul3A_6, %add3A_308 : i32
    %dma_start3A_310 = arith.constant 0 : i32
    %dma_start3A_311 = arith.constant 0 : i32
    %dma_start3A_312 = tpu.memref_slice %arg3[%arg0, %add3A_309, %dma_start3A_310, %dma_start3A_311] : memref<2x2500x8x128xf32, #tpu.memory_space<hbm>> -> memref<1x12x8x128xf32, #tpu.memory_space<hbm>>
    %dma_start3A_313 = tpu.memref_squeeze %dma_start3A_312 : memref<1x12x8x128xf32, #tpu.memory_space<hbm>> -> memref<12x8x128xf32, #tpu.memory_space<hbm>>
    %dma_start3A_314 = arith.constant 0 : i32
    %dma_start3A_315 = arith.constant 0 : i32
    %dma_start3A_316 = tpu.memref_slice %arg3[%arg0, %add3A_309, %dma_start3A_314, %dma_start3A_315] : memref<2x2500x8x128xf32, #tpu.memory_space<hbm>> -> memref<1x12x8x128xf32, #tpu.memory_space<hbm>>
    %dma_start3A_317 = tpu.memref_squeeze %dma_start3A_316 : memref<1x12x8x128xf32, #tpu.memory_space<hbm>> -> memref<12x8x128xf32, #tpu.memory_space<hbm>>
    tpu.enqueue_dma source(%dma_start3A_317 : memref<12x8x128xf32, #tpu.memory_space<hbm>>) target(%arg6 : memref<12x8x128xf32, #tpu.memory_space<vmem>>) target_semaphore(%arg12 : memref<!tpu.dma_semaphore, #tpu.memory_space<semaphore_mem>>)
    %mul3A_318 = arith.constant 128 : i32
    %mul3A_319 = arith.muli %add3A_309, %mul3A_318 : i32
    %dma_start3A_320 = tpu.memref_slice %arg2[%mul3A_319] : memref<320000xi32, #tpu.memory_space<hbm>> -> memref<1536xi32, #tpu.memory_space<hbm>>
    %dma_start3A_321 = tpu.memref_slice %arg2[%mul3A_319] : memref<320000xi32, #tpu.memory_space<hbm>> -> memref<1536xi32, #tpu.memory_space<hbm>>
    tpu.enqueue_dma source(%dma_start3A_321 : memref<1536xi32, #tpu.memory_space<hbm>>) target(%arg8 : memref<1536xi32, #tpu.memory_space<vmem>>) target_semaphore(%arg14 : memref<!tpu.dma_semaphore, #tpu.memory_space<semaphore_mem>>)
    %scan3A_322 = arith.constant 0 : i32
    %scan3A_323 = arith.constant 0 : i32
    %scan3A_324 = arith.constant 12 : i32
    %scan3A_325 = arith.addi %scan3A_323, %scan3A_324 : i32
    %scan3A_326 = arith.constant 1 : i32
    %scan3A_327 = scf.for %scan3A_415 = %scan3A_323 to %scan3A_325 step %scan3A_326 iter_args(%scan3A_416 = %scan3A_322) -> (i32)  : i32 {
      %scan3A_417 = arith.constant 0 : i32
      %scan3A_418 = arith.constant 0 : i32
      %scan3A_419 = arith.constant 8 : i32
      %scan3A_420 = arith.addi %scan3A_418, %scan3A_419 : i32
      %scan3A_421 = arith.constant 1 : i32
      %scan3A_422 = scf.for %scan3A_425 = %scan3A_418 to %scan3A_420 step %scan3A_421 iter_args(%scan3A_426 = %scan3A_417) -> (i32)  : i32 {
        %mul3A_427 = arith.constant 16 : i32
        %mul3A_428 = arith.muli %scan3A_425, %mul3A_427 : i32
        %mul3A_429 = arith.constant 128 : i32
        %mul3A_430 = arith.muli %scan3A_415, %mul3A_429 : i32
        %add3A_431 = arith.addi %mul3A_430, %mul3A_428 : i32
        %get3A = arith.index_cast %add3A_431 : i32 to index
        %get3A_432 = tpu.vector_load %arg9[%get3A] {strides = array<i32>} : memref<1536xi32, #tpu.memory_space<vmem>>, vector<16xi32>,
        %get3A_433 = arith.constant 0 : i32
        %get3A_434 = arith.index_cast %scan3A_415 : i32 to index
        %get3A_435 = arith.index_cast %get3A_433 : i32 to index
        %get3A_436 = arith.index_cast %mul3A_428 : i32 to index
        %get3A_437 = tpu.vector_load %arg7[%get3A_434, %get3A_435, %get3A_436] {strides = array<i32>} : memref<12x8x128xf32, #tpu.memory_space<vmem>>, vector<16xf32>,
        %broadcast_in_dim3A_438 = arith.constant 0 : i32
        %broadcast_in_dim3A_439 = vector.broadcast %broadcast_in_dim3A_438 : i32 to vector<16xi32>
        tpu.vector_store_idx %arg10[%broadcast_in_dim3A_439, %get3A_432], %get3A_437 {add = true} : memref<8x10240xf32, #tpu.memory_space<vmem>>[vector<16xi32>, vector<16xi32>], vector<16xf32>,
        %get3A_440 = arith.constant 1 : i32
        %get3A_441 = arith.index_cast %scan3A_415 : i32 to index
        %get3A_442 = arith.index_cast %get3A_440 : i32 to index
        %get3A_443 = arith.index_cast %mul3A_428 : i32 to index
        %get3A_444 = tpu.vector_load %arg7[%get3A_441, %get3A_442, %get3A_443] {strides = array<i32>} : memref<12x8x128xf32, #tpu.memory_space<vmem>>, vector<16xf32>,
        %broadcast_in_dim3A_445 = arith.constant 1 : i32
        %broadcast_in_dim3A_446 = vector.broadcast %broadcast_in_dim3A_445 : i32 to vector<16xi32>
        tpu.vector_store_idx %arg10[%broadcast_in_dim3A_446, %get3A_432], %get3A_444 {add = true} : memref<8x10240xf32, #tpu.memory_space<vmem>>[vector<16xi32>, vector<16xi32>], vector<16xf32>,
        %get3A_447 = arith.constant 2 : i32
        %get3A_448 = arith.index_cast %scan3A_415 : i32 to index
        %get3A_449 = arith.index_cast %get3A_447 : i32 to index
        %get3A_450 = arith.index_cast %mul3A_428 : i32 to index
        %get3A_451 = tpu.vector_load %arg7[%get3A_448, %get3A_449, %get3A_450] {strides = array<i32>} : memref<12x8x128xf32, #tpu.memory_space<vmem>>, vector<16xf32>,
        %broadcast_in_dim3A_452 = arith.constant 2 : i32
        %broadcast_in_dim3A_453 = vector.broadcast %broadcast_in_dim3A_452 : i32 to vector<16xi32>
        tpu.vector_store_idx %arg10[%broadcast_in_dim3A_453, %get3A_432], %get3A_451 {add = true} : memref<8x10240xf32, #tpu.memory_space<vmem>>[vector<16xi32>, vector<16xi32>], vector<16xf32>,
        %get3A_454 = arith.constant 3 : i32
        %get3A_455 = arith.index_cast %scan3A_415 : i32 to index
        %get3A_456 = arith.index_cast %get3A_454 : i32 to index
        %get3A_457 = arith.index_cast %mul3A_428 : i32 to index
        %get3A_458 = tpu.vector_load %arg7[%get3A_455, %get3A_456, %get3A_457] {strides = array<i32>} : memref<12x8x128xf32, #tpu.memory_space<vmem>>, vector<16xf32>,
        %broadcast_in_dim3A_459 = arith.constant 3 : i32
        %broadcast_in_dim3A_460 = vector.broadcast %broadcast_in_dim3A_459 : i32 to vector<16xi32>
        tpu.vector_store_idx %arg10[%broadcast_in_dim3A_460, %get3A_432], %get3A_458 {add = true} : memref<8x10240xf32, #tpu.memory_space<vmem>>[vector<16xi32>, vector<16xi32>], vector<16xf32>,
        %get3A_461 = arith.constant 4 : i32
        %get3A_462 = arith.index_cast %scan3A_415 : i32 to index
        %get3A_463 = arith.index_cast %get3A_461 : i32 to index
        %get3A_464 = arith.index_cast %mul3A_428 : i32 to index
        %get3A_465 = tpu.vector_load %arg7[%get3A_462, %get3A_463, %get3A_464] {strides = array<i32>} : memref<12x8x128xf32, #tpu.memory_space<vmem>>, vector<16xf32>,
        %broadcast_in_dim3A_466 = arith.constant 4 : i32
        %broadcast_in_dim3A_467 = vector.broadcast %broadcast_in_dim3A_466 : i32 to vector<16xi32>
        tpu.vector_store_idx %arg10[%broadcast_in_dim3A_467, %get3A_432], %get3A_465 {add = true} : memref<8x10240xf32, #tpu.memory_space<vmem>>[vector<16xi32>, vector<16xi32>], vector<16xf32>,
        %get3A_468 = arith.constant 5 : i32
        %get3A_469 = arith.index_cast %scan3A_415 : i32 to index
        %get3A_470 = arith.index_cast %get3A_468 : i32 to index
        %get3A_471 = arith.index_cast %mul3A_428 : i32 to index
        %get3A_472 = tpu.vector_load %arg7[%get3A_469, %get3A_470, %get3A_471] {strides = array<i32>} : memref<12x8x128xf32, #tpu.memory_space<vmem>>, vector<16xf32>,
        %broadcast_in_dim3A_473 = arith.constant 5 : i32
        %broadcast_in_dim3A_474 = vector.broadcast %broadcast_in_dim3A_473 : i32 to vector<16xi32>
        tpu.vector_store_idx %arg10[%broadcast_in_dim3A_474, %get3A_432], %get3A_472 {add = true} : memref<8x10240xf32, #tpu.memory_space<vmem>>[vector<16xi32>, vector<16xi32>], vector<16xf32>,
        %get3A_475 = arith.constant 6 : i32
        %get3A_476 = arith.index_cast %scan3A_415 : i32 to index
        %get3A_477 = arith.index_cast %get3A_475 : i32 to index
        %get3A_478 = arith.index_cast %mul3A_428 : i32 to index
        %get3A_479 = tpu.vector_load %arg7[%get3A_476, %get3A_477, %get3A_478] {strides = array<i32>} : memref<12x8x128xf32, #tpu.memory_space<vmem>>, vector<16xf32>,
        %broadcast_in_dim3A_480 = arith.constant 6 : i32
        %broadcast_in_dim3A_481 = vector.broadcast %broadcast_in_dim3A_480 : i32 to vector<16xi32>
        tpu.vector_store_idx %arg10[%broadcast_in_dim3A_481, %get3A_432], %get3A_479 {add = true} : memref<8x10240xf32, #tpu.memory_space<vmem>>[vector<16xi32>, vector<16xi32>], vector<16xf32>,
        %get3A_482 = arith.constant 7 : i32
        %get3A_483 = arith.index_cast %scan3A_415 : i32 to index
        %get3A_484 = arith.index_cast %get3A_482 : i32 to index
        %get3A_485 = arith.index_cast %mul3A_428 : i32 to index
        %get3A_486 = tpu.vector_load %arg7[%get3A_483, %get3A_484, %get3A_485] {strides = array<i32>} : memref<12x8x128xf32, #tpu.memory_space<vmem>>, vector<16xf32>,
        %broadcast_in_dim3A_487 = arith.constant 7 : i32
        %broadcast_in_dim3A_488 = vector.broadcast %broadcast_in_dim3A_487 : i32 to vector<16xi32>
        tpu.vector_store_idx %arg10[%broadcast_in_dim3A_488, %get3A_432], %get3A_486 {add = true} : memref<8x10240xf32, #tpu.memory_space<vmem>>[vector<16xi32>, vector<16xi32>], vector<16xf32>,
        tpu.vector_store_idx %arg11[%get3A_432], %broadcast_in_dim3A_7 {add = true} : memref<10240xf32, #tpu.memory_space<vmem>>[vector<16xi32>], vector<16xf32>,
        %scan3A_489 = arith.constant 0 : i32
        scf.yield %scan3A_489 : i32
      }
      %scan3A_423 = arith.constant 8 : i32
      %scan3A_424 = arith.constant 0 : i32
      scf.yield %scan3A_424 : i32
    }
    %scan3A_328 = arith.constant 12 : i32
    %dma_wait3A_329 = arith.constant 0 : i32
    %dma_wait3A_330 = arith.constant 0 : i32
    %dma_wait3A_331 = tpu.memref_slice %arg3[%arg0, %add3A_309, %dma_wait3A_329, %dma_wait3A_330] : memref<2x2500x8x128xf32, #tpu.memory_space<hbm>> -> memref<1x12x8x128xf32, #tpu.memory_space<hbm>>
    %dma_wait3A_332 = tpu.memref_squeeze %dma_wait3A_331 : memref<1x12x8x128xf32, #tpu.memory_space<hbm>> -> memref<12x8x128xf32, #tpu.memory_space<hbm>>
    %dma_wait3A_333 = arith.constant 0 : i32
    %dma_wait3A_334 = arith.constant 0 : i32
    %dma_wait3A_335 = tpu.memref_slice %arg3[%arg0, %add3A_309, %dma_wait3A_333, %dma_wait3A_334] : memref<2x2500x8x128xf32, #tpu.memory_space<hbm>> -> memref<1x12x8x128xf32, #tpu.memory_space<hbm>>
    %dma_wait3A_336 = tpu.memref_squeeze %dma_wait3A_335 : memref<1x12x8x128xf32, #tpu.memory_space<hbm>> -> memref<12x8x128xf32, #tpu.memory_space<hbm>>
    tpu.wait_dma2 semaphore(%arg12 : memref<!tpu.dma_semaphore, #tpu.memory_space<semaphore_mem>>) src(%dma_wait3A_336 : memref<12x8x128xf32, #tpu.memory_space<hbm>>) dst(%arg6 : memref<12x8x128xf32, #tpu.memory_space<vmem>>)
    %dma_wait3A_337 = tpu.memref_slice %arg2[%mul3A_319] : memref<320000xi32, #tpu.memory_space<hbm>> -> memref<1536xi32, #tpu.memory_space<hbm>>
    %dma_wait3A_338 = tpu.memref_slice %arg2[%mul3A_319] : memref<320000xi32, #tpu.memory_space<hbm>> -> memref<1536xi32, #tpu.memory_space<hbm>>
    tpu.wait_dma2 semaphore(%arg14 : memref<!tpu.dma_semaphore, #tpu.memory_space<semaphore_mem>>) src(%dma_wait3A_338 : memref<1536xi32, #tpu.memory_space<hbm>>) dst(%arg8 : memref<1536xi32, #tpu.memory_space<vmem>>)
    %add3A_339 = arith.constant 132 : i32
    %add3A_340 = arith.addi %mul3A_6, %add3A_339 : i32
    %dma_start3A_341 = arith.constant 0 : i32
    %dma_start3A_342 = arith.constant 0 : i32
    %dma_start3A_343 = tpu.memref_slice %arg3[%arg0, %add3A_340, %dma_start3A_341, %dma_start3A_342] : memref<2x2500x8x128xf32, #tpu.memory_space<hbm>> -> memref<1x12x8x128xf32, #tpu.memory_space<hbm>>
    %dma_start3A_344 = tpu.memref_squeeze %dma_start3A_343 : memref<1x12x8x128xf32, #tpu.memory_space<hbm>> -> memref<12x8x128xf32, #tpu.memory_space<hbm>>
    %dma_start3A_345 = arith.constant 0 : i32
    %dma_start3A_346 = arith.constant 0 : i32
    %dma_start3A_347 = tpu.memref_slice %arg3[%arg0, %add3A_340, %dma_start3A_345, %dma_start3A_346] : memref<2x2500x8x128xf32, #tpu.memory_space<hbm>> -> memref<1x12x8x128xf32, #tpu.memory_space<hbm>>
    %dma_start3A_348 = tpu.memref_squeeze %dma_start3A_347 : memref<1x12x8x128xf32, #tpu.memory_space<hbm>> -> memref<12x8x128xf32, #tpu.memory_space<hbm>>
    tpu.enqueue_dma source(%dma_start3A_348 : memref<12x8x128xf32, #tpu.memory_space<hbm>>) target(%arg7 : memref<12x8x128xf32, #tpu.memory_space<vmem>>) target_semaphore(%arg13 : memref<!tpu.dma_semaphore, #tpu.memory_space<semaphore_mem>>)
    %mul3A_349 = arith.constant 128 : i32
    %mul3A_350 = arith.muli %add3A_340, %mul3A_349 : i32
    %dma_start3A_351 = tpu.memref_slice %arg2[%mul3A_350] : memref<320000xi32, #tpu.memory_space<hbm>> -> memref<1536xi32, #tpu.memory_space<hbm>>
    %dma_start3A_352 = tpu.memref_slice %arg2[%mul3A_350] : memref<320000xi32, #tpu.memory_space<hbm>> -> memref<1536xi32, #tpu.memory_space<hbm>>
    tpu.enqueue_dma source(%dma_start3A_352 : memref<1536xi32, #tpu.memory_space<hbm>>) target(%arg9 : memref<1536xi32, #tpu.memory_space<vmem>>) target_semaphore(%arg15 : memref<!tpu.dma_semaphore, #tpu.memory_space<semaphore_mem>>)
    %scan3A_353 = arith.constant 0 : i32
    %scan3A_354 = arith.constant 0 : i32
    %scan3A_355 = arith.constant 12 : i32
    %scan3A_356 = arith.addi %scan3A_354, %scan3A_355 : i32
    %scan3A_357 = arith.constant 1 : i32
    %scan3A_358 = scf.for %scan3A_415 = %scan3A_354 to %scan3A_356 step %scan3A_357 iter_args(%scan3A_416 = %scan3A_353) -> (i32)  : i32 {
      %scan3A_417 = arith.constant 0 : i32
      %scan3A_418 = arith.constant 0 : i32
      %scan3A_419 = arith.constant 8 : i32
      %scan3A_420 = arith.addi %scan3A_418, %scan3A_419 : i32
      %scan3A_421 = arith.constant 1 : i32
      %scan3A_422 = scf.for %scan3A_425 = %scan3A_418 to %scan3A_420 step %scan3A_421 iter_args(%scan3A_426 = %scan3A_417) -> (i32)  : i32 {
        %mul3A_427 = arith.constant 16 : i32
        %mul3A_428 = arith.muli %scan3A_425, %mul3A_427 : i32
        %mul3A_429 = arith.constant 128 : i32
        %mul3A_430 = arith.muli %scan3A_415, %mul3A_429 : i32
        %add3A_431 = arith.addi %mul3A_430, %mul3A_428 : i32
        %get3A = arith.index_cast %add3A_431 : i32 to index
        %get3A_432 = tpu.vector_load %arg8[%get3A] {strides = array<i32>} : memref<1536xi32, #tpu.memory_space<vmem>>, vector<16xi32>,
        %get3A_433 = arith.constant 0 : i32
        %get3A_434 = arith.index_cast %scan3A_415 : i32 to index
        %get3A_435 = arith.index_cast %get3A_433 : i32 to index
        %get3A_436 = arith.index_cast %mul3A_428 : i32 to index
        %get3A_437 = tpu.vector_load %arg6[%get3A_434, %get3A_435, %get3A_436] {strides = array<i32>} : memref<12x8x128xf32, #tpu.memory_space<vmem>>, vector<16xf32>,
        %broadcast_in_dim3A_438 = arith.constant 0 : i32
        %broadcast_in_dim3A_439 = vector.broadcast %broadcast_in_dim3A_438 : i32 to vector<16xi32>
        tpu.vector_store_idx %arg10[%broadcast_in_dim3A_439, %get3A_432], %get3A_437 {add = true} : memref<8x10240xf32, #tpu.memory_space<vmem>>[vector<16xi32>, vector<16xi32>], vector<16xf32>,
        %get3A_440 = arith.constant 1 : i32
        %get3A_441 = arith.index_cast %scan3A_415 : i32 to index
        %get3A_442 = arith.index_cast %get3A_440 : i32 to index
        %get3A_443 = arith.index_cast %mul3A_428 : i32 to index
        %get3A_444 = tpu.vector_load %arg6[%get3A_441, %get3A_442, %get3A_443] {strides = array<i32>} : memref<12x8x128xf32, #tpu.memory_space<vmem>>, vector<16xf32>,
        %broadcast_in_dim3A_445 = arith.constant 1 : i32
        %broadcast_in_dim3A_446 = vector.broadcast %broadcast_in_dim3A_445 : i32 to vector<16xi32>
        tpu.vector_store_idx %arg10[%broadcast_in_dim3A_446, %get3A_432], %get3A_444 {add = true} : memref<8x10240xf32, #tpu.memory_space<vmem>>[vector<16xi32>, vector<16xi32>], vector<16xf32>,
        %get3A_447 = arith.constant 2 : i32
        %get3A_448 = arith.index_cast %scan3A_415 : i32 to index
        %get3A_449 = arith.index_cast %get3A_447 : i32 to index
        %get3A_450 = arith.index_cast %mul3A_428 : i32 to index
        %get3A_451 = tpu.vector_load %arg6[%get3A_448, %get3A_449, %get3A_450] {strides = array<i32>} : memref<12x8x128xf32, #tpu.memory_space<vmem>>, vector<16xf32>,
        %broadcast_in_dim3A_452 = arith.constant 2 : i32
        %broadcast_in_dim3A_453 = vector.broadcast %broadcast_in_dim3A_452 : i32 to vector<16xi32>
        tpu.vector_store_idx %arg10[%broadcast_in_dim3A_453, %get3A_432], %get3A_451 {add = true} : memref<8x10240xf32, #tpu.memory_space<vmem>>[vector<16xi32>, vector<16xi32>], vector<16xf32>,
        %get3A_454 = arith.constant 3 : i32
        %get3A_455 = arith.index_cast %scan3A_415 : i32 to index
        %get3A_456 = arith.index_cast %get3A_454 : i32 to index
        %get3A_457 = arith.index_cast %mul3A_428 : i32 to index
        %get3A_458 = tpu.vector_load %arg6[%get3A_455, %get3A_456, %get3A_457] {strides = array<i32>} : memref<12x8x128xf32, #tpu.memory_space<vmem>>, vector<16xf32>,
        %broadcast_in_dim3A_459 = arith.constant 3 : i32
        %broadcast_in_dim3A_460 = vector.broadcast %broadcast_in_dim3A_459 : i32 to vector<16xi32>
        tpu.vector_store_idx %arg10[%broadcast_in_dim3A_460, %get3A_432], %get3A_458 {add = true} : memref<8x10240xf32, #tpu.memory_space<vmem>>[vector<16xi32>, vector<16xi32>], vector<16xf32>,
        %get3A_461 = arith.constant 4 : i32
        %get3A_462 = arith.index_cast %scan3A_415 : i32 to index
        %get3A_463 = arith.index_cast %get3A_461 : i32 to index
        %get3A_464 = arith.index_cast %mul3A_428 : i32 to index
        %get3A_465 = tpu.vector_load %arg6[%get3A_462, %get3A_463, %get3A_464] {strides = array<i32>} : memref<12x8x128xf32, #tpu.memory_space<vmem>>, vector<16xf32>,
        %broadcast_in_dim3A_466 = arith.constant 4 : i32
        %broadcast_in_dim3A_467 = vector.broadcast %broadcast_in_dim3A_466 : i32 to vector<16xi32>
        tpu.vector_store_idx %arg10[%broadcast_in_dim3A_467, %get3A_432], %get3A_465 {add = true} : memref<8x10240xf32, #tpu.memory_space<vmem>>[vector<16xi32>, vector<16xi32>], vector<16xf32>,
        %get3A_468 = arith.constant 5 : i32
        %get3A_469 = arith.index_cast %scan3A_415 : i32 to index
        %get3A_470 = arith.index_cast %get3A_468 : i32 to index
        %get3A_471 = arith.index_cast %mul3A_428 : i32 to index
        %get3A_472 = tpu.vector_load %arg6[%get3A_469, %get3A_470, %get3A_471] {strides = array<i32>} : memref<12x8x128xf32, #tpu.memory_space<vmem>>, vector<16xf32>,
        %broadcast_in_dim3A_473 = arith.constant 5 : i32
        %broadcast_in_dim3A_474 = vector.broadcast %broadcast_in_dim3A_473 : i32 to vector<16xi32>
        tpu.vector_store_idx %arg10[%broadcast_in_dim3A_474, %get3A_432], %get3A_472 {add = true} : memref<8x10240xf32, #tpu.memory_space<vmem>>[vector<16xi32>, vector<16xi32>], vector<16xf32>,
        %get3A_475 = arith.constant 6 : i32
        %get3A_476 = arith.index_cast %scan3A_415 : i32 to index
        %get3A_477 = arith.index_cast %get3A_475 : i32 to index
        %get3A_478 = arith.index_cast %mul3A_428 : i32 to index
        %get3A_479 = tpu.vector_load %arg6[%get3A_476, %get3A_477, %get3A_478] {strides = array<i32>} : memref<12x8x128xf32, #tpu.memory_space<vmem>>, vector<16xf32>,
        %broadcast_in_dim3A_480 = arith.constant 6 : i32
        %broadcast_in_dim3A_481 = vector.broadcast %broadcast_in_dim3A_480 : i32 to vector<16xi32>
        tpu.vector_store_idx %arg10[%broadcast_in_dim3A_481, %get3A_432], %get3A_479 {add = true} : memref<8x10240xf32, #tpu.memory_space<vmem>>[vector<16xi32>, vector<16xi32>], vector<16xf32>,
        %get3A_482 = arith.constant 7 : i32
        %get3A_483 = arith.index_cast %scan3A_415 : i32 to index
        %get3A_484 = arith.index_cast %get3A_482 : i32 to index
        %get3A_485 = arith.index_cast %mul3A_428 : i32 to index
        %get3A_486 = tpu.vector_load %arg6[%get3A_483, %get3A_484, %get3A_485] {strides = array<i32>} : memref<12x8x128xf32, #tpu.memory_space<vmem>>, vector<16xf32>,
        %broadcast_in_dim3A_487 = arith.constant 7 : i32
        %broadcast_in_dim3A_488 = vector.broadcast %broadcast_in_dim3A_487 : i32 to vector<16xi32>
        tpu.vector_store_idx %arg10[%broadcast_in_dim3A_488, %get3A_432], %get3A_486 {add = true} : memref<8x10240xf32, #tpu.memory_space<vmem>>[vector<16xi32>, vector<16xi32>], vector<16xf32>,
        tpu.vector_store_idx %arg11[%get3A_432], %broadcast_in_dim3A_7 {add = true} : memref<10240xf32, #tpu.memory_space<vmem>>[vector<16xi32>], vector<16xf32>,
        %scan3A_489 = arith.constant 0 : i32
        scf.yield %scan3A_489 : i32
      }
      %scan3A_423 = arith.constant 8 : i32
      %scan3A_424 = arith.constant 0 : i32
      scf.yield %scan3A_424 : i32
    }
    %scan3A_359 = arith.constant 12 : i32
    %dma_wait3A_360 = arith.constant 0 : i32
    %dma_wait3A_361 = arith.constant 0 : i32
    %dma_wait3A_362 = tpu.memref_slice %arg3[%arg0, %add3A_340, %dma_wait3A_360, %dma_wait3A_361] : memref<2x2500x8x128xf32, #tpu.memory_space<hbm>> -> memref<1x12x8x128xf32, #tpu.memory_space<hbm>>
    %dma_wait3A_363 = tpu.memref_squeeze %dma_wait3A_362 : memref<1x12x8x128xf32, #tpu.memory_space<hbm>> -> memref<12x8x128xf32, #tpu.memory_space<hbm>>
    %dma_wait3A_364 = arith.constant 0 : i32
    %dma_wait3A_365 = arith.constant 0 : i32
    %dma_wait3A_366 = tpu.memref_slice %arg3[%arg0, %add3A_340, %dma_wait3A_364, %dma_wait3A_365] : memref<2x2500x8x128xf32, #tpu.memory_space<hbm>> -> memref<1x12x8x128xf32, #tpu.memory_space<hbm>>
    %dma_wait3A_367 = tpu.memref_squeeze %dma_wait3A_366 : memref<1x12x8x128xf32, #tpu.memory_space<hbm>> -> memref<12x8x128xf32, #tpu.memory_space<hbm>>
    tpu.wait_dma2 semaphore(%arg13 : memref<!tpu.dma_semaphore, #tpu.memory_space<semaphore_mem>>) src(%dma_wait3A_367 : memref<12x8x128xf32, #tpu.memory_space<hbm>>) dst(%arg7 : memref<12x8x128xf32, #tpu.memory_space<vmem>>)
    %dma_wait3A_368 = tpu.memref_slice %arg2[%mul3A_350] : memref<320000xi32, #tpu.memory_space<hbm>> -> memref<1536xi32, #tpu.memory_space<hbm>>
    %dma_wait3A_369 = tpu.memref_slice %arg2[%mul3A_350] : memref<320000xi32, #tpu.memory_space<hbm>> -> memref<1536xi32, #tpu.memory_space<hbm>>
    tpu.wait_dma2 semaphore(%arg15 : memref<!tpu.dma_semaphore, #tpu.memory_space<semaphore_mem>>) src(%dma_wait3A_369 : memref<1536xi32, #tpu.memory_space<hbm>>) dst(%arg9 : memref<1536xi32, #tpu.memory_space<vmem>>)
    %add3A_370 = arith.constant 144 : i32
    %add3A_371 = arith.addi %mul3A_6, %add3A_370 : i32
    %dma_start3A_372 = arith.constant 0 : i32
    %dma_start3A_373 = arith.constant 0 : i32
    %dma_start3A_374 = tpu.memref_slice %arg3[%arg0, %add3A_371, %dma_start3A_372, %dma_start3A_373] : memref<2x2500x8x128xf32, #tpu.memory_space<hbm>> -> memref<1x12x8x128xf32, #tpu.memory_space<hbm>>
    %dma_start3A_375 = tpu.memref_squeeze %dma_start3A_374 : memref<1x12x8x128xf32, #tpu.memory_space<hbm>> -> memref<12x8x128xf32, #tpu.memory_space<hbm>>
    %dma_start3A_376 = arith.constant 0 : i32
    %dma_start3A_377 = arith.constant 0 : i32
    %dma_start3A_378 = tpu.memref_slice %arg3[%arg0, %add3A_371, %dma_start3A_376, %dma_start3A_377] : memref<2x2500x8x128xf32, #tpu.memory_space<hbm>> -> memref<1x12x8x128xf32, #tpu.memory_space<hbm>>
    %dma_start3A_379 = tpu.memref_squeeze %dma_start3A_378 : memref<1x12x8x128xf32, #tpu.memory_space<hbm>> -> memref<12x8x128xf32, #tpu.memory_space<hbm>>
    tpu.enqueue_dma source(%dma_start3A_379 : memref<12x8x128xf32, #tpu.memory_space<hbm>>) target(%arg6 : memref<12x8x128xf32, #tpu.memory_space<vmem>>) target_semaphore(%arg12 : memref<!tpu.dma_semaphore, #tpu.memory_space<semaphore_mem>>)
    %mul3A_380 = arith.constant 128 : i32
    %mul3A_381 = arith.muli %add3A_371, %mul3A_380 : i32
    %dma_start3A_382 = tpu.memref_slice %arg2[%mul3A_381] : memref<320000xi32, #tpu.memory_space<hbm>> -> memref<1536xi32, #tpu.memory_space<hbm>>
    %dma_start3A_383 = tpu.memref_slice %arg2[%mul3A_381] : memref<320000xi32, #tpu.memory_space<hbm>> -> memref<1536xi32, #tpu.memory_space<hbm>>
    tpu.enqueue_dma source(%dma_start3A_383 : memref<1536xi32, #tpu.memory_space<hbm>>) target(%arg8 : memref<1536xi32, #tpu.memory_space<vmem>>) target_semaphore(%arg14 : memref<!tpu.dma_semaphore, #tpu.memory_space<semaphore_mem>>)
    %scan3A_384 = arith.constant 0 : i32
    %scan3A_385 = arith.constant 0 : i32
    %scan3A_386 = arith.constant 12 : i32
    %scan3A_387 = arith.addi %scan3A_385, %scan3A_386 : i32
    %scan3A_388 = arith.constant 1 : i32
    %scan3A_389 = scf.for %scan3A_415 = %scan3A_385 to %scan3A_387 step %scan3A_388 iter_args(%scan3A_416 = %scan3A_384) -> (i32)  : i32 {
      %scan3A_417 = arith.constant 0 : i32
      %scan3A_418 = arith.constant 0 : i32
      %scan3A_419 = arith.constant 8 : i32
      %scan3A_420 = arith.addi %scan3A_418, %scan3A_419 : i32
      %scan3A_421 = arith.constant 1 : i32
      %scan3A_422 = scf.for %scan3A_425 = %scan3A_418 to %scan3A_420 step %scan3A_421 iter_args(%scan3A_426 = %scan3A_417) -> (i32)  : i32 {
        %mul3A_427 = arith.constant 16 : i32
        %mul3A_428 = arith.muli %scan3A_425, %mul3A_427 : i32
        %mul3A_429 = arith.constant 128 : i32
        %mul3A_430 = arith.muli %scan3A_415, %mul3A_429 : i32
        %add3A_431 = arith.addi %mul3A_430, %mul3A_428 : i32
        %get3A = arith.index_cast %add3A_431 : i32 to index
        %get3A_432 = tpu.vector_load %arg9[%get3A] {strides = array<i32>} : memref<1536xi32, #tpu.memory_space<vmem>>, vector<16xi32>,
        %get3A_433 = arith.constant 0 : i32
        %get3A_434 = arith.index_cast %scan3A_415 : i32 to index
        %get3A_435 = arith.index_cast %get3A_433 : i32 to index
        %get3A_436 = arith.index_cast %mul3A_428 : i32 to index
        %get3A_437 = tpu.vector_load %arg7[%get3A_434, %get3A_435, %get3A_436] {strides = array<i32>} : memref<12x8x128xf32, #tpu.memory_space<vmem>>, vector<16xf32>,
        %broadcast_in_dim3A_438 = arith.constant 0 : i32
        %broadcast_in_dim3A_439 = vector.broadcast %broadcast_in_dim3A_438 : i32 to vector<16xi32>
        tpu.vector_store_idx %arg10[%broadcast_in_dim3A_439, %get3A_432], %get3A_437 {add = true} : memref<8x10240xf32, #tpu.memory_space<vmem>>[vector<16xi32>, vector<16xi32>], vector<16xf32>,
        %get3A_440 = arith.constant 1 : i32
        %get3A_441 = arith.index_cast %scan3A_415 : i32 to index
        %get3A_442 = arith.index_cast %get3A_440 : i32 to index
        %get3A_443 = arith.index_cast %mul3A_428 : i32 to index
        %get3A_444 = tpu.vector_load %arg7[%get3A_441, %get3A_442, %get3A_443] {strides = array<i32>} : memref<12x8x128xf32, #tpu.memory_space<vmem>>, vector<16xf32>,
        %broadcast_in_dim3A_445 = arith.constant 1 : i32
        %broadcast_in_dim3A_446 = vector.broadcast %broadcast_in_dim3A_445 : i32 to vector<16xi32>
        tpu.vector_store_idx %arg10[%broadcast_in_dim3A_446, %get3A_432], %get3A_444 {add = true} : memref<8x10240xf32, #tpu.memory_space<vmem>>[vector<16xi32>, vector<16xi32>], vector<16xf32>,
        %get3A_447 = arith.constant 2 : i32
        %get3A_448 = arith.index_cast %scan3A_415 : i32 to index
        %get3A_449 = arith.index_cast %get3A_447 : i32 to index
        %get3A_450 = arith.index_cast %mul3A_428 : i32 to index
        %get3A_451 = tpu.vector_load %arg7[%get3A_448, %get3A_449, %get3A_450] {strides = array<i32>} : memref<12x8x128xf32, #tpu.memory_space<vmem>>, vector<16xf32>,
        %broadcast_in_dim3A_452 = arith.constant 2 : i32
        %broadcast_in_dim3A_453 = vector.broadcast %broadcast_in_dim3A_452 : i32 to vector<16xi32>
        tpu.vector_store_idx %arg10[%broadcast_in_dim3A_453, %get3A_432], %get3A_451 {add = true} : memref<8x10240xf32, #tpu.memory_space<vmem>>[vector<16xi32>, vector<16xi32>], vector<16xf32>,
        %get3A_454 = arith.constant 3 : i32
        %get3A_455 = arith.index_cast %scan3A_415 : i32 to index
        %get3A_456 = arith.index_cast %get3A_454 : i32 to index
        %get3A_457 = arith.index_cast %mul3A_428 : i32 to index
        %get3A_458 = tpu.vector_load %arg7[%get3A_455, %get3A_456, %get3A_457] {strides = array<i32>} : memref<12x8x128xf32, #tpu.memory_space<vmem>>, vector<16xf32>,
        %broadcast_in_dim3A_459 = arith.constant 3 : i32
        %broadcast_in_dim3A_460 = vector.broadcast %broadcast_in_dim3A_459 : i32 to vector<16xi32>
        tpu.vector_store_idx %arg10[%broadcast_in_dim3A_460, %get3A_432], %get3A_458 {add = true} : memref<8x10240xf32, #tpu.memory_space<vmem>>[vector<16xi32>, vector<16xi32>], vector<16xf32>,
        %get3A_461 = arith.constant 4 : i32
        %get3A_462 = arith.index_cast %scan3A_415 : i32 to index
        %get3A_463 = arith.index_cast %get3A_461 : i32 to index
        %get3A_464 = arith.index_cast %mul3A_428 : i32 to index
        %get3A_465 = tpu.vector_load %arg7[%get3A_462, %get3A_463, %get3A_464] {strides = array<i32>} : memref<12x8x128xf32, #tpu.memory_space<vmem>>, vector<16xf32>,
        %broadcast_in_dim3A_466 = arith.constant 4 : i32
        %broadcast_in_dim3A_467 = vector.broadcast %broadcast_in_dim3A_466 : i32 to vector<16xi32>
        tpu.vector_store_idx %arg10[%broadcast_in_dim3A_467, %get3A_432], %get3A_465 {add = true} : memref<8x10240xf32, #tpu.memory_space<vmem>>[vector<16xi32>, vector<16xi32>], vector<16xf32>,
        %get3A_468 = arith.constant 5 : i32
        %get3A_469 = arith.index_cast %scan3A_415 : i32 to index
        %get3A_470 = arith.index_cast %get3A_468 : i32 to index
        %get3A_471 = arith.index_cast %mul3A_428 : i32 to index
        %get3A_472 = tpu.vector_load %arg7[%get3A_469, %get3A_470, %get3A_471] {strides = array<i32>} : memref<12x8x128xf32, #tpu.memory_space<vmem>>, vector<16xf32>,
        %broadcast_in_dim3A_473 = arith.constant 5 : i32
        %broadcast_in_dim3A_474 = vector.broadcast %broadcast_in_dim3A_473 : i32 to vector<16xi32>
        tpu.vector_store_idx %arg10[%broadcast_in_dim3A_474, %get3A_432], %get3A_472 {add = true} : memref<8x10240xf32, #tpu.memory_space<vmem>>[vector<16xi32>, vector<16xi32>], vector<16xf32>,
        %get3A_475 = arith.constant 6 : i32
        %get3A_476 = arith.index_cast %scan3A_415 : i32 to index
        %get3A_477 = arith.index_cast %get3A_475 : i32 to index
        %get3A_478 = arith.index_cast %mul3A_428 : i32 to index
        %get3A_479 = tpu.vector_load %arg7[%get3A_476, %get3A_477, %get3A_478] {strides = array<i32>} : memref<12x8x128xf32, #tpu.memory_space<vmem>>, vector<16xf32>,
        %broadcast_in_dim3A_480 = arith.constant 6 : i32
        %broadcast_in_dim3A_481 = vector.broadcast %broadcast_in_dim3A_480 : i32 to vector<16xi32>
        tpu.vector_store_idx %arg10[%broadcast_in_dim3A_481, %get3A_432], %get3A_479 {add = true} : memref<8x10240xf32, #tpu.memory_space<vmem>>[vector<16xi32>, vector<16xi32>], vector<16xf32>,
        %get3A_482 = arith.constant 7 : i32
        %get3A_483 = arith.index_cast %scan3A_415 : i32 to index
        %get3A_484 = arith.index_cast %get3A_482 : i32 to index
        %get3A_485 = arith.index_cast %mul3A_428 : i32 to index
        %get3A_486 = tpu.vector_load %arg7[%get3A_483, %get3A_484, %get3A_485] {strides = array<i32>} : memref<12x8x128xf32, #tpu.memory_space<vmem>>, vector<16xf32>,
        %broadcast_in_dim3A_487 = arith.constant 7 : i32
        %broadcast_in_dim3A_488 = vector.broadcast %broadcast_in_dim3A_487 : i32 to vector<16xi32>
        tpu.vector_store_idx %arg10[%broadcast_in_dim3A_488, %get3A_432], %get3A_486 {add = true} : memref<8x10240xf32, #tpu.memory_space<vmem>>[vector<16xi32>, vector<16xi32>], vector<16xf32>,
        tpu.vector_store_idx %arg11[%get3A_432], %broadcast_in_dim3A_7 {add = true} : memref<10240xf32, #tpu.memory_space<vmem>>[vector<16xi32>], vector<16xf32>,
        %scan3A_489 = arith.constant 0 : i32
        scf.yield %scan3A_489 : i32
      }
      %scan3A_423 = arith.constant 8 : i32
      %scan3A_424 = arith.constant 0 : i32
      scf.yield %scan3A_424 : i32
    }
    %scan3A_390 = arith.constant 12 : i32
    %dma_wait3A_391 = arith.constant 0 : i32
    %dma_wait3A_392 = arith.constant 0 : i32
    %dma_wait3A_393 = tpu.memref_slice %arg3[%arg0, %add3A_371, %dma_wait3A_391, %dma_wait3A_392] : memref<2x2500x8x128xf32, #tpu.memory_space<hbm>> -> memref<1x12x8x128xf32, #tpu.memory_space<hbm>>
    %dma_wait3A_394 = tpu.memref_squeeze %dma_wait3A_393 : memref<1x12x8x128xf32, #tpu.memory_space<hbm>> -> memref<12x8x128xf32, #tpu.memory_space<hbm>>
    %dma_wait3A_395 = arith.constant 0 : i32
    %dma_wait3A_396 = arith.constant 0 : i32
    %dma_wait3A_397 = tpu.memref_slice %arg3[%arg0, %add3A_371, %dma_wait3A_395, %dma_wait3A_396] : memref<2x2500x8x128xf32, #tpu.memory_space<hbm>> -> memref<1x12x8x128xf32, #tpu.memory_space<hbm>>
    %dma_wait3A_398 = tpu.memref_squeeze %dma_wait3A_397 : memref<1x12x8x128xf32, #tpu.memory_space<hbm>> -> memref<12x8x128xf32, #tpu.memory_space<hbm>>
    tpu.wait_dma2 semaphore(%arg12 : memref<!tpu.dma_semaphore, #tpu.memory_space<semaphore_mem>>) src(%dma_wait3A_398 : memref<12x8x128xf32, #tpu.memory_space<hbm>>) dst(%arg6 : memref<12x8x128xf32, #tpu.memory_space<vmem>>)
    %dma_wait3A_399 = tpu.memref_slice %arg2[%mul3A_381] : memref<320000xi32, #tpu.memory_space<hbm>> -> memref<1536xi32, #tpu.memory_space<hbm>>
    %dma_wait3A_400 = tpu.memref_slice %arg2[%mul3A_381] : memref<320000xi32, #tpu.memory_space<hbm>> -> memref<1536xi32, #tpu.memory_space<hbm>>
    tpu.wait_dma2 semaphore(%arg14 : memref<!tpu.dma_semaphore, #tpu.memory_space<semaphore_mem>>) src(%dma_wait3A_400 : memref<1536xi32, #tpu.memory_space<hbm>>) dst(%arg8 : memref<1536xi32, #tpu.memory_space<vmem>>)
    %scan3A_401 = arith.constant 0 : i32
    %scan3A_402 = arith.constant 0 : i32
    %scan3A_403 = arith.constant 12 : i32
    %scan3A_404 = arith.addi %scan3A_402, %scan3A_403 : i32
    %scan3A_405 = arith.constant 1 : i32
    %scan3A_406 = scf.for %scan3A_415 = %scan3A_402 to %scan3A_404 step %scan3A_405 iter_args(%scan3A_416 = %scan3A_401) -> (i32)  : i32 {
      %scan3A_417 = arith.constant 0 : i32
      %scan3A_418 = arith.constant 0 : i32
      %scan3A_419 = arith.constant 8 : i32
      %scan3A_420 = arith.addi %scan3A_418, %scan3A_419 : i32
      %scan3A_421 = arith.constant 1 : i32
      %scan3A_422 = scf.for %scan3A_425 = %scan3A_418 to %scan3A_420 step %scan3A_421 iter_args(%scan3A_426 = %scan3A_417) -> (i32)  : i32 {
        %mul3A_427 = arith.constant 16 : i32
        %mul3A_428 = arith.muli %scan3A_425, %mul3A_427 : i32
        %mul3A_429 = arith.constant 128 : i32
        %mul3A_430 = arith.muli %scan3A_415, %mul3A_429 : i32
        %add3A_431 = arith.addi %mul3A_430, %mul3A_428 : i32
        %get3A = arith.index_cast %add3A_431 : i32 to index
        %get3A_432 = tpu.vector_load %arg8[%get3A] {strides = array<i32>} : memref<1536xi32, #tpu.memory_space<vmem>>, vector<16xi32>,
        %get3A_433 = arith.constant 0 : i32
        %get3A_434 = arith.index_cast %scan3A_415 : i32 to index
        %get3A_435 = arith.index_cast %get3A_433 : i32 to index
        %get3A_436 = arith.index_cast %mul3A_428 : i32 to index
        %get3A_437 = tpu.vector_load %arg6[%get3A_434, %get3A_435, %get3A_436] {strides = array<i32>} : memref<12x8x128xf32, #tpu.memory_space<vmem>>, vector<16xf32>,
        %broadcast_in_dim3A_438 = arith.constant 0 : i32
        %broadcast_in_dim3A_439 = vector.broadcast %broadcast_in_dim3A_438 : i32 to vector<16xi32>
        tpu.vector_store_idx %arg10[%broadcast_in_dim3A_439, %get3A_432], %get3A_437 {add = true} : memref<8x10240xf32, #tpu.memory_space<vmem>>[vector<16xi32>, vector<16xi32>], vector<16xf32>,
        %get3A_440 = arith.constant 1 : i32
        %get3A_441 = arith.index_cast %scan3A_415 : i32 to index
        %get3A_442 = arith.index_cast %get3A_440 : i32 to index
        %get3A_443 = arith.index_cast %mul3A_428 : i32 to index
        %get3A_444 = tpu.vector_load %arg6[%get3A_441, %get3A_442, %get3A_443] {strides = array<i32>} : memref<12x8x128xf32, #tpu.memory_space<vmem>>, vector<16xf32>,
        %broadcast_in_dim3A_445 = arith.constant 1 : i32
        %broadcast_in_dim3A_446 = vector.broadcast %broadcast_in_dim3A_445 : i32 to vector<16xi32>
        tpu.vector_store_idx %arg10[%broadcast_in_dim3A_446, %get3A_432], %get3A_444 {add = true} : memref<8x10240xf32, #tpu.memory_space<vmem>>[vector<16xi32>, vector<16xi32>], vector<16xf32>,
        %get3A_447 = arith.constant 2 : i32
        %get3A_448 = arith.index_cast %scan3A_415 : i32 to index
        %get3A_449 = arith.index_cast %get3A_447 : i32 to index
        %get3A_450 = arith.index_cast %mul3A_428 : i32 to index
        %get3A_451 = tpu.vector_load %arg6[%get3A_448, %get3A_449, %get3A_450] {strides = array<i32>} : memref<12x8x128xf32, #tpu.memory_space<vmem>>, vector<16xf32>,
        %broadcast_in_dim3A_452 = arith.constant 2 : i32
        %broadcast_in_dim3A_453 = vector.broadcast %broadcast_in_dim3A_452 : i32 to vector<16xi32>
        tpu.vector_store_idx %arg10[%broadcast_in_dim3A_453, %get3A_432], %get3A_451 {add = true} : memref<8x10240xf32, #tpu.memory_space<vmem>>[vector<16xi32>, vector<16xi32>], vector<16xf32>,
        %get3A_454 = arith.constant 3 : i32
        %get3A_455 = arith.index_cast %scan3A_415 : i32 to index
        %get3A_456 = arith.index_cast %get3A_454 : i32 to index
        %get3A_457 = arith.index_cast %mul3A_428 : i32 to index
        %get3A_458 = tpu.vector_load %arg6[%get3A_455, %get3A_456, %get3A_457] {strides = array<i32>} : memref<12x8x128xf32, #tpu.memory_space<vmem>>, vector<16xf32>,
        %broadcast_in_dim3A_459 = arith.constant 3 : i32
        %broadcast_in_dim3A_460 = vector.broadcast %broadcast_in_dim3A_459 : i32 to vector<16xi32>
        tpu.vector_store_idx %arg10[%broadcast_in_dim3A_460, %get3A_432], %get3A_458 {add = true} : memref<8x10240xf32, #tpu.memory_space<vmem>>[vector<16xi32>, vector<16xi32>], vector<16xf32>,
        %get3A_461 = arith.constant 4 : i32
        %get3A_462 = arith.index_cast %scan3A_415 : i32 to index
        %get3A_463 = arith.index_cast %get3A_461 : i32 to index
        %get3A_464 = arith.index_cast %mul3A_428 : i32 to index
        %get3A_465 = tpu.vector_load %arg6[%get3A_462, %get3A_463, %get3A_464] {strides = array<i32>} : memref<12x8x128xf32, #tpu.memory_space<vmem>>, vector<16xf32>,
        %broadcast_in_dim3A_466 = arith.constant 4 : i32
        %broadcast_in_dim3A_467 = vector.broadcast %broadcast_in_dim3A_466 : i32 to vector<16xi32>
        tpu.vector_store_idx %arg10[%broadcast_in_dim3A_467, %get3A_432], %get3A_465 {add = true} : memref<8x10240xf32, #tpu.memory_space<vmem>>[vector<16xi32>, vector<16xi32>], vector<16xf32>,
        %get3A_468 = arith.constant 5 : i32
        %get3A_469 = arith.index_cast %scan3A_415 : i32 to index
        %get3A_470 = arith.index_cast %get3A_468 : i32 to index
        %get3A_471 = arith.index_cast %mul3A_428 : i32 to index
        %get3A_472 = tpu.vector_load %arg6[%get3A_469, %get3A_470, %get3A_471] {strides = array<i32>} : memref<12x8x128xf32, #tpu.memory_space<vmem>>, vector<16xf32>,
        %broadcast_in_dim3A_473 = arith.constant 5 : i32
        %broadcast_in_dim3A_474 = vector.broadcast %broadcast_in_dim3A_473 : i32 to vector<16xi32>
        tpu.vector_store_idx %arg10[%broadcast_in_dim3A_474, %get3A_432], %get3A_472 {add = true} : memref<8x10240xf32, #tpu.memory_space<vmem>>[vector<16xi32>, vector<16xi32>], vector<16xf32>,
        %get3A_475 = arith.constant 6 : i32
        %get3A_476 = arith.index_cast %scan3A_415 : i32 to index
        %get3A_477 = arith.index_cast %get3A_475 : i32 to index
        %get3A_478 = arith.index_cast %mul3A_428 : i32 to index
        %get3A_479 = tpu.vector_load %arg6[%get3A_476, %get3A_477, %get3A_478] {strides = array<i32>} : memref<12x8x128xf32, #tpu.memory_space<vmem>>, vector<16xf32>,
        %broadcast_in_dim3A_480 = arith.constant 6 : i32
        %broadcast_in_dim3A_481 = vector.broadcast %broadcast_in_dim3A_480 : i32 to vector<16xi32>
        tpu.vector_store_idx %arg10[%broadcast_in_dim3A_481, %get3A_432], %get3A_479 {add = true} : memref<8x10240xf32, #tpu.memory_space<vmem>>[vector<16xi32>, vector<16xi32>], vector<16xf32>,
        %get3A_482 = arith.constant 7 : i32
        %get3A_483 = arith.index_cast %scan3A_415 : i32 to index
        %get3A_484 = arith.index_cast %get3A_482 : i32 to index
        %get3A_485 = arith.index_cast %mul3A_428 : i32 to index
        %get3A_486 = tpu.vector_load %arg6[%get3A_483, %get3A_484, %get3A_485] {strides = array<i32>} : memref<12x8x128xf32, #tpu.memory_space<vmem>>, vector<16xf32>,
        %broadcast_in_dim3A_487 = arith.constant 7 : i32
        %broadcast_in_dim3A_488 = vector.broadcast %broadcast_in_dim3A_487 : i32 to vector<16xi32>
        tpu.vector_store_idx %arg10[%broadcast_in_dim3A_488, %get3A_432], %get3A_486 {add = true} : memref<8x10240xf32, #tpu.memory_space<vmem>>[vector<16xi32>, vector<16xi32>], vector<16xf32>,
        tpu.vector_store_idx %arg11[%get3A_432], %broadcast_in_dim3A_7 {add = true} : memref<10240xf32, #tpu.memory_space<vmem>>[vector<16xi32>], vector<16xf32>,
        %scan3A_489 = arith.constant 0 : i32
        scf.yield %scan3A_489 : i32
      }
      %scan3A_423 = arith.constant 8 : i32
      %scan3A_424 = arith.constant 0 : i32
      scf.yield %scan3A_424 : i32
    }
    %scan3A_407 = arith.constant 12 : i32
    %eq3A = arith.constant 15 : i32
    %eq3A_408 = arith.cmpi eq, %arg1, %eq3A : i32
    %convert_element_type3A = arith.extui %eq3A_408 : i1 to i32
    %cond3A = arith.constant 0 : i32
    %cond3A_409 = arith.cmpi ne, %convert_element_type3A, %cond3A : i32
    scf.if %cond3A_409 {
      "tpu.region"() ({
        %run_scoped3A = tpu.sem_alloc : memref<!tpu.dma_semaphore, #tpu.memory_space<semaphore_mem>>
        %dma_start3A_422 = arith.constant 0 : i32
        %dma_start3A_423 = arith.constant 0 : i32
        %dma_start3A_424 = arith.constant 0 : i32
        %dma_start3A_425 = tpu.memref_slice %arg6[%dma_start3A_422, %dma_start3A_423, %dma_start3A_424] : memref<12x8x128xf32, #tpu.memory_space<vmem>> -> memref<4x8x128xf32, #tpu.memory_space<vmem>>
        %dma_start3A_426 = arith.constant 2496 : i32
        %dma_start3A_427 = arith.constant 0 : i32
        %dma_start3A_428 = arith.constant 0 : i32
        %dma_start3A_429 = tpu.memref_slice %arg3[%arg0, %dma_start3A_426, %dma_start3A_427, %dma_start3A_428] : memref<2x2500x8x128xf32, #tpu.memory_space<hbm>> -> memref<1x4x8x128xf32, #tpu.memory_space<hbm>>
        %dma_start3A_430 = tpu.memref_squeeze %dma_start3A_429 : memref<1x4x8x128xf32, #tpu.memory_space<hbm>> -> memref<4x8x128xf32, #tpu.memory_space<hbm>>
        %dma_start3A_431 = arith.constant 0 : i32
        %dma_start3A_432 = arith.constant 0 : i32
        %dma_start3A_433 = arith.constant 0 : i32
        %dma_start3A_434 = tpu.memref_slice %arg6[%dma_start3A_431, %dma_start3A_432, %dma_start3A_433] : memref<12x8x128xf32, #tpu.memory_space<vmem>> -> memref<4x8x128xf32, #tpu.memory_space<vmem>>
        %dma_start3A_435 = arith.constant 2496 : i32
        %dma_start3A_436 = arith.constant 0 : i32
        %dma_start3A_437 = arith.constant 0 : i32
        %dma_start3A_438 = tpu.memref_slice %arg3[%arg0, %dma_start3A_435, %dma_start3A_436, %dma_start3A_437] : memref<2x2500x8x128xf32, #tpu.memory_space<hbm>> -> memref<1x4x8x128xf32, #tpu.memory_space<hbm>>
        %dma_start3A_439 = tpu.memref_squeeze %dma_start3A_438 : memref<1x4x8x128xf32, #tpu.memory_space<hbm>> -> memref<4x8x128xf32, #tpu.memory_space<hbm>>
        tpu.enqueue_dma source(%dma_start3A_439 : memref<4x8x128xf32, #tpu.memory_space<hbm>>) target(%dma_start3A_434 : memref<4x8x128xf32, #tpu.memory_space<vmem>>) target_semaphore(%run_scoped3A : memref<!tpu.dma_semaphore, #tpu.memory_space<semaphore_mem>>)
        %dma_wait3A_440 = arith.constant 0 : i32
        %dma_wait3A_441 = arith.constant 0 : i32
        %dma_wait3A_442 = arith.constant 0 : i32
        %dma_wait3A_443 = tpu.memref_slice %arg6[%dma_wait3A_440, %dma_wait3A_441, %dma_wait3A_442] : memref<12x8x128xf32, #tpu.memory_space<vmem>> -> memref<4x8x128xf32, #tpu.memory_space<vmem>>
        %dma_wait3A_444 = arith.constant 2496 : i32
        %dma_wait3A_445 = arith.constant 0 : i32
        %dma_wait3A_446 = arith.constant 0 : i32
        %dma_wait3A_447 = tpu.memref_slice %arg3[%arg0, %dma_wait3A_444, %dma_wait3A_445, %dma_wait3A_446] : memref<2x2500x8x128xf32, #tpu.memory_space<hbm>> -> memref<1x4x8x128xf32, #tpu.memory_space<hbm>>
        %dma_wait3A_448 = tpu.memref_squeeze %dma_wait3A_447 : memref<1x4x8x128xf32, #tpu.memory_space<hbm>> -> memref<4x8x128xf32, #tpu.memory_space<hbm>>
        %dma_wait3A_449 = arith.constant 0 : i32
        %dma_wait3A_450 = arith.constant 0 : i32
        %dma_wait3A_451 = arith.constant 0 : i32
        %dma_wait3A_452 = tpu.memref_slice %arg6[%dma_wait3A_449, %dma_wait3A_450, %dma_wait3A_451] : memref<12x8x128xf32, #tpu.memory_space<vmem>> -> memref<4x8x128xf32, #tpu.memory_space<vmem>>
        %dma_wait3A_453 = arith.constant 2496 : i32
        %dma_wait3A_454 = arith.constant 0 : i32
        %dma_wait3A_455 = arith.constant 0 : i32
        %dma_wait3A_456 = tpu.memref_slice %arg3[%arg0, %dma_wait3A_453, %dma_wait3A_454, %dma_wait3A_455] : memref<2x2500x8x128xf32, #tpu.memory_space<hbm>> -> memref<1x4x8x128xf32, #tpu.memory_space<hbm>>
        %dma_wait3A_457 = tpu.memref_squeeze %dma_wait3A_456 : memref<1x4x8x128xf32, #tpu.memory_space<hbm>> -> memref<4x8x128xf32, #tpu.memory_space<hbm>>
        tpu.wait_dma2 semaphore(%run_scoped3A : memref<!tpu.dma_semaphore, #tpu.memory_space<semaphore_mem>>) src(%dma_wait3A_457 : memref<4x8x128xf32, #tpu.memory_space<hbm>>) dst(%dma_wait3A_452 : memref<4x8x128xf32, #tpu.memory_space<vmem>>)
        tpu.yield
      }) : () -> ()
      "tpu.region"() ({
        %run_scoped3A = tpu.sem_alloc : memref<!tpu.dma_semaphore, #tpu.memory_space<semaphore_mem>>
        %dma_start3A_422 = arith.constant 0 : i32
        %dma_start3A_423 = tpu.memref_slice %arg8[%dma_start3A_422] : memref<1536xi32, #tpu.memory_space<vmem>> -> memref<512xi32, #tpu.memory_space<vmem>>
        %dma_start3A_424 = arith.constant 319488 : i32
        %dma_start3A_425 = tpu.memref_slice %arg2[%dma_start3A_424] : memref<320000xi32, #tpu.memory_space<hbm>> -> memref<512xi32, #tpu.memory_space<hbm>>
        %dma_start3A_426 = arith.constant 0 : i32
        %dma_start3A_427 = tpu.memref_slice %arg8[%dma_start3A_426] : memref<1536xi32, #tpu.memory_space<vmem>> -> memref<512xi32, #tpu.memory_space<vmem>>
        %dma_start3A_428 = arith.constant 319488 : i32
        %dma_start3A_429 = tpu.memref_slice %arg2[%dma_start3A_428] : memref<320000xi32, #tpu.memory_space<hbm>> -> memref<512xi32, #tpu.memory_space<hbm>>
        tpu.enqueue_dma source(%dma_start3A_429 : memref<512xi32, #tpu.memory_space<hbm>>) target(%dma_start3A_427 : memref<512xi32, #tpu.memory_space<vmem>>) target_semaphore(%run_scoped3A : memref<!tpu.dma_semaphore, #tpu.memory_space<semaphore_mem>>)
        %dma_wait3A_430 = arith.constant 0 : i32
        %dma_wait3A_431 = tpu.memref_slice %arg8[%dma_wait3A_430] : memref<1536xi32, #tpu.memory_space<vmem>> -> memref<512xi32, #tpu.memory_space<vmem>>
        %dma_wait3A_432 = arith.constant 319488 : i32
        %dma_wait3A_433 = tpu.memref_slice %arg2[%dma_wait3A_432] : memref<320000xi32, #tpu.memory_space<hbm>> -> memref<512xi32, #tpu.memory_space<hbm>>
        %dma_wait3A_434 = arith.constant 0 : i32
        %dma_wait3A_435 = tpu.memref_slice %arg8[%dma_wait3A_434] : memref<1536xi32, #tpu.memory_space<vmem>> -> memref<512xi32, #tpu.memory_space<vmem>>
        %dma_wait3A_436 = arith.constant 319488 : i32
        %dma_wait3A_437 = tpu.memref_slice %arg2[%dma_wait3A_436] : memref<320000xi32, #tpu.memory_space<hbm>> -> memref<512xi32, #tpu.memory_space<hbm>>
        tpu.wait_dma2 semaphore(%run_scoped3A : memref<!tpu.dma_semaphore, #tpu.memory_space<semaphore_mem>>) src(%dma_wait3A_437 : memref<512xi32, #tpu.memory_space<hbm>>) dst(%dma_wait3A_435 : memref<512xi32, #tpu.memory_space<vmem>>)
        tpu.yield
      }) : () -> ()
      %scan3A_415 = arith.constant 0 : i32
      %scan3A_416 = arith.constant 0 : i32
      %scan3A_417 = arith.constant 4 : i32
      %scan3A_418 = arith.addi %scan3A_416, %scan3A_417 : i32
      %scan3A_419 = arith.constant 1 : i32
      %scan3A_420 = scf.for %scan3A_422 = %scan3A_416 to %scan3A_418 step %scan3A_419 iter_args(%scan3A_423 = %scan3A_415) -> (i32)  : i32 {
        %scan3A_424 = arith.constant 0 : i32
        %scan3A_425 = arith.constant 0 : i32
        %scan3A_426 = arith.constant 8 : i32
        %scan3A_427 = arith.addi %scan3A_425, %scan3A_426 : i32
        %scan3A_428 = arith.constant 1 : i32
        %scan3A_429 = scf.for %scan3A_432 = %scan3A_425 to %scan3A_427 step %scan3A_428 iter_args(%scan3A_433 = %scan3A_424) -> (i32)  : i32 {
          %mul3A_434 = arith.constant 16 : i32
          %mul3A_435 = arith.muli %scan3A_432, %mul3A_434 : i32
          %mul3A_436 = arith.constant 128 : i32
          %mul3A_437 = arith.muli %scan3A_422, %mul3A_436 : i32
          %add3A_438 = arith.addi %mul3A_437, %mul3A_435 : i32
          %get3A = arith.index_cast %add3A_438 : i32 to index
          %get3A_439 = tpu.vector_load %arg8[%get3A] {strides = array<i32>} : memref<1536xi32, #tpu.memory_space<vmem>>, vector<16xi32>,
          %get3A_440 = arith.constant 0 : i32
          %get3A_441 = arith.index_cast %scan3A_422 : i32 to index
          %get3A_442 = arith.index_cast %get3A_440 : i32 to index
          %get3A_443 = arith.index_cast %mul3A_435 : i32 to index
          %get3A_444 = tpu.vector_load %arg6[%get3A_441, %get3A_442, %get3A_443] {strides = array<i32>} : memref<12x8x128xf32, #tpu.memory_space<vmem>>, vector<16xf32>,
          %broadcast_in_dim3A_445 = arith.constant 0 : i32
          %broadcast_in_dim3A_446 = vector.broadcast %broadcast_in_dim3A_445 : i32 to vector<16xi32>
          tpu.vector_store_idx %arg10[%broadcast_in_dim3A_446, %get3A_439], %get3A_444 {add = true} : memref<8x10240xf32, #tpu.memory_space<vmem>>[vector<16xi32>, vector<16xi32>], vector<16xf32>,
          %get3A_447 = arith.constant 1 : i32
          %get3A_448 = arith.index_cast %scan3A_422 : i32 to index
          %get3A_449 = arith.index_cast %get3A_447 : i32 to index
          %get3A_450 = arith.index_cast %mul3A_435 : i32 to index
          %get3A_451 = tpu.vector_load %arg6[%get3A_448, %get3A_449, %get3A_450] {strides = array<i32>} : memref<12x8x128xf32, #tpu.memory_space<vmem>>, vector<16xf32>,
          %broadcast_in_dim3A_452 = arith.constant 1 : i32
          %broadcast_in_dim3A_453 = vector.broadcast %broadcast_in_dim3A_452 : i32 to vector<16xi32>
          tpu.vector_store_idx %arg10[%broadcast_in_dim3A_453, %get3A_439], %get3A_451 {add = true} : memref<8x10240xf32, #tpu.memory_space<vmem>>[vector<16xi32>, vector<16xi32>], vector<16xf32>,
          %get3A_454 = arith.constant 2 : i32
          %get3A_455 = arith.index_cast %scan3A_422 : i32 to index
          %get3A_456 = arith.index_cast %get3A_454 : i32 to index
          %get3A_457 = arith.index_cast %mul3A_435 : i32 to index
          %get3A_458 = tpu.vector_load %arg6[%get3A_455, %get3A_456, %get3A_457] {strides = array<i32>} : memref<12x8x128xf32, #tpu.memory_space<vmem>>, vector<16xf32>,
          %broadcast_in_dim3A_459 = arith.constant 2 : i32
          %broadcast_in_dim3A_460 = vector.broadcast %broadcast_in_dim3A_459 : i32 to vector<16xi32>
          tpu.vector_store_idx %arg10[%broadcast_in_dim3A_460, %get3A_439], %get3A_458 {add = true} : memref<8x10240xf32, #tpu.memory_space<vmem>>[vector<16xi32>, vector<16xi32>], vector<16xf32>,
          %get3A_461 = arith.constant 3 : i32
          %get3A_462 = arith.index_cast %scan3A_422 : i32 to index
          %get3A_463 = arith.index_cast %get3A_461 : i32 to index
          %get3A_464 = arith.index_cast %mul3A_435 : i32 to index
          %get3A_465 = tpu.vector_load %arg6[%get3A_462, %get3A_463, %get3A_464] {strides = array<i32>} : memref<12x8x128xf32, #tpu.memory_space<vmem>>, vector<16xf32>,
          %broadcast_in_dim3A_466 = arith.constant 3 : i32
          %broadcast_in_dim3A_467 = vector.broadcast %broadcast_in_dim3A_466 : i32 to vector<16xi32>
          tpu.vector_store_idx %arg10[%broadcast_in_dim3A_467, %get3A_439], %get3A_465 {add = true} : memref<8x10240xf32, #tpu.memory_space<vmem>>[vector<16xi32>, vector<16xi32>], vector<16xf32>,
          %get3A_468 = arith.constant 4 : i32
          %get3A_469 = arith.index_cast %scan3A_422 : i32 to index
          %get3A_470 = arith.index_cast %get3A_468 : i32 to index
          %get3A_471 = arith.index_cast %mul3A_435 : i32 to index
          %get3A_472 = tpu.vector_load %arg6[%get3A_469, %get3A_470, %get3A_471] {strides = array<i32>} : memref<12x8x128xf32, #tpu.memory_space<vmem>>, vector<16xf32>,
          %broadcast_in_dim3A_473 = arith.constant 4 : i32
          %broadcast_in_dim3A_474 = vector.broadcast %broadcast_in_dim3A_473 : i32 to vector<16xi32>
          tpu.vector_store_idx %arg10[%broadcast_in_dim3A_474, %get3A_439], %get3A_472 {add = true} : memref<8x10240xf32, #tpu.memory_space<vmem>>[vector<16xi32>, vector<16xi32>], vector<16xf32>,
          %get3A_475 = arith.constant 5 : i32
          %get3A_476 = arith.index_cast %scan3A_422 : i32 to index
          %get3A_477 = arith.index_cast %get3A_475 : i32 to index
          %get3A_478 = arith.index_cast %mul3A_435 : i32 to index
          %get3A_479 = tpu.vector_load %arg6[%get3A_476, %get3A_477, %get3A_478] {strides = array<i32>} : memref<12x8x128xf32, #tpu.memory_space<vmem>>, vector<16xf32>,
          %broadcast_in_dim3A_480 = arith.constant 5 : i32
          %broadcast_in_dim3A_481 = vector.broadcast %broadcast_in_dim3A_480 : i32 to vector<16xi32>
          tpu.vector_store_idx %arg10[%broadcast_in_dim3A_481, %get3A_439], %get3A_479 {add = true} : memref<8x10240xf32, #tpu.memory_space<vmem>>[vector<16xi32>, vector<16xi32>], vector<16xf32>,
          %get3A_482 = arith.constant 6 : i32
          %get3A_483 = arith.index_cast %scan3A_422 : i32 to index
          %get3A_484 = arith.index_cast %get3A_482 : i32 to index
          %get3A_485 = arith.index_cast %mul3A_435 : i32 to index
          %get3A_486 = tpu.vector_load %arg6[%get3A_483, %get3A_484, %get3A_485] {strides = array<i32>} : memref<12x8x128xf32, #tpu.memory_space<vmem>>, vector<16xf32>,
          %broadcast_in_dim3A_487 = arith.constant 6 : i32
          %broadcast_in_dim3A_488 = vector.broadcast %broadcast_in_dim3A_487 : i32 to vector<16xi32>
          tpu.vector_store_idx %arg10[%broadcast_in_dim3A_488, %get3A_439], %get3A_486 {add = true} : memref<8x10240xf32, #tpu.memory_space<vmem>>[vector<16xi32>, vector<16xi32>], vector<16xf32>,
          %get3A_489 = arith.constant 7 : i32
          %get3A_490 = arith.index_cast %scan3A_422 : i32 to index
          %get3A_491 = arith.index_cast %get3A_489 : i32 to index
          %get3A_492 = arith.index_cast %mul3A_435 : i32 to index
          %get3A_493 = tpu.vector_load %arg6[%get3A_490, %get3A_491, %get3A_492] {strides = array<i32>} : memref<12x8x128xf32, #tpu.memory_space<vmem>>, vector<16xf32>,
          %broadcast_in_dim3A_494 = arith.constant 7 : i32
          %broadcast_in_dim3A_495 = vector.broadcast %broadcast_in_dim3A_494 : i32 to vector<16xi32>
          tpu.vector_store_idx %arg10[%broadcast_in_dim3A_495, %get3A_439], %get3A_493 {add = true} : memref<8x10240xf32, #tpu.memory_space<vmem>>[vector<16xi32>, vector<16xi32>], vector<16xf32>,
          tpu.vector_store_idx %arg11[%get3A_439], %broadcast_in_dim3A_7 {add = true} : memref<10240xf32, #tpu.memory_space<vmem>>[vector<16xi32>], vector<16xf32>,
          %scan3A_496 = arith.constant 0 : i32
          scf.yield %scan3A_496 : i32
        }
        %scan3A_430 = arith.constant 8 : i32
        %scan3A_431 = arith.constant 0 : i32
        scf.yield %scan3A_431 : i32
      }
      %scan3A_421 = arith.constant 4 : i32
    } else {
    }
    "tpu.region"() ({
      %run_scoped3A = tpu.sem_alloc : memref<!tpu.dma_semaphore, #tpu.memory_space<semaphore_mem>>
      %dma_start3A_415 = arith.constant 0 : i32
      %dma_start3A_416 = arith.constant 0 : i32
      %dma_start3A_417 = tpu.memref_slice %arg4[%arg0, %arg1, %dma_start3A_415, %dma_start3A_416] : memref<2x16x8x10240xf32, #tpu.memory_space<hbm>> -> memref<1x1x8x10240xf32, #tpu.memory_space<hbm>>
      %dma_start3A_418 = tpu.memref_squeeze %dma_start3A_417 : memref<1x1x8x10240xf32, #tpu.memory_space<hbm>> -> memref<8x10240xf32, #tpu.memory_space<hbm>>
      %dma_start3A_419 = arith.constant 0 : i32
      %dma_start3A_420 = arith.constant 0 : i32
      %dma_start3A_421 = tpu.memref_slice %arg4[%arg0, %arg1, %dma_start3A_419, %dma_start3A_420] : memref<2x16x8x10240xf32, #tpu.memory_space<hbm>> -> memref<1x1x8x10240xf32, #tpu.memory_space<hbm>>
      %dma_start3A_422 = tpu.memref_squeeze %dma_start3A_421 : memref<1x1x8x10240xf32, #tpu.memory_space<hbm>> -> memref<8x10240xf32, #tpu.memory_space<hbm>>
      tpu.enqueue_dma source(%arg10 : memref<8x10240xf32, #tpu.memory_space<vmem>>) target(%dma_start3A_422 : memref<8x10240xf32, #tpu.memory_space<hbm>>) target_semaphore(%run_scoped3A : memref<!tpu.dma_semaphore, #tpu.memory_space<semaphore_mem>>)
      %dma_wait3A_423 = arith.constant 0 : i32
      %dma_wait3A_424 = arith.constant 0 : i32
      %dma_wait3A_425 = tpu.memref_slice %arg4[%arg0, %arg1, %dma_wait3A_423, %dma_wait3A_424] : memref<2x16x8x10240xf32, #tpu.memory_space<hbm>> -> memref<1x1x8x10240xf32, #tpu.memory_space<hbm>>
      %dma_wait3A_426 = tpu.memref_squeeze %dma_wait3A_425 : memref<1x1x8x10240xf32, #tpu.memory_space<hbm>> -> memref<8x10240xf32, #tpu.memory_space<hbm>>
      %dma_wait3A_427 = arith.constant 0 : i32
      %dma_wait3A_428 = arith.constant 0 : i32
      %dma_wait3A_429 = tpu.memref_slice %arg4[%arg0, %arg1, %dma_wait3A_427, %dma_wait3A_428] : memref<2x16x8x10240xf32, #tpu.memory_space<hbm>> -> memref<1x1x8x10240xf32, #tpu.memory_space<hbm>>
      %dma_wait3A_430 = tpu.memref_squeeze %dma_wait3A_429 : memref<1x1x8x10240xf32, #tpu.memory_space<hbm>> -> memref<8x10240xf32, #tpu.memory_space<hbm>>
      tpu.wait_dma2 semaphore(%run_scoped3A : memref<!tpu.dma_semaphore, #tpu.memory_space<semaphore_mem>>) src(%arg10 : memref<8x10240xf32, #tpu.memory_space<vmem>>) dst(%dma_wait3A_430 : memref<8x10240xf32, #tpu.memory_space<hbm>>)
      tpu.yield
    }) : () -> ()
    %eq3A_410 = arith.constant 0 : i32
    %eq3A_411 = arith.cmpi eq, %arg0, %eq3A_410 : i32
    %convert_element_type3A_412 = arith.extui %eq3A_411 : i1 to i32
    %cond3A_413 = arith.constant 0 : i32
    %cond3A_414 = arith.cmpi ne, %convert_element_type3A_412, %cond3A_413 : i32
    scf.if %cond3A_414 {
      "tpu.region"() ({
        %run_scoped3A = tpu.sem_alloc : memref<!tpu.dma_semaphore, #tpu.memory_space<semaphore_mem>>
        %dma_start3A_415 = arith.constant 0 : i32
        %dma_start3A_416 = tpu.memref_slice %arg5[%arg1, %dma_start3A_415] : memref<16x10240xf32, #tpu.memory_space<hbm>> -> memref<1x10240xf32, #tpu.memory_space<hbm>>
        %dma_start3A_417 = tpu.memref_squeeze %dma_start3A_416 : memref<1x10240xf32, #tpu.memory_space<hbm>> -> memref<10240xf32, #tpu.memory_space<hbm>>
        %dma_start3A_418 = arith.constant 0 : i32
        %dma_start3A_419 = tpu.memref_slice %arg5[%arg1, %dma_start3A_418] : memref<16x10240xf32, #tpu.memory_space<hbm>> -> memref<1x10240xf32, #tpu.memory_space<hbm>>
        %dma_start3A_420 = tpu.memref_squeeze %dma_start3A_419 : memref<1x10240xf32, #tpu.memory_space<hbm>> -> memref<10240xf32, #tpu.memory_space<hbm>>
        tpu.enqueue_dma source(%arg11 : memref<10240xf32, #tpu.memory_space<vmem>>) target(%dma_start3A_420 : memref<10240xf32, #tpu.memory_space<hbm>>) target_semaphore(%run_scoped3A : memref<!tpu.dma_semaphore, #tpu.memory_space<semaphore_mem>>)
        %dma_wait3A_421 = arith.constant 0 : i32
        %dma_wait3A_422 = tpu.memref_slice %arg5[%arg1, %dma_wait3A_421] : memref<16x10240xf32, #tpu.memory_space<hbm>> -> memref<1x10240xf32, #tpu.memory_space<hbm>>
        %dma_wait3A_423 = tpu.memref_squeeze %dma_wait3A_422 : memref<1x10240xf32, #tpu.memory_space<hbm>> -> memref<10240xf32, #tpu.memory_space<hbm>>
        %dma_wait3A_424 = arith.constant 0 : i32
        %dma_wait3A_425 = tpu.memref_slice %arg5[%arg1, %dma_wait3A_424] : memref<16x10240xf32, #tpu.memory_space<hbm>> -> memref<1x10240xf32, #tpu.memory_space<hbm>>
        %dma_wait3A_426 = tpu.memref_squeeze %dma_wait3A_425 : memref<1x10240xf32, #tpu.memory_space<hbm>> -> memref<10240xf32, #tpu.memory_space<hbm>>
        tpu.wait_dma2 semaphore(%run_scoped3A : memref<!tpu.dma_semaphore, #tpu.memory_space<semaphore_mem>>) src(%arg11 : memref<10240xf32, #tpu.memory_space<vmem>>) dst(%dma_wait3A_426 : memref<10240xf32, #tpu.memory_space<hbm>>)
        tpu.yield
      }) : () -> ()
    } else {
    }
    return
  }
}

module attributes {stable_mosaic.version = 14 : i64} {
  func.func @_mlp_pre_body(%arg0: i32, %arg1: memref<640x128xf32, #tpu.memory_space<vmem>>, %arg2: memref<1x1x640xi32, #tpu.memory_space<vmem>>, %arg3: memref<16x128xf32, #tpu.memory_space<vmem>>, %arg4: memref<128x128xf32, #tpu.memory_space<vmem>>, %arg5: memref<128x128xf32, #tpu.memory_space<vmem>>, %arg6: memref<1x128xf32, #tpu.memory_space<vmem>>, %arg7: memref<640x128xf32, #tpu.memory_space<vmem>>) attributes {dimension_semantics = [#tpu.dimension_semantics<arbitrary>], iteration_bounds = array<i64: 16>, scalar_prefetch = 0 : i64, scratch_operands = 0 : i64, tpu.core_type = #tpu.core_type<tc>, window_params = [{transform_indices = @transform_0, window_bounds = array<i64: 640, 128>}, {transform_indices = @transform_1, window_bounds = array<i64: 1, 1, 640>}, {pipeline_mode = #tpu.pipeline_mode<synchronous>, transform_indices = @transform_2, window_bounds = array<i64: 16, 128>}, {pipeline_mode = #tpu.pipeline_mode<synchronous>, transform_indices = @transform_3, window_bounds = array<i64: 128, 128>}, {pipeline_mode = #tpu.pipeline_mode<synchronous>, transform_indices = @transform_4, window_bounds = array<i64: 128, 128>}, {pipeline_mode = #tpu.pipeline_mode<synchronous>, transform_indices = @transform_5, window_bounds = array<i64: 1, 128>}, {transform_indices = @transform_6, window_bounds = array<i64: 640, 128>}]} {
    %get3A = arith.constant 0 : index
    %get3A_0 = arith.constant 0 : index
    %get3A_1 = vector.load %arg3[%get3A, %get3A_0] : memref<16x128xf32, #tpu.memory_space<vmem>>, vector<16x128xf32>
    %get3A_2 = arith.constant 0 : index
    %get3A_3 = arith.constant 0 : index
    %get3A_4 = vector.load %arg5[%get3A_2, %get3A_3] : memref<128x128xf32, #tpu.memory_space<vmem>>, vector<128x128xf32>
    %dot_general3A = arith.constant dense<0.000000e+00> : vector<16x128xf32>
    %dot_general3A_5 = tpu.matmul %get3A_1, %get3A_4, %dot_general3A {dimension_numbers = #tpu.dot_dimension_numbers<[1], [0], [0], [1], [0, 0, 1, 1], [], []>, transpose_lhs_hint = false} : vector<16x128xf32>, vector<128x128xf32>, vector<16x128xf32> -> vector<16x128xf32>
    %get3A_6 = arith.constant 0 : index
    %get3A_7 = arith.constant 0 : index
    %get3A_8 = arith.constant 0 : index
    %get3A_9 = vector.load %arg2[%get3A_6, %get3A_7, %get3A_8] : memref<1x1x640xi32, #tpu.memory_space<vmem>>, vector<1x1x640xi32>
    %get3A_10 = vector.shape_cast %get3A_9 : vector<1x1x640xi32> to vector<640xi32>
    %broadcast_in_dim3A = vector.shape_cast %get3A_10 : vector<640xi32> to vector<640x1xi32>
    %iota3A = tpu.iota {dimensions = array<i32: 1>} : vector<1x16xi32>
    %eq3A = vector.broadcast %broadcast_in_dim3A : vector<640x1xi32> to vector<640x16xi32>
    %eq3A_11 = vector.broadcast %iota3A : vector<1x16xi32> to vector<640x16xi32>
    %eq3A_12 = arith.cmpi eq, %eq3A, %eq3A_11 : vector<640x16xi32>
    %jit3A = arith.constant 1.000000e+00 : f32
    %jit3A_13 = arith.constant 0.000000e+00 : f32
    %broadcast_in_dim3A_14 = vector.broadcast %jit3A : f32 to vector<640x16xf32>
    %broadcast_in_dim3A_15 = vector.broadcast %jit3A_13 : f32 to vector<640x16xf32>
    %select_n3A = arith.select %eq3A_12, %broadcast_in_dim3A_14, %broadcast_in_dim3A_15 : vector<640x16xi1>, vector<640x16xf32>
    %get3A_16 = arith.constant 0 : index
    %get3A_17 = arith.constant 0 : index
    %get3A_18 = vector.load %arg1[%get3A_16, %get3A_17] : memref<640x128xf32, #tpu.memory_space<vmem>>, vector<640x128xf32>
    %get3A_19 = arith.constant 0 : index
    %get3A_20 = arith.constant 0 : index
    %get3A_21 = vector.load %arg4[%get3A_19, %get3A_20] : memref<128x128xf32, #tpu.memory_space<vmem>>, vector<128x128xf32>
    %dot_general3A_22 = arith.constant dense<0.000000e+00> : vector<640x128xf32>
    %dot_general3A_23 = tpu.matmul %get3A_18, %get3A_21, %dot_general3A_22 {dimension_numbers = #tpu.dot_dimension_numbers<[1], [0], [0], [1], [0, 0, 1, 1], [], []>, transpose_lhs_hint = false} : vector<640x128xf32>, vector<128x128xf32>, vector<640x128xf32> -> vector<640x128xf32>
    %dot_general3A_24 = arith.constant dense<0.000000e+00> : vector<640x128xf32>
    %dot_general3A_25 = tpu.matmul %select_n3A, %dot_general3A_5, %dot_general3A_24 {dimension_numbers = #tpu.dot_dimension_numbers<[1], [0], [0], [1], [0, 0, 1, 1], [], []>, transpose_lhs_hint = false} : vector<640x16xf32>, vector<16x128xf32>, vector<640x128xf32> -> vector<640x128xf32>
    %add3A = arith.addf %dot_general3A_23, %dot_general3A_25 : vector<640x128xf32>
    %get3A_26 = arith.constant 0 : index
    %get3A_27 = arith.constant 0 : index
    %get3A_28 = vector.load %arg6[%get3A_26, %get3A_27] : memref<1x128xf32, #tpu.memory_space<vmem>>, vector<1x128xf32>
    %add3A_29 = vector.broadcast %get3A_28 : vector<1x128xf32> to vector<640x128xf32>
    %add3A_30 = arith.addf %add3A, %add3A_29 : vector<640x128xf32>
    %swap3A = arith.constant 0 : index
    %swap3A_31 = arith.constant 0 : index
    %swap3A_32 = vector.load %arg7[%swap3A, %swap3A_31] : memref<640x128xf32, #tpu.memory_space<vmem>>, vector<640x128xf32>
    tpu.vector_store %arg7[%swap3A, %swap3A_31], %add3A_30 {strides = array<i32>} : memref<640x128xf32, #tpu.memory_space<vmem>>, vector<640x128xf32>,
    return
  }
  func.func @transform_0(%arg0: i32) -> (i32, i32) {
    %c0_i32 = arith.constant 0 : i32
    %c0_i32_0 = arith.constant 0 : i32
    return %arg0, %c0_i32 : i32, i32
  }
  func.func @transform_1(%arg0: i32) -> (i32, i32, i32) {
    %c0_i32 = arith.constant 0 : i32
    %c0_i32_0 = arith.constant 0 : i32
    %c0_i32_1 = arith.constant 0 : i32
    return %arg0, %c0_i32, %c0_i32_0 : i32, i32, i32
  }
  func.func @transform_2(%arg0: i32) -> (i32, i32) {
    %c0_i32 = arith.constant 0 : i32
    %c0_i32_0 = arith.constant 0 : i32
    %c0_i32_1 = arith.constant 0 : i32
    return %c0_i32, %c0_i32_0 : i32, i32
  }
  func.func @transform_3(%arg0: i32) -> (i32, i32) {
    %c0_i32 = arith.constant 0 : i32
    %c0_i32_0 = arith.constant 0 : i32
    %c0_i32_1 = arith.constant 0 : i32
    return %c0_i32, %c0_i32_0 : i32, i32
  }
  func.func @transform_4(%arg0: i32) -> (i32, i32) {
    %c0_i32 = arith.constant 0 : i32
    %c0_i32_0 = arith.constant 0 : i32
    %c0_i32_1 = arith.constant 0 : i32
    return %c0_i32, %c0_i32_0 : i32, i32
  }
  func.func @transform_5(%arg0: i32) -> (i32, i32) {
    %c0_i32 = arith.constant 0 : i32
    %c0_i32_0 = arith.constant 0 : i32
    %c0_i32_1 = arith.constant 0 : i32
    return %c0_i32, %c0_i32_0 : i32, i32
  }
  func.func @transform_6(%arg0: i32) -> (i32, i32) {
    %c0_i32 = arith.constant 0 : i32
    %c0_i32_0 = arith.constant 0 : i32
    return %arg0, %c0_i32 : i32, i32
  }
}

module attributes {stable_mosaic.version = 14 : i64} {
  func.func @_mlp_post_body(%arg0: i32, %arg1: memref<640x128xf32, #tpu.memory_space<vmem>>, %arg2: memref<2x16x8x640xf32, #tpu.memory_space<vmem>>, %arg3: memref<16x640xf32, #tpu.memory_space<vmem>>, %arg4: memref<16x128xf32, #tpu.memory_space<vmem>>, %arg5: memref<128x128xf32, #tpu.memory_space<vmem>>, %arg6: memref<1x128xf32, #tpu.memory_space<vmem>>, %arg7: memref<640x128xf32, #tpu.memory_space<vmem>>) attributes {dimension_semantics = [#tpu.dimension_semantics<arbitrary>], iteration_bounds = array<i64: 16>, scalar_prefetch = 0 : i64, scratch_operands = 0 : i64, tpu.core_type = #tpu.core_type<tc>, window_params = [{transform_indices = @transform_0, window_bounds = array<i64: 640, 128>}, {transform_indices = @transform_1, window_bounds = array<i64: 2, 16, 8, 640>}, {transform_indices = @transform_2, window_bounds = array<i64: 16, 640>}, {pipeline_mode = #tpu.pipeline_mode<synchronous>, transform_indices = @transform_3, window_bounds = array<i64: 16, 128>}, {pipeline_mode = #tpu.pipeline_mode<synchronous>, transform_indices = @transform_4, window_bounds = array<i64: 128, 128>}, {pipeline_mode = #tpu.pipeline_mode<synchronous>, transform_indices = @transform_5, window_bounds = array<i64: 1, 128>}, {transform_indices = @transform_6, window_bounds = array<i64: 640, 128>}]} {
    %get3A = arith.constant 0 : index
    %get3A_0 = arith.constant 0 : index
    %get3A_1 = arith.constant 0 : index
    %get3A_2 = arith.constant 0 : index
    %get3A_3 = vector.load %arg2[%get3A, %get3A_0, %get3A_1, %get3A_2] : memref<2x16x8x640xf32, #tpu.memory_space<vmem>>, vector<2x16x8x640xf32>
    %reduce_sum3A = arith.constant dense<0.000000e+00> : vector<2x8x640xf32>
    %reduce_sum3A_4 = vector.multi_reduction <add>, %get3A_3, %reduce_sum3A [1] : vector<2x16x8x640xf32> to vector<2x8x640xf32>
    %reshape3A = vector.shape_cast %reduce_sum3A_4 : vector<2x8x640xf32> to vector<16x640xf32>
    %get3A_5 = arith.constant 0 : index
    %get3A_6 = arith.constant 0 : index
    %get3A_7 = vector.load %arg3[%get3A_5, %get3A_6] : memref<16x640xf32, #tpu.memory_space<vmem>>, vector<16x640xf32>
    %reduce_sum3A_8 = arith.constant dense<0.000000e+00> : vector<640xf32>
    %reduce_sum3A_9 = vector.multi_reduction <add>, %get3A_7, %reduce_sum3A_8 [0] : vector<16x640xf32> to vector<640xf32>
    %max3A = arith.constant 1.000000e+00 : f32
    %max3A_10 = vector.broadcast %max3A : f32 to vector<640xf32>
    %max3A_11 = arith.maximumf %reduce_sum3A_9, %max3A_10 : vector<640xf32>
    %broadcast_in_dim3A = vector.shape_cast %max3A_11 : vector<640xf32> to vector<1x640xf32>
    %div3A = vector.broadcast %broadcast_in_dim3A : vector<1x640xf32> to vector<16x640xf32>
    %div3A_12 = arith.divf %reshape3A, %div3A : vector<16x640xf32>
    %get3A_13 = arith.constant 0 : index
    %get3A_14 = arith.constant 0 : index
    %get3A_15 = vector.load %arg1[%get3A_13, %get3A_14] : memref<640x128xf32, #tpu.memory_space<vmem>>, vector<640x128xf32>
    %transpose3A = tpu.transpose %div3A_12, [1, 0] : vector<16x640xf32> -> vector<640x16xf32>
    %get3A_16 = arith.constant 0 : index
    %get3A_17 = arith.constant 0 : index
    %get3A_18 = vector.load %arg4[%get3A_16, %get3A_17] : memref<16x128xf32, #tpu.memory_space<vmem>>, vector<16x128xf32>
    %dot_general3A = arith.constant dense<0.000000e+00> : vector<640x128xf32>
    %dot_general3A_19 = tpu.matmul %transpose3A, %get3A_18, %dot_general3A {dimension_numbers = #tpu.dot_dimension_numbers<[1], [0], [0], [1], [0, 0, 1, 1], [], []>, transpose_lhs_hint = false} : vector<640x16xf32>, vector<16x128xf32>, vector<640x128xf32> -> vector<640x128xf32>
    %add3A = arith.addf %get3A_15, %dot_general3A_19 : vector<640x128xf32>
    %max3A_20 = arith.constant 0.000000e+00 : f32
    %max3A_21 = vector.broadcast %max3A_20 : f32 to vector<640x128xf32>
    %max3A_22 = arith.maximumf %add3A, %max3A_21 : vector<640x128xf32>
    %get3A_23 = arith.constant 0 : index
    %get3A_24 = arith.constant 0 : index
    %get3A_25 = vector.load %arg5[%get3A_23, %get3A_24] : memref<128x128xf32, #tpu.memory_space<vmem>>, vector<128x128xf32>
    %dot_general3A_26 = arith.constant dense<0.000000e+00> : vector<640x128xf32>
    %dot_general3A_27 = tpu.matmul %max3A_22, %get3A_25, %dot_general3A_26 {dimension_numbers = #tpu.dot_dimension_numbers<[1], [0], [0], [1], [0, 0, 1, 1], [], []>, transpose_lhs_hint = false} : vector<640x128xf32>, vector<128x128xf32>, vector<640x128xf32> -> vector<640x128xf32>
    %get3A_28 = arith.constant 0 : index
    %get3A_29 = arith.constant 0 : index
    %get3A_30 = vector.load %arg6[%get3A_28, %get3A_29] : memref<1x128xf32, #tpu.memory_space<vmem>>, vector<1x128xf32>
    %add3A_31 = vector.broadcast %get3A_30 : vector<1x128xf32> to vector<640x128xf32>
    %add3A_32 = arith.addf %dot_general3A_27, %add3A_31 : vector<640x128xf32>
    %swap3A = arith.constant 0 : index
    %swap3A_33 = arith.constant 0 : index
    %swap3A_34 = vector.load %arg7[%swap3A, %swap3A_33] : memref<640x128xf32, #tpu.memory_space<vmem>>, vector<640x128xf32>
    tpu.vector_store %arg7[%swap3A, %swap3A_33], %add3A_32 {strides = array<i32>} : memref<640x128xf32, #tpu.memory_space<vmem>>, vector<640x128xf32>,
    return
  }
  func.func @transform_0(%arg0: i32) -> (i32, i32) {
    %c0_i32 = arith.constant 0 : i32
    %c0_i32_0 = arith.constant 0 : i32
    return %arg0, %c0_i32 : i32, i32
  }
  func.func @transform_1(%arg0: i32) -> (i32, i32, i32, i32) {
    %c0_i32 = arith.constant 0 : i32
    %c0_i32_0 = arith.constant 0 : i32
    %c0_i32_1 = arith.constant 0 : i32
    %c0_i32_2 = arith.constant 0 : i32
    return %c0_i32, %c0_i32_0, %c0_i32_1, %arg0 : i32, i32, i32, i32
  }
  func.func @transform_2(%arg0: i32) -> (i32, i32) {
    %c0_i32 = arith.constant 0 : i32
    %c0_i32_0 = arith.constant 0 : i32
    return %c0_i32, %arg0 : i32, i32
  }
  func.func @transform_3(%arg0: i32) -> (i32, i32) {
    %c0_i32 = arith.constant 0 : i32
    %c0_i32_0 = arith.constant 0 : i32
    %c0_i32_1 = arith.constant 0 : i32
    return %c0_i32, %c0_i32_0 : i32, i32
  }
  func.func @transform_4(%arg0: i32) -> (i32, i32) {
    %c0_i32 = arith.constant 0 : i32
    %c0_i32_0 = arith.constant 0 : i32
    %c0_i32_1 = arith.constant 0 : i32
    return %c0_i32, %c0_i32_0 : i32, i32
  }
  func.func @transform_5(%arg0: i32) -> (i32, i32) {
    %c0_i32 = arith.constant 0 : i32
    %c0_i32_0 = arith.constant 0 : i32
    %c0_i32_1 = arith.constant 0 : i32
    return %c0_i32, %c0_i32_0 : i32, i32
  }
  func.func @transform_6(%arg0: i32) -> (i32, i32) {
    %c0_i32 = arith.constant 0 : i32
    %c0_i32_0 = arith.constant 0 : i32
    return %arg0, %c0_i32 : i32, i32
  }
}

</mosaic_0001>

<sc_bundles>
// kernel: kernel.5.cloned.1.call-start
scs
__scs_entry_jumppad:
0x0: {  	(pc) =	sbr.rel $0x88, $3  }
0x1: {  	(tag) =	ssettag $0x0;
	lr =	simm.s32 $0x1  }
0x2: {  	[smem:$0x3F98] =	sst lr;
	_ =	strace $0xD0000000  }
0x3: {  	_ = 	snop  }
0x4: {  	_ = 	snop  }
0x5: {  	_ = 	snop  }
0x6: {  	_ = 	snop  }
0x7: {  	_ = 	snop  }
__scs_overlays_trampoline_lowered:
0x8: {  	[smem:$0x3FA7] =	sst s0  }
0x9: {  	[smem:$0x3FA8] =	sst s1  }
0xa: {  	[smem:$0x3FA9] =	sst s2  }
0xb: {  	[smem:$0x3FAA] =	sst s3  }
0xc: {  	[smem:$0x3FAB] =	sst s4  }
0xd: {  	[smem:$0x3FAC] =	sst s5  }
0xe: {  	[smem:$0x3FAD] =	sst s6  }
0xf: {  	[smem:$0x3FAE] =	sst s7  }
0x10: {  	[smem:$0x3FAF] =	sst s8  }
0x11: {  	[smem:$0x3FB0] =	sst s9;
	s0 =	simm.s32 @!p0 $0x0  }
0x12: {  	s1 =	sld [smem:$0x3F96];
	s0 =	simm.s32 @p0 $0x1  }
0x13: {  	[smem:$0x3FB1] =	sst s0;
	s0 =	simm.s32 @!p1 $0x0  }
0x14: {  	s2 =	sld [smem:$0x3F95];
	s0 =	simm.s32 @p1 $0x1  }
0x15: {  	[smem:$0x3FB2] =	sst s0;
	s0 =	simm.s32 @!p2 $0x0  }
0x16: {  	s3 =	sld [smem:$0x3FDB];
	s0 =	simm.s32 @p2 $0x1  }
0x17: {  	s4 =	simm.s32 $0x1BF5;
	[smem:$0x3FB4] =	sst s0  }
0x18: {  	s0 =	sld [smem:$0x3F97];
	_ =	swait.ge [sflag:s4], $0x0  }
0x19: {  	s7 =	sld [smem:$0x3F98]  }
0x1a: {  	s8 =	sadd.s32 $0xFFFFE003, lr  }
0x1b: {  	s9 =	sadd.s32 $0xFFFFFEF7, lr;
	s5 =	simm.s32 $0xFFFFFFFF;
	p2 =	slt.u32 s8, $0xFFFFF086  }
0x1c: {  	p1 =	slt.u32 s9, $0xF7A;
	s5 =	simm.s32 @!p2 $0x0  }
0x1d: {  	s5 =	simm.s32 @p1 $0x1;
	p0 =	seq.s32 s7, s2  }
0x1e: {  	s7 =	smul.u32 @!p0 $0xF7A, s2;
	p2 =	seq.s32 @!p0 s5, $0x0  }
0x1f: {  	s9 =	smul.u32 $0xF7A, s1;
	s8 =	simm.s32 @!p0 $0x1BF5;
	p2 =	por !p2, p0  }
0x20: {  	[sflag:s8] =	ssyncset.s32 @!p0 $0xFFFFF086;
	s6 =	sadd.s32 @!p0 s3, s7;
	s7 =	simm.s32 @!p0 $0x108  }
0x21: {  	s3 =	sadd.s32 s3, s9;
	s6 =	sadd.s32 @!p0 $0x88, s6;
	s7 =	simm.s32 @p2 $0x1082  }
0x22: {  	[simem:s7], [sflag:s8] =	dma.local @!p0 [hbm:s6], $0xF7A  }
0x23: {  	s9 =	sor.u32 $0xD0000000, s2;
	s6 =	simm.s32 $0x108;
	_ =	swait.ge @!p0 [sflag:s8], $0x0  }
0x24: {  	s3 =	sadd.s32 $0x88, s3;
	s6 =	simm.s32 @!p1 $0x1082;
	[sflag:s4] =	ssyncset.s32 $0xFFFFF086  }
0x25: {  	[simem:s6], [sflag:s4] =	dma.local [hbm:s3], $0xF7A  }
0x26: {  	[smem:$0x3F98] =	sst s1;
	(tag) =	ssettag s2;
	_ =	strace s9  }
0x27: {  	s1 =	sld [smem:$0x3FA8]  }
0x28: {  	s2 =	sld [smem:$0x3FA9]  }
0x29: {  	s4 =	sld [smem:$0x3FAB]  }
0x2a: {  	p0 =	seq.s32 s5, $0x0;
	s5 =	sld [smem:$0x3FAC]  }
0x2b: {  	s6 =	sld [smem:$0x3FAD]  }
0x2c: {  	s7 =	sld [smem:$0x3FAE]  }
0x2d: {  	s3 =	simm.s32 $0x108;
	s8 =	sld [smem:$0x3FAF]  }
0x2e: {  	s3 =	simm.s32 @!p0 $0x1082;
	s9 =	sld [smem:$0x3FB0]  }
0x2f: {  	lr =	sadd.s32 s0, s3;
	s0 =	sld [smem:$0x3FA7]  }
0x30: {  	s3 =	sld [smem:$0x3FAA]  }
0x31: {  	[smem:$0x3FB3] =	sst s10  }
0x32: {  	s10 =	sld [smem:$0x3FB1];
	_ =	sdelay $0x3  }
0x33: {  	p0 =	seq.s32 s10, $0x1;
	s10 =	sld [smem:$0x3FB3];
	_ =	sdelay $0x3  }
0x34: {  	[smem:$0x3FB3] =	sst s10  }
0x35: {  	s10 =	sld [smem:$0x3FB2];
	_ =	sdelay $0x3  }
0x36: {  	p1 =	seq.s32 s10, $0x1;
	s10 =	sld [smem:$0x3FB3];
	_ =	sdelay $0x3  }
0x37: {  	[smem:$0x3FB3] =	sst s10  }
0x38: {  	s10 =	sld [smem:$0x3FB4]  }
0x39: {  	_ = 	snop;
	(pc) =	sbr.ind lr, $3  }
0x3a: {  	_ = 	snop  }
0x3b: {  	_ = 	snop  }
0x3c: {  	p2 =	seq.s32 s10, $0x1;
	s10 =	sld [smem:$0x3FB3]  }
0x3d: {  	_ =	shalt  }
0x3e: {  	_ =	shalt  }
0x3f: {  	_ =	shalt  }
0x40: {  	_ =	shalt  }
0x41: {  	_ =	shalt  }
0x42: {  	_ =	shalt  }
0x43: {  	_ =	shalt  }
0x44: {  	_ =	shalt  }
0x45: {  	_ =	shalt  }
0x46: {  	_ =	shalt  }
0x47: {  	_ =	shalt  }
0x48: {  	_ =	shalt  }
0x49: {  	_ =	shalt  }
0x4a: {  	_ =	shalt  }
0x4b: {  	_ =	shalt  }
0x4c: {  	_ =	shalt  }
0x4d: {  	_ =	shalt  }
0x4e: {  	_ =	shalt  }
0x4f: {  	_ =	shalt  }
0x50: {  	_ =	shalt  }
0x51: {  	_ =	shalt  }
0x52: {  	_ =	shalt  }
0x53: {  	_ =	shalt  }
0x54: {  	_ =	shalt  }
0x55: {  	_ =	shalt  }
0x56: {  	_ =	shalt  }
0x57: {  	_ =	shalt  }
0x58: {  	_ =	shalt  }
0x59: {  	_ =	shalt  }
0x5a: {  	_ =	shalt  }
0x5b: {  	_ =	shalt  }
0x5c: {  	_ =	shalt  }
0x5d: {  	_ =	shalt  }
0x5e: {  	_ =	shalt  }
0x5f: {  	_ =	shalt  }
0x60: {  	_ =	shalt  }
0x61: {  	_ =	shalt  }
0x62: {  	_ =	shalt  }
0x63: {  	_ =	shalt  }
0x64: {  	_ =	shalt  }
0x65: {  	_ =	shalt  }
0x66: {  	_ =	shalt  }
0x67: {  	_ =	shalt  }
0x68: {  	_ =	shalt  }
0x69: {  	_ =	shalt  }
0x6a: {  	_ =	shalt  }
0x6b: {  	_ =	shalt  }
0x6c: {  	_ =	shalt  }
0x6d: {  	_ =	shalt  }
0x6e: {  	_ =	shalt  }
0x6f: {  	_ =	shalt  }
0x70: {  	_ =	shalt  }
0x71: {  	_ =	shalt  }
0x72: {  	_ =	shalt  }
0x73: {  	_ =	shalt  }
0x74: {  	_ =	shalt  }
0x75: {  	_ =	shalt  }
0x76: {  	_ =	shalt  }
0x77: {  	_ =	shalt  }
0x78: {  	_ =	shalt  }
0x79: {  	_ =	shalt  }
0x7a: {  	_ =	shalt  }
0x7b: {  	_ =	shalt  }
0x7c: {  	_ =	shalt  }
0x7d: {  	_ =	shalt  }
0x7e: {  	_ =	shalt  }
0x7f: {  	_ =	shalt  }
0x80: {  	_ =	shalt  }
0x81: {  	_ =	shalt  }
0x82: {  	_ =	shalt  }
0x83: {  	_ =	shalt  }
0x84: {  	_ =	shalt  }
0x85: {  	_ =	shalt  }
0x86: {  	_ =	shalt  }
0x87: {  	_ =	shalt  }
.Lfunc_end0:
.L_simem_size_0:
called_computation_lowered:
.L_overlay_start_0:
0x88: {  	s2 =	sld [smem:$0x3FD9]  }
0x89: {  	s3 =	sld [smem:$0x3FFE];
	_ =	sdelay $0x1  }
0x8a: {  	s1 =	srdreg.scid  }
0x8b: {  	s0 =	sand.u32 $0x1, s1  }
0x8c: {  	s17 =	sshll.u32 s0, $0xA;
	s2 =	sadd.s32 s3, s2  }
0x8d: {  	s2 =	sadd.s32 s2, s17  }
0x8e: {  	[smem:$0x3FBF] =	sst s2  }
0x8f: {  	_ = 	snop  }
0x90: {  	s2 =	sld [smem:$0x3FC7]  }
0x91: {  	s18 =	sld [smem:$0x3FD0];
	(tm) =	ssettm $0x1  }
0x92: {  	s4 =	sld [smem:$0x3FFB];
	_ =	sdelay $0x3  }
0x93: {  	_ =	strace s4  }
0x94: {  	s4 =	sld [smem:$0x3FFC];
	_ =	sdelay $0x3  }
0x95: {  	_ =	strace s4  }
0x96: {  	s4 =	sld [smem:$0x3FFD];
	_ =	sdelay $0x3  }
0x97: {  	_ =	strace s4  }
0x98: {  	_ =	strace $0x8FFFFFFF  }
0x99: {  	s19 =	sld [smem:$0x3FDB];
	_ =	sdelay $0x1  }
0x9a: {  	s5 =	simm.s32 $_scs_section_size  }
0x9b: {  	s6 =	simm.s32 $_size__tile_overlayer_lowered;
	s7 =	simm.s32 $_tile_overlayer_lowered  }
0x9c: {  	s22 =	simm.s32 $0x1BFF;
	s21 =	sshll.u32 s7, $0x1;
	s4 =	sadd.s32 s5, s19  }
0x9d: {  	s8 =	simm.s32 $0x0;
	s20 =	sshll.u32 s6, $0x1;
	s6 =	sadd.s32 s21, s4  }
0x9e: {  	[timem:s8], [sflag:s22] =	dma.local [hbm:s6], s20  }
0x9f: {  	_ =	swait.ge [sflag:s22], s20  }
0xa0: {  	s5 =	ssub.s32 $0x0, s20;
	[sflag:s22] =	ssyncset.done $0x0  }
0xa1: {  	[sflag:s22] =	ssyncadd.s32 s5;
	_ =	sdelay $0x1  }
0xa2: {  	s23 =	simm.s32 $0x1B8B  }
0xa3: {  	_ =	swait.ge [sflag:s23], $0x1  }
0xa4: {  	[sflag:s23] =	ssyncset.done $0x0  }
0xa5: {  	s25 =	simm.s32 $0x1B8E;
	s24 =	sld [smem:$0x3FFE];
	[sflag:s23] =	ssyncadd.s32 $0xFFFFFFFF  }
0xa6: {  	s26 =	simm.s32 $execute0_lowered;
	[smem:$0x3FD2] =	sst s25  }
0xa7: {  	s6 =	sshll.u32 s26, $0x1;
	_ =	strace $0x80000046;
	[dreg:$0x1] =	wrdreg $0xFFFFFFFF  }
0xa8: {  	s28 =	simm.s32 $_size_execute0_lowered;
	s4 =	sadd.s32 s4, s6;
	[dreg:$0x0] =	wrdreg $0x0  }
0xa9: {  	s6 =	sshll.u32 s28, $0x1;
	[dreg:$0x2] =	wrdreg s4  }
0xaa: {  	[dreg:$0x3] =	wrdreg s6  }
0xab: {  	[dreg:$0x4] =	wrdreg $0xC0  }
0xac: {  	_ =	task [dreg:s8], $0x5FFFF  }
0xad: {  	[dreg:$0x1] =	wrdreg $0xFFFFFFFF  }
0xae: {  	[dreg:$0x0] =	wrdreg $0x60  }
0xaf: {  	[dreg:$0x2] =	wrdreg s18  }
0xb0: {  	[dreg:$0x3] =	wrdreg s2  }
0xb1: {  	[dreg:$0x4] =	wrdreg s24  }
0xb2: {  	[dreg:$0x5] =	wrdreg $0x9  }
0xb3: {  	_ =	task.clear_ibuf [dreg:s8], $0x6FFFF;
	_ =	strace $0x90000046  }
0xb4: {  	s29 =	simm.s32 $0x9;
	_ =	strace $0x80000048  }
0xb5: {  	_ =	swait.ge [sflag:s29], $0x1  }
0xb6: {  	[sflag:s29] =	ssyncadd.s32 $0xFFFFFFFF  }
0xb7: {  	_ =	strace $0x90000048  }
0xb8: {  	_ =	sfence  }
0xb9: {  	s30 =	sld [smem:$0x0];
	_ =	sdelay $0x2  }
0xba: {  	s31 =	sshll.u32 s1, $0xD;
	s1 =	sshrl.u32 s1, $0x2  }
0xbb: {  	s3 =	sand.u32 $0x4000, s31;
	s1 =	sadd.s32 s1, s30  }
0xbc: {  	s0 =	sor.u32 s3, s0;
	s1 =	sshll.u32 s1, $0x11  }
0xbd: {  	s0 =	sor.u32 s1, s0  }
0xbe: {  	s0 =	sadd.s32 $0x8F2B, s0  }
0xbf: {  	[sflag:s0] =	ssyncadd.remote.s32 $0x1  }
0xc0: {  	_ =	sfence.sel $0xFFFF  }
0xc1: {  	[dreg:$0x0] =	wrdreg $0xFFFFFFFF;
	(pc) =	sbr.abs _section_cstart, $3  }
0xc2: {  	[dreg:$0x1] =	wrdreg $0xFFFFFFFF  }
0xc3: {  	_ =	task.clear_ibuf [dreg:s8], $0x2FFFF;
	_ =	strace $0x9FFFFFFF  }
0xc4: {  	(tm) =	ssettm $0x7FFFFFFF  }
0xc5: {  	_ =	shalt  }
tec
execute0_lowered:
.L_overlay_start_1:
0x0: {  	(tag) =	ssettag $0x1  }
0x1: {  	s31 =	stileid.u32  }
0x2: {  	s0 =	srdreg.scid;
	s1 =	smul.u32 $0x14000, s31  }
0x3: {  	s4 =	rddreg [dreg:$0x1];
	s8 =	smul.u32 $0x27000, s31  }
0x4: {  	s2 =	rddreg [dreg:$0x2];
	s6 =	simm.s32 $0x0;
	s10 =	smul.u32 $0x500, s31  }
0x5: {  	s30 =	rddreg [dreg:$0x0];
	s3 =	sand.u32 $0x1, s0;
	s9 =	smul.u32 $0x9C, s31  }
0x6: {  	[smem:$0x7FF] =	sst s6;
	s0 =	smul.u32 $0x140000, s3  }
0x7: {  	p1 =	sne.s32 s31, $0xF;
	s5 =	smul.u32 $0x271000, s3;
	s7 =	ssub.s32 $0x2, s3  }
0x8: {  	p0 =	sne.s32 s3, $0x0;
	s3 =	simm.s32 $0x6600;
	s11 =	sshrl.u32 s7, $0x1  }
0x9: {  	s26 =	sadd.s32 $0x84, s9;
	s0 =	sadd.s32 s1, s0;
	s8 =	sadd.s32 s8, s5  }
0xa: {  	s1 =	sadd.s32 s10, s2;
	s25 =	sshll.u32 s26, $0xA;
	s0 =	sshrl.u32 s0, $0x3  }
0xb: {  	s12 =	sshrl.u32 s8, $0x3;
	s8 =	sadd.s32 $0x18, s9;
	s0 =	sadd.s32 s0, s2  }
0xc: {  	s2 =	ssub.s32 s7, s11;
	s6 =	sadd.s32 s4, s12;
	s7 =	sadd.s32 $0xC, s9  }
0xd: {  	[dreg:$0x4] =	wrdreg s6;
	s10 =	sshll.u32 s7, $0xA;
	s6 =	sadd.s32 $0x24, s9  }
0xe: {  	s11 =	sshll.u32 s8, $0xA;
	s10 =	sadd.s32 s5, s10;
	s12 =	sshll.u32 s6, $0xA  }
0xf: {  	s11 =	sadd.s32 s5, s11;
	s10 =	sshrl.u32 s10, $0x3;
	s12 =	sadd.s32 s5, s12  }
0x10: {  	s13 =	sshrl.u32 s11, $0x3;
	s10 =	sadd.s32 s4, s10;
	s14 =	sshrl.u32 s12, $0x3  }
0x11: {  	s12 =	sadd.s32 $0x3C, s9;
	[dreg:$0x5] =	wrdreg s10;
	s10 =	sadd.s32 s4, s13  }
0x12: {  	s15 =	sadd.s32 s4, s14;
	s13 =	sadd.s32 $0x48, s9;
	[dreg:$0x6] =	wrdreg s10  }
0x13: {  	s14 =	sshll.u32 s12, $0xA;
	[dreg:$0x7] =	wrdreg s15;
	s10 =	sadd.s32 $0x30, s9  }
0x14: {  	s15 =	sshll.u32 s13, $0xA;
	s14 =	sadd.s32 s5, s14;
	s16 =	sshll.u32 s10, $0xA  }
0x15: {  	s15 =	sadd.s32 s5, s15;
	s17 =	sshrl.u32 s14, $0x3;
	s11 =	sadd.s32 s5, s16  }
0x16: {  	s18 =	sshrl.u32 s15, $0x3;
	s15 =	sadd.s32 $0x60, s9;
	s16 =	sadd.s32 $0x6C, s9  }
0x17: {  	s11 =	sshrl.u32 s11, $0x3;
	s19 =	sadd.s32 s4, s18;
	s18 =	sshll.u32 s16, $0xA  }
0x18: {  	s11 =	sadd.s32 s4, s11;
	[dreg:$0xa] =	wrdreg s19;
	s18 =	sadd.s32 s5, s18  }
0x19: {  	[dreg:$0x8] =	wrdreg s11;
	s11 =	sadd.s32 s4, s17;
	s17 =	sshll.u32 s15, $0xA  }
0x1a: {  	s22 =	sshrl.u32 s18, $0x3;
	s18 =	sadd.s32 s5, s25;
	s25 =	sshll.u32 s6, $0x4  }
0x1b: {  	s6 =	sshll.u32 s12, $0x4;
	[dreg:$0x9] =	wrdreg s11;
	s11 =	sadd.s32 $0x54, s9  }
0x1c: {  	s17 =	sadd.s32 s5, s17;
	s23 =	sadd.s32 s4, s22;
	s18 =	sshrl.u32 s18, $0x3  }
0x1d: {  	s20 =	sshll.u32 s11, $0xA;
	[dreg:$0xd] =	wrdreg s23;
	s23 =	sshll.u32 s7, $0x4  }
0x1e: {  	s7 =	sshll.u32 s13, $0x4;
	s13 =	sshll.u32 s26, $0x4;
	s14 =	sadd.s32 s5, s20  }
0x1f: {  	s21 =	sshrl.u32 s17, $0x3;
	s28 =	sadd.s32 s30, s13;
	s14 =	sshrl.u32 s14, $0x3  }
0x20: {  	s13 =	sadd.s32 $0x1C00, s0;
	s0 =	sadd.s32 $0x51C00, s1;
	s14 =	sadd.s32 s4, s14  }
0x21: {  	s1 =	smax.u32 s2, $0x1;
	s2 =	simm.s32 $0x3000;
	[dreg:$0xb] =	wrdreg s14  }
0x22: {  	s14 =	sadd.s32 s4, s21;
	s21 =	smul.u32 $0x9C0, s31;
	s31 =	simm.s32 $0x3  }
0x23: {  	[dreg:$0xc] =	wrdreg s14;
	s14 =	sadd.s32 $0x78, s9;
	s9 =	sadd.s32 $0x90, s9  }
0x24: {  	s24 =	sshll.u32 s14, $0xA;
	s19 =	sshll.u32 s9, $0xA;
	s22 =	sadd.s32 s30, s21  }
0x25: {  	s21 =	sadd.s32 s30, s6;
	s12 =	sshll.u32 s14, $0x4;
	s14 =	sshll.u32 s9, $0x4  }
0x26: {  	s6 =	simm.s32 $0x2;
	s9 =	simm.s32 $0x5;
	s17 =	sadd.s32 s5, s24  }
0x27: {  	s19 =	sadd.s32 s5, s19;
	s5 =	sshrl.u32 s5, $0x3;
	s24 =	sshll.u32 s8, $0x4  }
0x28: {  	s8 =	sshll.u32 s11, $0x4;
	s11 =	sshll.u32 s16, $0x4;
	s26 =	sadd.s32 s30, s12  }
0x29: {  	s29 =	sadd.s32 s30, s14;
	s17 =	sshrl.u32 s17, $0x3;
	s19 =	sshrl.u32 s19, $0x3  }
0x2a: {  	s16 =	sadd.s32 $0x9C00, s30;
	s17 =	sadd.s32 s4, s17;
	s20 =	sadd.s32 s4, s19  }
0x2b: {  	s19 =	sadd.s32 s30, s25;
	s25 =	sadd.s32 s30, s11;
	[dreg:$0xe] =	wrdreg s17  }
0x2c: {  	s17 =	sadd.s32 s4, s18;
	[dreg:$0x10] =	wrdreg s20;
	s4 =	sadd.s32 s4, s5  }
0x2d: {  	s18 =	sadd.s32 s30, s24;
	s5 =	sshll.u32 s10, $0x4;
	s10 =	sshll.u32 s15, $0x4  }
0x2e: {  	[dreg:$0xf] =	wrdreg s17;
	s17 =	sadd.s32 s30, s23;
	s20 =	sadd.s32 s30, s5  }
.Ltmp0:
0x2f: {  	s23 =	sadd.s32 s30, s8;
	s24 =	sadd.s32 s30, s10;
	(pc) =	sbr.rel .LBB2_1-.Ltmp0, $4  }
0x30: {  	s15 =	sadd.s32 $0x4E000, s4;
	s4 =	simm.s32 $0x6C00;
	s5 =	simm.s32 $0x1AC00  }
0x31: {  	s8 =	simm.s32 $0x6000;
	_ =	strace $0x80000047;
	[dreg:$0x11] =	wrdreg s22  }
0x32: {  	s10 =	simm.s32 $0x0;
	s22 =	sadd.s32 s30, s7;
	[dreg:$0x12] =	wrdreg s15  }
0x33: {  	v0 =	vimm.f32 $0.0e+00;
	v1 =	vimm.f32 $1.000000000e+00;
	[dreg:$0x13] =	wrdreg s16;
	s30 =	simm.s32 $0x1;
	s7 =	simm.s32 $0x4  }
.LBB2_60:
0x34: {  	s11 =	simm.s32 $0x0  }
0x35: {  	[hbm4b:s13+s11] =	stream.linear.scatter [tilespmem:s4], [sflag:$0x5], $0x14000, $0x38;
	[tilespmem:$0x1D400] =	vst v63  }
0x36: {  	_ =	swait.ge [sflag:s9], $0x14000  }
0x37: {  	s12 =	simm.s32 @!p0 $0x1AC00;
	s10 =	sadd.s32 $0x1, s10;
	[sflag:s9] =	ssyncset.done $0x0  }
0x38: {  	s11 =	simm.s32 @!p0 $0x0;
	p2 =	sne.s32 s10, s1;
	[sflag:s9] =	ssyncadd.s32 $0xFFFEC000  }
0x39: {  	[hbm4b:s0+s11] =	stream.linear.scatter @!p0 [tilespmem:s12], [sflag:$0x5], $0x2800, $0x38;
	[tilespmem:$0x1D400] =	vst v63  }
.Ltmp1:
0x3a: {  	_ = 	snop;
	(pc) =	sbr.rel @!p2 .LBB2_61-.Ltmp1, $4  }
0x3b: {  	s11 =	simm.s32 @!p0 $0x5  }
0x3c: {  	_ =	swait.ge @!p0 [sflag:s11], $0x2800  }
0x3d: {  	[sflag:s11] =	ssyncset.done @!p0 $0x0  }
0x3e: {  	[sflag:s11] =	ssyncadd.s32 @!p0 $0xFFFFD800  }
.LBB2_1:
0x3f: {  	s11 =	simm.s32 $0x0;
	s12 =	simm.s32 $0x40  }
.LBB2_2:
0x40: {  	p2 =	sne.s32 s12, $0x9FC0;
	[tilespmem:s11+$0x1AC00] =	vst v0  }
0x41: {  	[tilespmem:s11+$0x6C00] =	vst v0  }
0x42: {  	[tilespmem:s11+$0x9400] =	vst v0  }
0x43: {  	[tilespmem:s11+$0xBC00] =	vst v0  }
.Ltmp2:
0x44: {  	[tilespmem:s11+$0xE400] =	vst v0;
	(pc) =	sbr.rel @p2 .LBB2_2-.Ltmp2, $4  }
0x45: {  	[tilespmem:s11+$0x10C00] =	vst v0  }
0x46: {  	[tilespmem:s11+$0x13400] =	vst v0  }
0x47: {  	[tilespmem:s11+$0x15C00] =	vst v0  }
0x48: {  	[tilespmem:s11+$0x18400] =	vst v0;
	s11 =	sshra.s32 s12, $0x2;
	s12 =	sadd.s32 $0x40, s12  }
0x49: {  	[tilespmem:s11+$0x1AC00] =	vst v0  }
0x4a: {  	[tilespmem:s11+$0x6C00] =	vst v0  }
0x4b: {  	[tilespmem:s11+$0x9400] =	vst v0  }
0x4c: {  	[tilespmem:s11+$0xBC00] =	vst v0  }
0x4d: {  	[tilespmem:s11+$0xE400] =	vst v0  }
0x4e: {  	[tilespmem:s11+$0x10C00] =	vst v0  }
0x4f: {  	[tilespmem:s11+$0x13400] =	vst v0  }
0x50: {  	[tilespmem:s11+$0x15C00] =	vst v0  }
0x51: {  	[tilespmem:s11+$0x18400] =	vst v0;
	s11 =	simm.s32 $0x0;
	s12 =	rddreg [dreg:$0x4]  }
0x52: {  	[tilespmem:s11], [sflag:$0x1] =	stream.linear.gather [hbm4b:s12+s11], $0x3000, $0x38;
	[tilespmem:$0x1D400] =	vst v63  }
0x53: {  	s14 =	rddreg [dreg:$0x11];
	s12 =	simm.s32 $0x6000  }
0x54: {  	[tilespmem:s12], [sflag:$0x3] =	stream.linear.gather [hbm4b:s14+s11], $0x600, $0x38;
	[tilespmem:$0x1D400] =	vst v63  }
0x55: {  	_ =	swait.ge [sflag:s30], $0x3000  }
0x56: {  	[sflag:s30] =	ssyncset.done $0x0  }
0x57: {  	[sflag:s30] =	ssyncadd.s32 $0xFFFFD000  }
0x58: {  	_ =	swait.ge [sflag:s31], $0x600  }
0x59: {  	[sflag:s31] =	ssyncset.done $0x0  }
0x5a: {  	s16 =	rddreg [dreg:$0x5];
	[sflag:s31] =	ssyncadd.s32 $0xFFFFFA00  }
0x5b: {  	[tilespmem:s2], [sflag:$0x2] =	stream.linear.gather [hbm4b:s16+s11], $0x3000, $0x38;
	[tilespmem:$0x1D400] =	vst v63  }
0x5c: {  	s14 =	simm.s32 $0x200  }
0x5d: {  	[tilespmem:s3], [sflag:$0x4] =	stream.linear.gather [hbm4b:s17+s11], $0x600, $0x38;
	[tilespmem:$0x1D400] =	vst v63  }
.LBB2_4:
0x5e: {  	v4 =	vmov s12  }
0x5f: {  	v3 =	vmov s14;
	_ =	sdelay $0x2  }
0x60: {  	s15 =	simm.s32 $0x0  }
0x61: {  	s16 =	simm.s32 $0x40;
	v2 =	vld.idx.msk [tilespmem:v4+s15+$0x0 ss:$0x1], $0xffff  }
.LBB2_5:
0x62: {  	p2 =	sne.s32 s16, $0x1C0;
	v5 =	vld.idx.msk [tilespmem:v3+s15+$0xFFFFFE00 ss:$0x1], $0xffff;
	_ =	sdelay $0x4  }
0x63: {  	v6 =	vadd.s32 $0x2800, v2;
	v7 =	vadd.s32 $0x5000, v2;
	v8 =	vadd.s32 $0x7800, v2  }
0x64: {  	v9 =	vadd.s32 $0xA000, v2;
	v10 =	vadd.s32 $0xC800, v2;
	v11 =	vadd.s32 $0xF000, v2  }
0x65: {  	[tilespmem:v2+s4+$0x0] =	vst.idx.add.f32.msk $0xffff, v5  }
0x66: {  	v5 =	vld.idx.msk [tilespmem:v3+s15+$0xFFFFFE80 ss:$0x1], $0xffff;
	_ =	sdelay $0x5  }
0x67: {  	[tilespmem:v6+s4+$0x0] =	vst.idx.add.f32.msk $0xffff, v5  }
0x68: {  	v5 =	vld.idx.msk [tilespmem:v3+s15+$0xFFFFFF00 ss:$0x1], $0xffff;
	_ =	sdelay $0x5  }
0x69: {  	[tilespmem:v7+s4+$0x0] =	vst.idx.add.f32.msk $0xffff, v5  }
0x6a: {  	v5 =	vld.idx.msk [tilespmem:v3+s15+$0xFFFFFF80 ss:$0x1], $0xffff;
	_ =	sdelay $0x5  }
0x6b: {  	[tilespmem:v8+s4+$0x0] =	vst.idx.add.f32.msk $0xffff, v5  }
0x6c: {  	v5 =	vld.idx.msk [tilespmem:v3+s15+$0x0 ss:$0x1], $0xffff;
	_ =	sdelay $0x5  }
0x6d: {  	[tilespmem:v9+s4+$0x0] =	vst.idx.add.f32.msk $0xffff, v5  }
0x6e: {  	v5 =	vld.idx.msk [tilespmem:v3+s15+$0x80 ss:$0x1], $0xffff;
	_ =	sdelay $0x5  }
0x6f: {  	[tilespmem:v10+s4+$0x0] =	vst.idx.add.f32.msk $0xffff, v5  }
0x70: {  	v5 =	vld.idx.msk [tilespmem:v3+s15+$0x100 ss:$0x1], $0xffff;
	_ =	sdelay $0x5  }
0x71: {  	[tilespmem:v11+s4+$0x0] =	vst.idx.add.f32.msk $0xffff, v5  }
0x72: {  	v5 =	vld.idx.msk [tilespmem:v3+s15+$0x180 ss:$0x1], $0xffff  }
0x73: {  	v6 =	vadd.s32 $0x11800, v2;
	_ =	sdelay $0x2  }
.Ltmp3:
0x74: {  	(pc) =	sbr.rel @p2 .LBB2_5-.Ltmp3, $4  }
0x75: {  	_ = 	snop  }
0x76: {  	[tilespmem:v6+s4+$0x0] =	vst.idx.add.f32.msk $0xffff, v5  }
0x77: {  	s15 =	sshra.s32 s16, $0x2;
	[tilespmem:v2+s5+$0x0] =	vst.idx.add.f32.msk $0xffff, v1  }
0x78: {  	s16 =	sadd.s32 $0x40, s16;
	v2 =	vld.idx.msk [tilespmem:v4+s15+$0x0 ss:$0x1], $0xffff  }
0x79: {  	_ =	sdelay $0x3  }
0x7a: {  	v4 =	vld.idx.msk [tilespmem:v3+s15+$0xFFFFFE00 ss:$0x1], $0xffff;
	_ =	sdelay $0x4  }
0x7b: {  	[tilespmem:v2+s4+$0x0] =	vst.idx.add.f32.msk $0xffff, v4  }
0x7c: {  	v57 =	vadd.s32 $0x2800, v2;
	v5 =	vld.idx.msk [tilespmem:v3+s15+$0xFFFFFE80 ss:$0x1], $0xffff;
	_ =	sdelay $0x4  }
0x7d: {  	[tilespmem:v57+s4+$0x0] =	vst.idx.add.f32.msk $0xffff, v5  }
0x7e: {  	v58 =	vadd.s32 $0x5000, v2;
	v5 =	vld.idx.msk [tilespmem:v3+s15+$0xFFFFFF00 ss:$0x1], $0xffff;
	_ =	sdelay $0x4  }
0x7f: {  	[tilespmem:v58+s4+$0x0] =	vst.idx.add.f32.msk $0xffff, v5  }
0x80: {  	v59 =	vadd.s32 $0x7800, v2;
	v5 =	vld.idx.msk [tilespmem:v3+s15+$0xFFFFFF80 ss:$0x1], $0xffff;
	_ =	sdelay $0x4  }
0x81: {  	[tilespmem:v59+s4+$0x0] =	vst.idx.add.f32.msk $0xffff, v5  }
0x82: {  	v60 =	vadd.s32 $0xA000, v2;
	v5 =	vld.idx.msk [tilespmem:v3+s15+$0x0 ss:$0x1], $0xffff;
	_ =	sdelay $0x4  }
0x83: {  	[tilespmem:v60+s4+$0x0] =	vst.idx.add.f32.msk $0xffff, v5  }
0x84: {  	v61 =	vadd.s32 $0xC800, v2;
	v5 =	vld.idx.msk [tilespmem:v3+s15+$0x80 ss:$0x1], $0xffff;
	_ =	sdelay $0x4  }
0x85: {  	[tilespmem:v61+s4+$0x0] =	vst.idx.add.f32.msk $0xffff, v5  }
0x86: {  	v62 =	vadd.s32 $0xF000, v2;
	v5 =	vld.idx.msk [tilespmem:v3+s15+$0x100 ss:$0x1], $0xffff;
	_ =	sdelay $0x4  }
0x87: {  	[tilespmem:v62+s4+$0x0] =	vst.idx.add.f32.msk $0xffff, v5  }
0x88: {  	s11 =	sadd.s32 $0x1, s11;
	v63 =	vadd.s32 $0x11800, v2;
	v3 =	vld.idx.msk [tilespmem:v3+s15+$0x180 ss:$0x1], $0xffff  }
0x89: {  	p2 =	sne.s32 s11, $0xC  }
.Ltmp4:
0x8a: {  	_ = 	snop;
	(pc) =	sbr.rel @p2 .LBB2_4-.Ltmp4, $3  }
0x8b: {  	_ =	sdelay $0x1  }
0x8c: {  	[tilespmem:v63+s4+$0x0] =	vst.idx.add.f32.msk $0xffff, v3  }
0x8d: {  	s12 =	sadd.s32 $0x80, s12;
	s14 =	sadd.s32 $0x400, s14;
	[tilespmem:v2+s5+$0x0] =	vst.idx.add.f32.msk $0xffff, v1  }
0x8e: {  	_ =	swait.ge [sflag:s6], $0x3000  }
0x8f: {  	[sflag:s6] =	ssyncset.done $0x0  }
0x90: {  	[sflag:s6] =	ssyncadd.s32 $0xFFFFD000  }
0x91: {  	_ =	swait.ge [sflag:s7], $0x600  }
0x92: {  	[sflag:s7] =	ssyncset.done $0x0  }
0x93: {  	s11 =	simm.s32 $0x0;
	s12 =	rddreg [dreg:$0x6];
	[sflag:s7] =	ssyncadd.s32 $0xFFFFFA00  }
0x94: {  	[tilespmem:s11], [sflag:$0x1] =	stream.linear.gather [hbm4b:s12+s11], $0x3000, $0x38;
	[tilespmem:$0x1D400] =	vst v63  }
0x95: {  	s14 =	simm.s32 $0x3200;
	s12 =	simm.s32 $0x6600  }
0x96: {  	[tilespmem:s8], [sflag:$0x3] =	stream.linear.gather [hbm4b:s18+s11], $0x600, $0x38;
	[tilespmem:$0x1D400] =	vst v63  }
.LBB2_8:
0x97: {  	v4 =	vmov s12  }
0x98: {  	v3 =	vmov s14;
	_ =	sdelay $0x2  }
0x99: {  	s15 =	simm.s32 $0x0  }
0x9a: {  	s16 =	simm.s32 $0x40;
	v2 =	vld.idx.msk [tilespmem:v4+s15+$0x0 ss:$0x1], $0xffff  }
.LBB2_9:
0x9b: {  	p2 =	sne.s32 s16, $0x1C0;
	v5 =	vld.idx.msk [tilespmem:v3+s15+$0xFFFFFE00 ss:$0x1], $0xffff;
	_ =	sdelay $0x4  }
0x9c: {  	v6 =	vadd.s32 $0x2800, v2;
	v7 =	vadd.s32 $0x5000, v2;
	v8 =	vadd.s32 $0x7800, v2  }
0x9d: {  	v9 =	vadd.s32 $0xA000, v2;
	v10 =	vadd.s32 $0xC800, v2;
	v11 =	vadd.s32 $0xF000, v2  }
0x9e: {  	[tilespmem:v2+s4+$0x0] =	vst.idx.add.f32.msk $0xffff, v5  }
0x9f: {  	v5 =	vld.idx.msk [tilespmem:v3+s15+$0xFFFFFE80 ss:$0x1], $0xffff;
	_ =	sdelay $0x5  }
0xa0: {  	[tilespmem:v6+s4+$0x0] =	vst.idx.add.f32.msk $0xffff, v5  }
0xa1: {  	v5 =	vld.idx.msk [tilespmem:v3+s15+$0xFFFFFF00 ss:$0x1], $0xffff;
	_ =	sdelay $0x5  }
0xa2: {  	[tilespmem:v7+s4+$0x0] =	vst.idx.add.f32.msk $0xffff, v5  }
0xa3: {  	v5 =	vld.idx.msk [tilespmem:v3+s15+$0xFFFFFF80 ss:$0x1], $0xffff;
	_ =	sdelay $0x5  }
0xa4: {  	[tilespmem:v8+s4+$0x0] =	vst.idx.add.f32.msk $0xffff, v5  }
0xa5: {  	v5 =	vld.idx.msk [tilespmem:v3+s15+$0x0 ss:$0x1], $0xffff;
	_ =	sdelay $0x5  }
0xa6: {  	[tilespmem:v9+s4+$0x0] =	vst.idx.add.f32.msk $0xffff, v5  }
0xa7: {  	v5 =	vld.idx.msk [tilespmem:v3+s15+$0x80 ss:$0x1], $0xffff;
	_ =	sdelay $0x5  }
0xa8: {  	[tilespmem:v10+s4+$0x0] =	vst.idx.add.f32.msk $0xffff, v5  }
0xa9: {  	v5 =	vld.idx.msk [tilespmem:v3+s15+$0x100 ss:$0x1], $0xffff;
	_ =	sdelay $0x5  }
0xaa: {  	[tilespmem:v11+s4+$0x0] =	vst.idx.add.f32.msk $0xffff, v5  }
0xab: {  	v5 =	vld.idx.msk [tilespmem:v3+s15+$0x180 ss:$0x1], $0xffff  }
0xac: {  	v6 =	vadd.s32 $0x11800, v2;
	_ =	sdelay $0x2  }
.Ltmp5:
0xad: {  	(pc) =	sbr.rel @p2 .LBB2_9-.Ltmp5, $4  }
0xae: {  	_ = 	snop  }
0xaf: {  	[tilespmem:v6+s4+$0x0] =	vst.idx.add.f32.msk $0xffff, v5  }
0xb0: {  	s15 =	sshra.s32 s16, $0x2;
	[tilespmem:v2+s5+$0x0] =	vst.idx.add.f32.msk $0xffff, v1  }
0xb1: {  	s16 =	sadd.s32 $0x40, s16;
	v2 =	vld.idx.msk [tilespmem:v4+s15+$0x0 ss:$0x1], $0xffff  }
0xb2: {  	_ =	sdelay $0x3  }
0xb3: {  	v4 =	vld.idx.msk [tilespmem:v3+s15+$0xFFFFFE00 ss:$0x1], $0xffff;
	_ =	sdelay $0x4  }
0xb4: {  	[tilespmem:v2+s4+$0x0] =	vst.idx.add.f32.msk $0xffff, v4  }
0xb5: {  	v57 =	vadd.s32 $0x2800, v2;
	v5 =	vld.idx.msk [tilespmem:v3+s15+$0xFFFFFE80 ss:$0x1], $0xffff;
	_ =	sdelay $0x4  }
0xb6: {  	[tilespmem:v57+s4+$0x0] =	vst.idx.add.f32.msk $0xffff, v5  }
0xb7: {  	v58 =	vadd.s32 $0x5000, v2;
	v5 =	vld.idx.msk [tilespmem:v3+s15+$0xFFFFFF00 ss:$0x1], $0xffff;
	_ =	sdelay $0x4  }
0xb8: {  	[tilespmem:v58+s4+$0x0] =	vst.idx.add.f32.msk $0xffff, v5  }
0xb9: {  	v59 =	vadd.s32 $0x7800, v2;
	v5 =	vld.idx.msk [tilespmem:v3+s15+$0xFFFFFF80 ss:$0x1], $0xffff;
	_ =	sdelay $0x4  }
0xba: {  	[tilespmem:v59+s4+$0x0] =	vst.idx.add.f32.msk $0xffff, v5  }
0xbb: {  	v60 =	vadd.s32 $0xA000, v2;
	v5 =	vld.idx.msk [tilespmem:v3+s15+$0x0 ss:$0x1], $0xffff;
	_ =	sdelay $0x4  }
0xbc: {  	[tilespmem:v60+s4+$0x0] =	vst.idx.add.f32.msk $0xffff, v5  }
0xbd: {  	v61 =	vadd.s32 $0xC800, v2;
	v5 =	vld.idx.msk [tilespmem:v3+s15+$0x80 ss:$0x1], $0xffff;
	_ =	sdelay $0x4  }
0xbe: {  	[tilespmem:v61+s4+$0x0] =	vst.idx.add.f32.msk $0xffff, v5  }
0xbf: {  	v62 =	vadd.s32 $0xF000, v2;
	v5 =	vld.idx.msk [tilespmem:v3+s15+$0x100 ss:$0x1], $0xffff;
	_ =	sdelay $0x4  }
0xc0: {  	[tilespmem:v62+s4+$0x0] =	vst.idx.add.f32.msk $0xffff, v5  }
0xc1: {  	s11 =	sadd.s32 $0x1, s11;
	v63 =	vadd.s32 $0x11800, v2;
	v3 =	vld.idx.msk [tilespmem:v3+s15+$0x180 ss:$0x1], $0xffff  }
0xc2: {  	p2 =	sne.s32 s11, $0xC  }
.Ltmp6:
0xc3: {  	_ = 	snop;
	(pc) =	sbr.rel @p2 .LBB2_8-.Ltmp6, $3  }
0xc4: {  	_ =	sdelay $0x1  }
0xc5: {  	[tilespmem:v63+s4+$0x0] =	vst.idx.add.f32.msk $0xffff, v3  }
0xc6: {  	s12 =	sadd.s32 $0x80, s12;
	s14 =	sadd.s32 $0x400, s14;
	[tilespmem:v2+s5+$0x0] =	vst.idx.add.f32.msk $0xffff, v1  }
0xc7: {  	_ =	swait.ge [sflag:s30], $0x3000  }
0xc8: {  	[sflag:s30] =	ssyncset.done $0x0  }
0xc9: {  	[sflag:s30] =	ssyncadd.s32 $0xFFFFD000  }
0xca: {  	_ =	swait.ge [sflag:s31], $0x600  }
0xcb: {  	[sflag:s31] =	ssyncset.done $0x0  }
0xcc: {  	s11 =	simm.s32 $0x0;
	s12 =	rddreg [dreg:$0x7];
	[sflag:s31] =	ssyncadd.s32 $0xFFFFFA00  }
0xcd: {  	[tilespmem:s2], [sflag:$0x2] =	stream.linear.gather [hbm4b:s12+s11], $0x3000, $0x38;
	[tilespmem:$0x1D400] =	vst v63  }
0xce: {  	s14 =	simm.s32 $0x200;
	s12 =	simm.s32 $0x6000  }
0xcf: {  	[tilespmem:s3], [sflag:$0x4] =	stream.linear.gather [hbm4b:s19+s11], $0x600, $0x38;
	[tilespmem:$0x1D400] =	vst v63  }
.LBB2_12:
0xd0: {  	v4 =	vmov s12  }
0xd1: {  	v3 =	vmov s14;
	_ =	sdelay $0x2  }
0xd2: {  	s15 =	simm.s32 $0x0  }
0xd3: {  	s16 =	simm.s32 $0x40;
	v2 =	vld.idx.msk [tilespmem:v4+s15+$0x0 ss:$0x1], $0xffff  }
.LBB2_13:
0xd4: {  	p2 =	sne.s32 s16, $0x1C0;
	v5 =	vld.idx.msk [tilespmem:v3+s15+$0xFFFFFE00 ss:$0x1], $0xffff;
	_ =	sdelay $0x4  }
0xd5: {  	v6 =	vadd.s32 $0x2800, v2;
	v7 =	vadd.s32 $0x5000, v2;
	v8 =	vadd.s32 $0x7800, v2  }
0xd6: {  	v9 =	vadd.s32 $0xA000, v2;
	v10 =	vadd.s32 $0xC800, v2;
	v11 =	vadd.s32 $0xF000, v2  }
0xd7: {  	[tilespmem:v2+s4+$0x0] =	vst.idx.add.f32.msk $0xffff, v5  }
0xd8: {  	v5 =	vld.idx.msk [tilespmem:v3+s15+$0xFFFFFE80 ss:$0x1], $0xffff;
	_ =	sdelay $0x5  }
0xd9: {  	[tilespmem:v6+s4+$0x0] =	vst.idx.add.f32.msk $0xffff, v5  }
0xda: {  	v5 =	vld.idx.msk [tilespmem:v3+s15+$0xFFFFFF00 ss:$0x1], $0xffff;
	_ =	sdelay $0x5  }
0xdb: {  	[tilespmem:v7+s4+$0x0] =	vst.idx.add.f32.msk $0xffff, v5  }
0xdc: {  	v5 =	vld.idx.msk [tilespmem:v3+s15+$0xFFFFFF80 ss:$0x1], $0xffff;
	_ =	sdelay $0x5  }
0xdd: {  	[tilespmem:v8+s4+$0x0] =	vst.idx.add.f32.msk $0xffff, v5  }
0xde: {  	v5 =	vld.idx.msk [tilespmem:v3+s15+$0x0 ss:$0x1], $0xffff;
	_ =	sdelay $0x5  }
0xdf: {  	[tilespmem:v9+s4+$0x0] =	vst.idx.add.f32.msk $0xffff, v5  }
0xe0: {  	v5 =	vld.idx.msk [tilespmem:v3+s15+$0x80 ss:$0x1], $0xffff;
	_ =	sdelay $0x5  }
0xe1: {  	[tilespmem:v10+s4+$0x0] =	vst.idx.add.f32.msk $0xffff, v5  }
0xe2: {  	v5 =	vld.idx.msk [tilespmem:v3+s15+$0x100 ss:$0x1], $0xffff;
	_ =	sdelay $0x5  }
0xe3: {  	[tilespmem:v11+s4+$0x0] =	vst.idx.add.f32.msk $0xffff, v5  }
0xe4: {  	v5 =	vld.idx.msk [tilespmem:v3+s15+$0x180 ss:$0x1], $0xffff  }
0xe5: {  	v6 =	vadd.s32 $0x11800, v2;
	_ =	sdelay $0x2  }
.Ltmp7:
0xe6: {  	(pc) =	sbr.rel @p2 .LBB2_13-.Ltmp7, $4  }
0xe7: {  	_ = 	snop  }
0xe8: {  	[tilespmem:v6+s4+$0x0] =	vst.idx.add.f32.msk $0xffff, v5  }
0xe9: {  	s15 =	sshra.s32 s16, $0x2;
	[tilespmem:v2+s5+$0x0] =	vst.idx.add.f32.msk $0xffff, v1  }
0xea: {  	s16 =	sadd.s32 $0x40, s16;
	v2 =	vld.idx.msk [tilespmem:v4+s15+$0x0 ss:$0x1], $0xffff  }
0xeb: {  	_ =	sdelay $0x3  }
0xec: {  	v4 =	vld.idx.msk [tilespmem:v3+s15+$0xFFFFFE00 ss:$0x1], $0xffff;
	_ =	sdelay $0x4  }
0xed: {  	[tilespmem:v2+s4+$0x0] =	vst.idx.add.f32.msk $0xffff, v4  }
0xee: {  	v57 =	vadd.s32 $0x2800, v2;
	v5 =	vld.idx.msk [tilespmem:v3+s15+$0xFFFFFE80 ss:$0x1], $0xffff;
	_ =	sdelay $0x4  }
0xef: {  	[tilespmem:v57+s4+$0x0] =	vst.idx.add.f32.msk $0xffff, v5  }
0xf0: {  	v58 =	vadd.s32 $0x5000, v2;
	v5 =	vld.idx.msk [tilespmem:v3+s15+$0xFFFFFF00 ss:$0x1], $0xffff;
	_ =	sdelay $0x4  }
0xf1: {  	[tilespmem:v58+s4+$0x0] =	vst.idx.add.f32.msk $0xffff, v5  }
0xf2: {  	v59 =	vadd.s32 $0x7800, v2;
	v5 =	vld.idx.msk [tilespmem:v3+s15+$0xFFFFFF80 ss:$0x1], $0xffff;
	_ =	sdelay $0x4  }
0xf3: {  	[tilespmem:v59+s4+$0x0] =	vst.idx.add.f32.msk $0xffff, v5  }
0xf4: {  	v60 =	vadd.s32 $0xA000, v2;
	v5 =	vld.idx.msk [tilespmem:v3+s15+$0x0 ss:$0x1], $0xffff;
	_ =	sdelay $0x4  }
0xf5: {  	[tilespmem:v60+s4+$0x0] =	vst.idx.add.f32.msk $0xffff, v5  }
0xf6: {  	v61 =	vadd.s32 $0xC800, v2;
	v5 =	vld.idx.msk [tilespmem:v3+s15+$0x80 ss:$0x1], $0xffff;
	_ =	sdelay $0x4  }
0xf7: {  	[tilespmem:v61+s4+$0x0] =	vst.idx.add.f32.msk $0xffff, v5  }
0xf8: {  	v62 =	vadd.s32 $0xF000, v2;
	v5 =	vld.idx.msk [tilespmem:v3+s15+$0x100 ss:$0x1], $0xffff;
	_ =	sdelay $0x4  }
0xf9: {  	[tilespmem:v62+s4+$0x0] =	vst.idx.add.f32.msk $0xffff, v5  }
0xfa: {  	s11 =	sadd.s32 $0x1, s11;
	v63 =	vadd.s32 $0x11800, v2;
	v3 =	vld.idx.msk [tilespmem:v3+s15+$0x180 ss:$0x1], $0xffff  }
0xfb: {  	p2 =	sne.s32 s11, $0xC  }
.Ltmp8:
0xfc: {  	_ = 	snop;
	(pc) =	sbr.rel @p2 .LBB2_12-.Ltmp8, $3  }
0xfd: {  	_ =	sdelay $0x1  }
0xfe: {  	[tilespmem:v63+s4+$0x0] =	vst.idx.add.f32.msk $0xffff, v3  }
0xff: {  	s12 =	sadd.s32 $0x80, s12;
	s14 =	sadd.s32 $0x400, s14;
	[tilespmem:v2+s5+$0x0] =	vst.idx.add.f32.msk $0xffff, v1  }
0x100: {  	_ =	swait.ge [sflag:s6], $0x3000  }
0x101: {  	[sflag:s6] =	ssyncset.done $0x0  }
0x102: {  	[sflag:s6] =	ssyncadd.s32 $0xFFFFD000  }
0x103: {  	_ =	swait.ge [sflag:s7], $0x600  }
0x104: {  	[sflag:s7] =	ssyncset.done $0x0  }
0x105: {  	s11 =	simm.s32 $0x0;
	s12 =	rddreg [dreg:$0x8];
	[sflag:s7] =	ssyncadd.s32 $0xFFFFFA00  }
0x106: {  	[tilespmem:s11], [sflag:$0x1] =	stream.linear.gather [hbm4b:s12+s11], $0x3000, $0x38;
	[tilespmem:$0x1D400] =	vst v63  }
0x107: {  	s14 =	simm.s32 $0x3200;
	s12 =	simm.s32 $0x6600  }
0x108: {  	[tilespmem:s8], [sflag:$0x3] =	stream.linear.gather [hbm4b:s20+s11], $0x600, $0x38;
	[tilespmem:$0x1D400] =	vst v63  }
.LBB2_16:
0x109: {  	v4 =	vmov s12  }
0x10a: {  	v3 =	vmov s14;
	_ =	sdelay $0x2  }
0x10b: {  	s15 =	simm.s32 $0x0  }
0x10c: {  	s16 =	simm.s32 $0x40;
	v2 =	vld.idx.msk [tilespmem:v4+s15+$0x0 ss:$0x1], $0xffff  }
.LBB2_17:
0x10d: {  	p2 =	sne.s32 s16, $0x1C0;
	v5 =	vld.idx.msk [tilespmem:v3+s15+$0xFFFFFE00 ss:$0x1], $0xffff;
	_ =	sdelay $0x4  }
0x10e: {  	v6 =	vadd.s32 $0x2800, v2;
	v7 =	vadd.s32 $0x5000, v2;
	v8 =	vadd.s32 $0x7800, v2  }
0x10f: {  	v9 =	vadd.s32 $0xA000, v2;
	v10 =	vadd.s32 $0xC800, v2;
	v11 =	vadd.s32 $0xF000, v2  }
0x110: {  	[tilespmem:v2+s4+$0x0] =	vst.idx.add.f32.msk $0xffff, v5  }
0x111: {  	v5 =	vld.idx.msk [tilespmem:v3+s15+$0xFFFFFE80 ss:$0x1], $0xffff;
	_ =	sdelay $0x5  }
0x112: {  	[tilespmem:v6+s4+$0x0] =	vst.idx.add.f32.msk $0xffff, v5  }
0x113: {  	v5 =	vld.idx.msk [tilespmem:v3+s15+$0xFFFFFF00 ss:$0x1], $0xffff;
	_ =	sdelay $0x5  }
0x114: {  	[tilespmem:v7+s4+$0x0] =	vst.idx.add.f32.msk $0xffff, v5  }
0x115: {  	v5 =	vld.idx.msk [tilespmem:v3+s15+$0xFFFFFF80 ss:$0x1], $0xffff;
	_ =	sdelay $0x5  }
0x116: {  	[tilespmem:v8+s4+$0x0] =	vst.idx.add.f32.msk $0xffff, v5  }
0x117: {  	v5 =	vld.idx.msk [tilespmem:v3+s15+$0x0 ss:$0x1], $0xffff;
	_ =	sdelay $0x5  }
0x118: {  	[tilespmem:v9+s4+$0x0] =	vst.idx.add.f32.msk $0xffff, v5  }
0x119: {  	v5 =	vld.idx.msk [tilespmem:v3+s15+$0x80 ss:$0x1], $0xffff;
	_ =	sdelay $0x5  }
0x11a: {  	[tilespmem:v10+s4+$0x0] =	vst.idx.add.f32.msk $0xffff, v5  }
0x11b: {  	v5 =	vld.idx.msk [tilespmem:v3+s15+$0x100 ss:$0x1], $0xffff;
	_ =	sdelay $0x5  }
0x11c: {  	[tilespmem:v11+s4+$0x0] =	vst.idx.add.f32.msk $0xffff, v5  }
0x11d: {  	v5 =	vld.idx.msk [tilespmem:v3+s15+$0x180 ss:$0x1], $0xffff  }
0x11e: {  	v6 =	vadd.s32 $0x11800, v2;
	_ =	sdelay $0x2  }
.Ltmp9:
0x11f: {  	(pc) =	sbr.rel @p2 .LBB2_17-.Ltmp9, $4  }
0x120: {  	_ = 	snop  }
0x121: {  	[tilespmem:v6+s4+$0x0] =	vst.idx.add.f32.msk $0xffff, v5  }
0x122: {  	s15 =	sshra.s32 s16, $0x2;
	[tilespmem:v2+s5+$0x0] =	vst.idx.add.f32.msk $0xffff, v1  }
0x123: {  	s16 =	sadd.s32 $0x40, s16;
	v2 =	vld.idx.msk [tilespmem:v4+s15+$0x0 ss:$0x1], $0xffff  }
0x124: {  	_ =	sdelay $0x3  }
0x125: {  	v4 =	vld.idx.msk [tilespmem:v3+s15+$0xFFFFFE00 ss:$0x1], $0xffff;
	_ =	sdelay $0x4  }
0x126: {  	[tilespmem:v2+s4+$0x0] =	vst.idx.add.f32.msk $0xffff, v4  }
0x127: {  	v57 =	vadd.s32 $0x2800, v2;
	v5 =	vld.idx.msk [tilespmem:v3+s15+$0xFFFFFE80 ss:$0x1], $0xffff;
	_ =	sdelay $0x4  }
0x128: {  	[tilespmem:v57+s4+$0x0] =	vst.idx.add.f32.msk $0xffff, v5  }
0x129: {  	v58 =	vadd.s32 $0x5000, v2;
	v5 =	vld.idx.msk [tilespmem:v3+s15+$0xFFFFFF00 ss:$0x1], $0xffff;
	_ =	sdelay $0x4  }
0x12a: {  	[tilespmem:v58+s4+$0x0] =	vst.idx.add.f32.msk $0xffff, v5  }
0x12b: {  	v59 =	vadd.s32 $0x7800, v2;
	v5 =	vld.idx.msk [tilespmem:v3+s15+$0xFFFFFF80 ss:$0x1], $0xffff;
	_ =	sdelay $0x4  }
0x12c: {  	[tilespmem:v59+s4+$0x0] =	vst.idx.add.f32.msk $0xffff, v5  }
0x12d: {  	v60 =	vadd.s32 $0xA000, v2;
	v5 =	vld.idx.msk [tilespmem:v3+s15+$0x0 ss:$0x1], $0xffff;
	_ =	sdelay $0x4  }
0x12e: {  	[tilespmem:v60+s4+$0x0] =	vst.idx.add.f32.msk $0xffff, v5  }
0x12f: {  	v61 =	vadd.s32 $0xC800, v2;
	v5 =	vld.idx.msk [tilespmem:v3+s15+$0x80 ss:$0x1], $0xffff;
	_ =	sdelay $0x4  }
0x130: {  	[tilespmem:v61+s4+$0x0] =	vst.idx.add.f32.msk $0xffff, v5  }
0x131: {  	v62 =	vadd.s32 $0xF000, v2;
	v5 =	vld.idx.msk [tilespmem:v3+s15+$0x100 ss:$0x1], $0xffff;
	_ =	sdelay $0x4  }
0x132: {  	[tilespmem:v62+s4+$0x0] =	vst.idx.add.f32.msk $0xffff, v5  }
0x133: {  	s11 =	sadd.s32 $0x1, s11;
	v63 =	vadd.s32 $0x11800, v2;
	v3 =	vld.idx.msk [tilespmem:v3+s15+$0x180 ss:$0x1], $0xffff  }
0x134: {  	p2 =	sne.s32 s11, $0xC  }
.Ltmp10:
0x135: {  	_ = 	snop;
	(pc) =	sbr.rel @p2 .LBB2_16-.Ltmp10, $3  }
0x136: {  	_ =	sdelay $0x1  }
0x137: {  	[tilespmem:v63+s4+$0x0] =	vst.idx.add.f32.msk $0xffff, v3  }
0x138: {  	s12 =	sadd.s32 $0x80, s12;
	s14 =	sadd.s32 $0x400, s14;
	[tilespmem:v2+s5+$0x0] =	vst.idx.add.f32.msk $0xffff, v1  }
0x139: {  	_ =	swait.ge [sflag:s30], $0x3000  }
0x13a: {  	[sflag:s30] =	ssyncset.done $0x0  }
0x13b: {  	[sflag:s30] =	ssyncadd.s32 $0xFFFFD000  }
0x13c: {  	_ =	swait.ge [sflag:s31], $0x600  }
0x13d: {  	[sflag:s31] =	ssyncset.done $0x0  }
0x13e: {  	s11 =	simm.s32 $0x0;
	s12 =	rddreg [dreg:$0x9];
	[sflag:s31] =	ssyncadd.s32 $0xFFFFFA00  }
0x13f: {  	[tilespmem:s2], [sflag:$0x2] =	stream.linear.gather [hbm4b:s12+s11], $0x3000, $0x38;
	[tilespmem:$0x1D400] =	vst v63  }
0x140: {  	s14 =	simm.s32 $0x200;
	s12 =	simm.s32 $0x6000  }
0x141: {  	[tilespmem:s3], [sflag:$0x4] =	stream.linear.gather [hbm4b:s21+s11], $0x600, $0x38;
	[tilespmem:$0x1D400] =	vst v63  }
.LBB2_20:
0x142: {  	v4 =	vmov s12  }
0x143: {  	v3 =	vmov s14;
	_ =	sdelay $0x2  }
0x144: {  	s15 =	simm.s32 $0x0  }
0x145: {  	s16 =	simm.s32 $0x40;
	v2 =	vld.idx.msk [tilespmem:v4+s15+$0x0 ss:$0x1], $0xffff  }
.LBB2_21:
0x146: {  	p2 =	sne.s32 s16, $0x1C0;
	v5 =	vld.idx.msk [tilespmem:v3+s15+$0xFFFFFE00 ss:$0x1], $0xffff;
	_ =	sdelay $0x4  }
0x147: {  	v6 =	vadd.s32 $0x2800, v2;
	v7 =	vadd.s32 $0x5000, v2;
	v8 =	vadd.s32 $0x7800, v2  }
0x148: {  	v9 =	vadd.s32 $0xA000, v2;
	v10 =	vadd.s32 $0xC800, v2;
	v11 =	vadd.s32 $0xF000, v2  }
0x149: {  	[tilespmem:v2+s4+$0x0] =	vst.idx.add.f32.msk $0xffff, v5  }
0x14a: {  	v5 =	vld.idx.msk [tilespmem:v3+s15+$0xFFFFFE80 ss:$0x1], $0xffff;
	_ =	sdelay $0x5  }
0x14b: {  	[tilespmem:v6+s4+$0x0] =	vst.idx.add.f32.msk $0xffff, v5  }
0x14c: {  	v5 =	vld.idx.msk [tilespmem:v3+s15+$0xFFFFFF00 ss:$0x1], $0xffff;
	_ =	sdelay $0x5  }
0x14d: {  	[tilespmem:v7+s4+$0x0] =	vst.idx.add.f32.msk $0xffff, v5  }
0x14e: {  	v5 =	vld.idx.msk [tilespmem:v3+s15+$0xFFFFFF80 ss:$0x1], $0xffff;
	_ =	sdelay $0x5  }
0x14f: {  	[tilespmem:v8+s4+$0x0] =	vst.idx.add.f32.msk $0xffff, v5  }
0x150: {  	v5 =	vld.idx.msk [tilespmem:v3+s15+$0x0 ss:$0x1], $0xffff;
	_ =	sdelay $0x5  }
0x151: {  	[tilespmem:v9+s4+$0x0] =	vst.idx.add.f32.msk $0xffff, v5  }
0x152: {  	v5 =	vld.idx.msk [tilespmem:v3+s15+$0x80 ss:$0x1], $0xffff;
	_ =	sdelay $0x5  }
0x153: {  	[tilespmem:v10+s4+$0x0] =	vst.idx.add.f32.msk $0xffff, v5  }
0x154: {  	v5 =	vld.idx.msk [tilespmem:v3+s15+$0x100 ss:$0x1], $0xffff;
	_ =	sdelay $0x5  }
0x155: {  	[tilespmem:v11+s4+$0x0] =	vst.idx.add.f32.msk $0xffff, v5  }
0x156: {  	v5 =	vld.idx.msk [tilespmem:v3+s15+$0x180 ss:$0x1], $0xffff  }
0x157: {  	v6 =	vadd.s32 $0x11800, v2;
	_ =	sdelay $0x2  }
.Ltmp11:
0x158: {  	(pc) =	sbr.rel @p2 .LBB2_21-.Ltmp11, $4  }
0x159: {  	_ = 	snop  }
0x15a: {  	[tilespmem:v6+s4+$0x0] =	vst.idx.add.f32.msk $0xffff, v5  }
0x15b: {  	s15 =	sshra.s32 s16, $0x2;
	[tilespmem:v2+s5+$0x0] =	vst.idx.add.f32.msk $0xffff, v1  }
0x15c: {  	s16 =	sadd.s32 $0x40, s16;
	v2 =	vld.idx.msk [tilespmem:v4+s15+$0x0 ss:$0x1], $0xffff  }
0x15d: {  	_ =	sdelay $0x3  }
0x15e: {  	v4 =	vld.idx.msk [tilespmem:v3+s15+$0xFFFFFE00 ss:$0x1], $0xffff;
	_ =	sdelay $0x4  }
0x15f: {  	[tilespmem:v2+s4+$0x0] =	vst.idx.add.f32.msk $0xffff, v4  }
0x160: {  	v57 =	vadd.s32 $0x2800, v2;
	v5 =	vld.idx.msk [tilespmem:v3+s15+$0xFFFFFE80 ss:$0x1], $0xffff;
	_ =	sdelay $0x4  }
0x161: {  	[tilespmem:v57+s4+$0x0] =	vst.idx.add.f32.msk $0xffff, v5  }
0x162: {  	v58 =	vadd.s32 $0x5000, v2;
	v5 =	vld.idx.msk [tilespmem:v3+s15+$0xFFFFFF00 ss:$0x1], $0xffff;
	_ =	sdelay $0x4  }
0x163: {  	[tilespmem:v58+s4+$0x0] =	vst.idx.add.f32.msk $0xffff, v5  }
0x164: {  	v59 =	vadd.s32 $0x7800, v2;
	v5 =	vld.idx.msk [tilespmem:v3+s15+$0xFFFFFF80 ss:$0x1], $0xffff;
	_ =	sdelay $0x4  }
0x165: {  	[tilespmem:v59+s4+$0x0] =	vst.idx.add.f32.msk $0xffff, v5  }
0x166: {  	v60 =	vadd.s32 $0xA000, v2;
	v5 =	vld.idx.msk [tilespmem:v3+s15+$0x0 ss:$0x1], $0xffff;
	_ =	sdelay $0x4  }
0x167: {  	[tilespmem:v60+s4+$0x0] =	vst.idx.add.f32.msk $0xffff, v5  }
0x168: {  	v61 =	vadd.s32 $0xC800, v2;
	v5 =	vld.idx.msk [tilespmem:v3+s15+$0x80 ss:$0x1], $0xffff;
	_ =	sdelay $0x4  }
0x169: {  	[tilespmem:v61+s4+$0x0] =	vst.idx.add.f32.msk $0xffff, v5  }
0x16a: {  	v62 =	vadd.s32 $0xF000, v2;
	v5 =	vld.idx.msk [tilespmem:v3+s15+$0x100 ss:$0x1], $0xffff;
	_ =	sdelay $0x4  }
0x16b: {  	[tilespmem:v62+s4+$0x0] =	vst.idx.add.f32.msk $0xffff, v5  }
0x16c: {  	s11 =	sadd.s32 $0x1, s11;
	v63 =	vadd.s32 $0x11800, v2;
	v3 =	vld.idx.msk [tilespmem:v3+s15+$0x180 ss:$0x1], $0xffff  }
0x16d: {  	p2 =	sne.s32 s11, $0xC  }
.Ltmp12:
0x16e: {  	_ = 	snop;
	(pc) =	sbr.rel @p2 .LBB2_20-.Ltmp12, $3  }
0x16f: {  	_ =	sdelay $0x1  }
0x170: {  	[tilespmem:v63+s4+$0x0] =	vst.idx.add.f32.msk $0xffff, v3  }
0x171: {  	s12 =	sadd.s32 $0x80, s12;
	s14 =	sadd.s32 $0x400, s14;
	[tilespmem:v2+s5+$0x0] =	vst.idx.add.f32.msk $0xffff, v1  }
0x172: {  	_ =	swait.ge [sflag:s6], $0x3000  }
0x173: {  	[sflag:s6] =	ssyncset.done $0x0  }
0x174: {  	[sflag:s6] =	ssyncadd.s32 $0xFFFFD000  }
0x175: {  	_ =	swait.ge [sflag:s7], $0x600  }
0x176: {  	[sflag:s7] =	ssyncset.done $0x0  }
0x177: {  	s11 =	simm.s32 $0x0;
	s12 =	rddreg [dreg:$0xa];
	[sflag:s7] =	ssyncadd.s32 $0xFFFFFA00  }
0x178: {  	[tilespmem:s11], [sflag:$0x1] =	stream.linear.gather [hbm4b:s12+s11], $0x3000, $0x38;
	[tilespmem:$0x1D400] =	vst v63  }
0x179: {  	s14 =	simm.s32 $0x3200;
	s12 =	simm.s32 $0x6600  }
0x17a: {  	[tilespmem:s8], [sflag:$0x3] =	stream.linear.gather [hbm4b:s22+s11], $0x600, $0x38;
	[tilespmem:$0x1D400] =	vst v63  }
.LBB2_24:
0x17b: {  	v4 =	vmov s12  }
0x17c: {  	v3 =	vmov s14;
	_ =	sdelay $0x2  }
0x17d: {  	s15 =	simm.s32 $0x0  }
0x17e: {  	s16 =	simm.s32 $0x40;
	v2 =	vld.idx.msk [tilespmem:v4+s15+$0x0 ss:$0x1], $0xffff  }
.LBB2_25:
0x17f: {  	p2 =	sne.s32 s16, $0x1C0;
	v5 =	vld.idx.msk [tilespmem:v3+s15+$0xFFFFFE00 ss:$0x1], $0xffff;
	_ =	sdelay $0x4  }
0x180: {  	v6 =	vadd.s32 $0x2800, v2;
	v7 =	vadd.s32 $0x5000, v2;
	v8 =	vadd.s32 $0x7800, v2  }
0x181: {  	v9 =	vadd.s32 $0xA000, v2;
	v10 =	vadd.s32 $0xC800, v2;
	v11 =	vadd.s32 $0xF000, v2  }
0x182: {  	[tilespmem:v2+s4+$0x0] =	vst.idx.add.f32.msk $0xffff, v5  }
0x183: {  	v5 =	vld.idx.msk [tilespmem:v3+s15+$0xFFFFFE80 ss:$0x1], $0xffff;
	_ =	sdelay $0x5  }
0x184: {  	[tilespmem:v6+s4+$0x0] =	vst.idx.add.f32.msk $0xffff, v5  }
0x185: {  	v5 =	vld.idx.msk [tilespmem:v3+s15+$0xFFFFFF00 ss:$0x1], $0xffff;
	_ =	sdelay $0x5  }
0x186: {  	[tilespmem:v7+s4+$0x0] =	vst.idx.add.f32.msk $0xffff, v5  }
0x187: {  	v5 =	vld.idx.msk [tilespmem:v3+s15+$0xFFFFFF80 ss:$0x1], $0xffff;
	_ =	sdelay $0x5  }
0x188: {  	[tilespmem:v8+s4+$0x0] =	vst.idx.add.f32.msk $0xffff, v5  }
0x189: {  	v5 =	vld.idx.msk [tilespmem:v3+s15+$0x0 ss:$0x1], $0xffff;
	_ =	sdelay $0x5  }
0x18a: {  	[tilespmem:v9+s4+$0x0] =	vst.idx.add.f32.msk $0xffff, v5  }
0x18b: {  	v5 =	vld.idx.msk [tilespmem:v3+s15+$0x80 ss:$0x1], $0xffff;
	_ =	sdelay $0x5  }
0x18c: {  	[tilespmem:v10+s4+$0x0] =	vst.idx.add.f32.msk $0xffff, v5  }
0x18d: {  	v5 =	vld.idx.msk [tilespmem:v3+s15+$0x100 ss:$0x1], $0xffff;
	_ =	sdelay $0x5  }
0x18e: {  	[tilespmem:v11+s4+$0x0] =	vst.idx.add.f32.msk $0xffff, v5  }
0x18f: {  	v5 =	vld.idx.msk [tilespmem:v3+s15+$0x180 ss:$0x1], $0xffff  }
0x190: {  	v6 =	vadd.s32 $0x11800, v2;
	_ =	sdelay $0x2  }
.Ltmp13:
0x191: {  	(pc) =	sbr.rel @p2 .LBB2_25-.Ltmp13, $4  }
0x192: {  	_ = 	snop  }
0x193: {  	[tilespmem:v6+s4+$0x0] =	vst.idx.add.f32.msk $0xffff, v5  }
0x194: {  	s15 =	sshra.s32 s16, $0x2;
	[tilespmem:v2+s5+$0x0] =	vst.idx.add.f32.msk $0xffff, v1  }
0x195: {  	s16 =	sadd.s32 $0x40, s16;
	v2 =	vld.idx.msk [tilespmem:v4+s15+$0x0 ss:$0x1], $0xffff  }
0x196: {  	_ =	sdelay $0x3  }
0x197: {  	v4 =	vld.idx.msk [tilespmem:v3+s15+$0xFFFFFE00 ss:$0x1], $0xffff;
	_ =	sdelay $0x4  }
0x198: {  	[tilespmem:v2+s4+$0x0] =	vst.idx.add.f32.msk $0xffff, v4  }
0x199: {  	v57 =	vadd.s32 $0x2800, v2;
	v5 =	vld.idx.msk [tilespmem:v3+s15+$0xFFFFFE80 ss:$0x1], $0xffff;
	_ =	sdelay $0x4  }
0x19a: {  	[tilespmem:v57+s4+$0x0] =	vst.idx.add.f32.msk $0xffff, v5  }
0x19b: {  	v58 =	vadd.s32 $0x5000, v2;
	v5 =	vld.idx.msk [tilespmem:v3+s15+$0xFFFFFF00 ss:$0x1], $0xffff;
	_ =	sdelay $0x4  }
0x19c: {  	[tilespmem:v58+s4+$0x0] =	vst.idx.add.f32.msk $0xffff, v5  }
0x19d: {  	v59 =	vadd.s32 $0x7800, v2;
	v5 =	vld.idx.msk [tilespmem:v3+s15+$0xFFFFFF80 ss:$0x1], $0xffff;
	_ =	sdelay $0x4  }
0x19e: {  	[tilespmem:v59+s4+$0x0] =	vst.idx.add.f32.msk $0xffff, v5  }
0x19f: {  	v60 =	vadd.s32 $0xA000, v2;
	v5 =	vld.idx.msk [tilespmem:v3+s15+$0x0 ss:$0x1], $0xffff;
	_ =	sdelay $0x4  }
0x1a0: {  	[tilespmem:v60+s4+$0x0] =	vst.idx.add.f32.msk $0xffff, v5  }
0x1a1: {  	v61 =	vadd.s32 $0xC800, v2;
	v5 =	vld.idx.msk [tilespmem:v3+s15+$0x80 ss:$0x1], $0xffff;
	_ =	sdelay $0x4  }
0x1a2: {  	[tilespmem:v61+s4+$0x0] =	vst.idx.add.f32.msk $0xffff, v5  }
0x1a3: {  	v62 =	vadd.s32 $0xF000, v2;
	v5 =	vld.idx.msk [tilespmem:v3+s15+$0x100 ss:$0x1], $0xffff;
	_ =	sdelay $0x4  }
0x1a4: {  	[tilespmem:v62+s4+$0x0] =	vst.idx.add.f32.msk $0xffff, v5  }
0x1a5: {  	s11 =	sadd.s32 $0x1, s11;
	v63 =	vadd.s32 $0x11800, v2;
	v3 =	vld.idx.msk [tilespmem:v3+s15+$0x180 ss:$0x1], $0xffff  }
0x1a6: {  	p2 =	sne.s32 s11, $0xC  }
.Ltmp14:
0x1a7: {  	_ = 	snop;
	(pc) =	sbr.rel @p2 .LBB2_24-.Ltmp14, $3  }
0x1a8: {  	_ =	sdelay $0x1  }
0x1a9: {  	[tilespmem:v63+s4+$0x0] =	vst.idx.add.f32.msk $0xffff, v3  }
0x1aa: {  	s12 =	sadd.s32 $0x80, s12;
	s14 =	sadd.s32 $0x400, s14;
	[tilespmem:v2+s5+$0x0] =	vst.idx.add.f32.msk $0xffff, v1  }
0x1ab: {  	_ =	swait.ge [sflag:s30], $0x3000  }
0x1ac: {  	[sflag:s30] =	ssyncset.done $0x0  }
0x1ad: {  	[sflag:s30] =	ssyncadd.s32 $0xFFFFD000  }
0x1ae: {  	_ =	swait.ge [sflag:s31], $0x600  }
0x1af: {  	[sflag:s31] =	ssyncset.done $0x0  }
0x1b0: {  	s11 =	simm.s32 $0x0;
	s12 =	rddreg [dreg:$0xb];
	[sflag:s31] =	ssyncadd.s32 $0xFFFFFA00  }
0x1b1: {  	[tilespmem:s2], [sflag:$0x2] =	stream.linear.gather [hbm4b:s12+s11], $0x3000, $0x38;
	[tilespmem:$0x1D400] =	vst v63  }
0x1b2: {  	s14 =	simm.s32 $0x200;
	s12 =	simm.s32 $0x6000  }
0x1b3: {  	[tilespmem:s3], [sflag:$0x4] =	stream.linear.gather [hbm4b:s23+s11], $0x600, $0x38;
	[tilespmem:$0x1D400] =	vst v63  }
.LBB2_28:
0x1b4: {  	v4 =	vmov s12  }
0x1b5: {  	v3 =	vmov s14;
	_ =	sdelay $0x2  }
0x1b6: {  	s15 =	simm.s32 $0x0  }
0x1b7: {  	s16 =	simm.s32 $0x40;
	v2 =	vld.idx.msk [tilespmem:v4+s15+$0x0 ss:$0x1], $0xffff  }
.LBB2_29:
0x1b8: {  	p2 =	sne.s32 s16, $0x1C0;
	v5 =	vld.idx.msk [tilespmem:v3+s15+$0xFFFFFE00 ss:$0x1], $0xffff;
	_ =	sdelay $0x4  }
0x1b9: {  	v6 =	vadd.s32 $0x2800, v2;
	v7 =	vadd.s32 $0x5000, v2;
	v8 =	vadd.s32 $0x7800, v2  }
0x1ba: {  	v9 =	vadd.s32 $0xA000, v2;
	v10 =	vadd.s32 $0xC800, v2;
	v11 =	vadd.s32 $0xF000, v2  }
0x1bb: {  	[tilespmem:v2+s4+$0x0] =	vst.idx.add.f32.msk $0xffff, v5  }
0x1bc: {  	v5 =	vld.idx.msk [tilespmem:v3+s15+$0xFFFFFE80 ss:$0x1], $0xffff;
	_ =	sdelay $0x5  }
0x1bd: {  	[tilespmem:v6+s4+$0x0] =	vst.idx.add.f32.msk $0xffff, v5  }
0x1be: {  	v5 =	vld.idx.msk [tilespmem:v3+s15+$0xFFFFFF00 ss:$0x1], $0xffff;
	_ =	sdelay $0x5  }
0x1bf: {  	[tilespmem:v7+s4+$0x0] =	vst.idx.add.f32.msk $0xffff, v5  }
0x1c0: {  	v5 =	vld.idx.msk [tilespmem:v3+s15+$0xFFFFFF80 ss:$0x1], $0xffff;
	_ =	sdelay $0x5  }
0x1c1: {  	[tilespmem:v8+s4+$0x0] =	vst.idx.add.f32.msk $0xffff, v5  }
0x1c2: {  	v5 =	vld.idx.msk [tilespmem:v3+s15+$0x0 ss:$0x1], $0xffff;
	_ =	sdelay $0x5  }
0x1c3: {  	[tilespmem:v9+s4+$0x0] =	vst.idx.add.f32.msk $0xffff, v5  }
0x1c4: {  	v5 =	vld.idx.msk [tilespmem:v3+s15+$0x80 ss:$0x1], $0xffff;
	_ =	sdelay $0x5  }
0x1c5: {  	[tilespmem:v10+s4+$0x0] =	vst.idx.add.f32.msk $0xffff, v5  }
0x1c6: {  	v5 =	vld.idx.msk [tilespmem:v3+s15+$0x100 ss:$0x1], $0xffff;
	_ =	sdelay $0x5  }
0x1c7: {  	[tilespmem:v11+s4+$0x0] =	vst.idx.add.f32.msk $0xffff, v5  }
0x1c8: {  	v5 =	vld.idx.msk [tilespmem:v3+s15+$0x180 ss:$0x1], $0xffff  }
0x1c9: {  	v6 =	vadd.s32 $0x11800, v2;
	_ =	sdelay $0x2  }
.Ltmp15:
0x1ca: {  	(pc) =	sbr.rel @p2 .LBB2_29-.Ltmp15, $4  }
0x1cb: {  	_ = 	snop  }
0x1cc: {  	[tilespmem:v6+s4+$0x0] =	vst.idx.add.f32.msk $0xffff, v5  }
0x1cd: {  	s15 =	sshra.s32 s16, $0x2;
	[tilespmem:v2+s5+$0x0] =	vst.idx.add.f32.msk $0xffff, v1  }
0x1ce: {  	s16 =	sadd.s32 $0x40, s16;
	v2 =	vld.idx.msk [tilespmem:v4+s15+$0x0 ss:$0x1], $0xffff  }
0x1cf: {  	_ =	sdelay $0x3  }
0x1d0: {  	v4 =	vld.idx.msk [tilespmem:v3+s15+$0xFFFFFE00 ss:$0x1], $0xffff;
	_ =	sdelay $0x4  }
0x1d1: {  	[tilespmem:v2+s4+$0x0] =	vst.idx.add.f32.msk $0xffff, v4  }
0x1d2: {  	v57 =	vadd.s32 $0x2800, v2;
	v5 =	vld.idx.msk [tilespmem:v3+s15+$0xFFFFFE80 ss:$0x1], $0xffff;
	_ =	sdelay $0x4  }
0x1d3: {  	[tilespmem:v57+s4+$0x0] =	vst.idx.add.f32.msk $0xffff, v5  }
0x1d4: {  	v58 =	vadd.s32 $0x5000, v2;
	v5 =	vld.idx.msk [tilespmem:v3+s15+$0xFFFFFF00 ss:$0x1], $0xffff;
	_ =	sdelay $0x4  }
0x1d5: {  	[tilespmem:v58+s4+$0x0] =	vst.idx.add.f32.msk $0xffff, v5  }
0x1d6: {  	v59 =	vadd.s32 $0x7800, v2;
	v5 =	vld.idx.msk [tilespmem:v3+s15+$0xFFFFFF80 ss:$0x1], $0xffff;
	_ =	sdelay $0x4  }
0x1d7: {  	[tilespmem:v59+s4+$0x0] =	vst.idx.add.f32.msk $0xffff, v5  }
0x1d8: {  	v60 =	vadd.s32 $0xA000, v2;
	v5 =	vld.idx.msk [tilespmem:v3+s15+$0x0 ss:$0x1], $0xffff;
	_ =	sdelay $0x4  }
0x1d9: {  	[tilespmem:v60+s4+$0x0] =	vst.idx.add.f32.msk $0xffff, v5  }
0x1da: {  	v61 =	vadd.s32 $0xC800, v2;
	v5 =	vld.idx.msk [tilespmem:v3+s15+$0x80 ss:$0x1], $0xffff;
	_ =	sdelay $0x4  }
0x1db: {  	[tilespmem:v61+s4+$0x0] =	vst.idx.add.f32.msk $0xffff, v5  }
0x1dc: {  	v62 =	vadd.s32 $0xF000, v2;
	v5 =	vld.idx.msk [tilespmem:v3+s15+$0x100 ss:$0x1], $0xffff;
	_ =	sdelay $0x4  }
0x1dd: {  	[tilespmem:v62+s4+$0x0] =	vst.idx.add.f32.msk $0xffff, v5  }
0x1de: {  	s11 =	sadd.s32 $0x1, s11;
	v63 =	vadd.s32 $0x11800, v2;
	v3 =	vld.idx.msk [tilespmem:v3+s15+$0x180 ss:$0x1], $0xffff  }
0x1df: {  	p2 =	sne.s32 s11, $0xC  }
.Ltmp16:
0x1e0: {  	_ = 	snop;
	(pc) =	sbr.rel @p2 .LBB2_28-.Ltmp16, $3  }
0x1e1: {  	_ =	sdelay $0x1  }
0x1e2: {  	[tilespmem:v63+s4+$0x0] =	vst.idx.add.f32.msk $0xffff, v3  }
0x1e3: {  	s12 =	sadd.s32 $0x80, s12;
	s14 =	sadd.s32 $0x400, s14;
	[tilespmem:v2+s5+$0x0] =	vst.idx.add.f32.msk $0xffff, v1  }
0x1e4: {  	_ =	swait.ge [sflag:s6], $0x3000  }
0x1e5: {  	[sflag:s6] =	ssyncset.done $0x0  }
0x1e6: {  	[sflag:s6] =	ssyncadd.s32 $0xFFFFD000  }
0x1e7: {  	_ =	swait.ge [sflag:s7], $0x600  }
0x1e8: {  	[sflag:s7] =	ssyncset.done $0x0  }
0x1e9: {  	s11 =	simm.s32 $0x0;
	s12 =	rddreg [dreg:$0xc];
	[sflag:s7] =	ssyncadd.s32 $0xFFFFFA00  }
0x1ea: {  	[tilespmem:s11], [sflag:$0x1] =	stream.linear.gather [hbm4b:s12+s11], $0x3000, $0x38;
	[tilespmem:$0x1D400] =	vst v63  }
0x1eb: {  	s14 =	simm.s32 $0x3200;
	s12 =	simm.s32 $0x6600  }
0x1ec: {  	[tilespmem:s8], [sflag:$0x3] =	stream.linear.gather [hbm4b:s24+s11], $0x600, $0x38;
	[tilespmem:$0x1D400] =	vst v63  }
.LBB2_32:
0x1ed: {  	v4 =	vmov s12  }
0x1ee: {  	v3 =	vmov s14;
	_ =	sdelay $0x2  }
0x1ef: {  	s15 =	simm.s32 $0x0  }
0x1f0: {  	s16 =	simm.s32 $0x40;
	v2 =	vld.idx.msk [tilespmem:v4+s15+$0x0 ss:$0x1], $0xffff  }
.LBB2_33:
0x1f1: {  	p2 =	sne.s32 s16, $0x1C0;
	v5 =	vld.idx.msk [tilespmem:v3+s15+$0xFFFFFE00 ss:$0x1], $0xffff;
	_ =	sdelay $0x4  }
0x1f2: {  	v6 =	vadd.s32 $0x2800, v2;
	v7 =	vadd.s32 $0x5000, v2;
	v8 =	vadd.s32 $0x7800, v2  }
0x1f3: {  	v9 =	vadd.s32 $0xA000, v2;
	v10 =	vadd.s32 $0xC800, v2;
	v11 =	vadd.s32 $0xF000, v2  }
0x1f4: {  	[tilespmem:v2+s4+$0x0] =	vst.idx.add.f32.msk $0xffff, v5  }
0x1f5: {  	v5 =	vld.idx.msk [tilespmem:v3+s15+$0xFFFFFE80 ss:$0x1], $0xffff;
	_ =	sdelay $0x5  }
0x1f6: {  	[tilespmem:v6+s4+$0x0] =	vst.idx.add.f32.msk $0xffff, v5  }
0x1f7: {  	v5 =	vld.idx.msk [tilespmem:v3+s15+$0xFFFFFF00 ss:$0x1], $0xffff;
	_ =	sdelay $0x5  }
0x1f8: {  	[tilespmem:v7+s4+$0x0] =	vst.idx.add.f32.msk $0xffff, v5  }
0x1f9: {  	v5 =	vld.idx.msk [tilespmem:v3+s15+$0xFFFFFF80 ss:$0x1], $0xffff;
	_ =	sdelay $0x5  }
0x1fa: {  	[tilespmem:v8+s4+$0x0] =	vst.idx.add.f32.msk $0xffff, v5  }
0x1fb: {  	v5 =	vld.idx.msk [tilespmem:v3+s15+$0x0 ss:$0x1], $0xffff;
	_ =	sdelay $0x5  }
0x1fc: {  	[tilespmem:v9+s4+$0x0] =	vst.idx.add.f32.msk $0xffff, v5  }
0x1fd: {  	v5 =	vld.idx.msk [tilespmem:v3+s15+$0x80 ss:$0x1], $0xffff;
	_ =	sdelay $0x5  }
0x1fe: {  	[tilespmem:v10+s4+$0x0] =	vst.idx.add.f32.msk $0xffff, v5  }
0x1ff: {  	v5 =	vld.idx.msk [tilespmem:v3+s15+$0x100 ss:$0x1], $0xffff;
	_ =	sdelay $0x5  }
0x200: {  	[tilespmem:v11+s4+$0x0] =	vst.idx.add.f32.msk $0xffff, v5  }
0x201: {  	v5 =	vld.idx.msk [tilespmem:v3+s15+$0x180 ss:$0x1], $0xffff  }
0x202: {  	v6 =	vadd.s32 $0x11800, v2;
	_ =	sdelay $0x2  }
.Ltmp17:
0x203: {  	(pc) =	sbr.rel @p2 .LBB2_33-.Ltmp17, $4  }
0x204: {  	_ = 	snop  }
0x205: {  	[tilespmem:v6+s4+$0x0] =	vst.idx.add.f32.msk $0xffff, v5  }
0x206: {  	s15 =	sshra.s32 s16, $0x2;
	[tilespmem:v2+s5+$0x0] =	vst.idx.add.f32.msk $0xffff, v1  }
0x207: {  	s16 =	sadd.s32 $0x40, s16;
	v2 =	vld.idx.msk [tilespmem:v4+s15+$0x0 ss:$0x1], $0xffff  }
0x208: {  	_ =	sdelay $0x3  }
0x209: {  	v4 =	vld.idx.msk [tilespmem:v3+s15+$0xFFFFFE00 ss:$0x1], $0xffff;
	_ =	sdelay $0x4  }
0x20a: {  	[tilespmem:v2+s4+$0x0] =	vst.idx.add.f32.msk $0xffff, v4  }
0x20b: {  	v57 =	vadd.s32 $0x2800, v2;
	v5 =	vld.idx.msk [tilespmem:v3+s15+$0xFFFFFE80 ss:$0x1], $0xffff;
	_ =	sdelay $0x4  }
0x20c: {  	[tilespmem:v57+s4+$0x0] =	vst.idx.add.f32.msk $0xffff, v5  }
0x20d: {  	v58 =	vadd.s32 $0x5000, v2;
	v5 =	vld.idx.msk [tilespmem:v3+s15+$0xFFFFFF00 ss:$0x1], $0xffff;
	_ =	sdelay $0x4  }
0x20e: {  	[tilespmem:v58+s4+$0x0] =	vst.idx.add.f32.msk $0xffff, v5  }
0x20f: {  	v59 =	vadd.s32 $0x7800, v2;
	v5 =	vld.idx.msk [tilespmem:v3+s15+$0xFFFFFF80 ss:$0x1], $0xffff;
	_ =	sdelay $0x4  }
0x210: {  	[tilespmem:v59+s4+$0x0] =	vst.idx.add.f32.msk $0xffff, v5  }
0x211: {  	v60 =	vadd.s32 $0xA000, v2;
	v5 =	vld.idx.msk [tilespmem:v3+s15+$0x0 ss:$0x1], $0xffff;
	_ =	sdelay $0x4  }
0x212: {  	[tilespmem:v60+s4+$0x0] =	vst.idx.add.f32.msk $0xffff, v5  }
0x213: {  	v61 =	vadd.s32 $0xC800, v2;
	v5 =	vld.idx.msk [tilespmem:v3+s15+$0x80 ss:$0x1], $0xffff;
	_ =	sdelay $0x4  }
0x214: {  	[tilespmem:v61+s4+$0x0] =	vst.idx.add.f32.msk $0xffff, v5  }
0x215: {  	v62 =	vadd.s32 $0xF000, v2;
	v5 =	vld.idx.msk [tilespmem:v3+s15+$0x100 ss:$0x1], $0xffff;
	_ =	sdelay $0x4  }
0x216: {  	[tilespmem:v62+s4+$0x0] =	vst.idx.add.f32.msk $0xffff, v5  }
0x217: {  	s11 =	sadd.s32 $0x1, s11;
	v63 =	vadd.s32 $0x11800, v2;
	v3 =	vld.idx.msk [tilespmem:v3+s15+$0x180 ss:$0x1], $0xffff  }
0x218: {  	p2 =	sne.s32 s11, $0xC  }
.Ltmp18:
0x219: {  	_ = 	snop;
	(pc) =	sbr.rel @p2 .LBB2_32-.Ltmp18, $3  }
0x21a: {  	_ =	sdelay $0x1  }
0x21b: {  	[tilespmem:v63+s4+$0x0] =	vst.idx.add.f32.msk $0xffff, v3  }
0x21c: {  	s12 =	sadd.s32 $0x80, s12;
	s14 =	sadd.s32 $0x400, s14;
	[tilespmem:v2+s5+$0x0] =	vst.idx.add.f32.msk $0xffff, v1  }
0x21d: {  	_ =	swait.ge [sflag:s30], $0x3000  }
0x21e: {  	[sflag:s30] =	ssyncset.done $0x0  }
0x21f: {  	[sflag:s30] =	ssyncadd.s32 $0xFFFFD000  }
0x220: {  	_ =	swait.ge [sflag:s31], $0x600  }
0x221: {  	[sflag:s31] =	ssyncset.done $0x0  }
0x222: {  	s11 =	simm.s32 $0x0;
	s12 =	rddreg [dreg:$0xd];
	[sflag:s31] =	ssyncadd.s32 $0xFFFFFA00  }
0x223: {  	[tilespmem:s2], [sflag:$0x2] =	stream.linear.gather [hbm4b:s12+s11], $0x3000, $0x38;
	[tilespmem:$0x1D400] =	vst v63  }
0x224: {  	s14 =	simm.s32 $0x200;
	s12 =	simm.s32 $0x6000  }
0x225: {  	[tilespmem:s3], [sflag:$0x4] =	stream.linear.gather [hbm4b:s25+s11], $0x600, $0x38;
	[tilespmem:$0x1D400] =	vst v63  }
.LBB2_36:
0x226: {  	v4 =	vmov s12  }
0x227: {  	v3 =	vmov s14;
	_ =	sdelay $0x2  }
0x228: {  	s15 =	simm.s32 $0x0  }
0x229: {  	s16 =	simm.s32 $0x40;
	v2 =	vld.idx.msk [tilespmem:v4+s15+$0x0 ss:$0x1], $0xffff  }
.LBB2_37:
0x22a: {  	p2 =	sne.s32 s16, $0x1C0;
	v5 =	vld.idx.msk [tilespmem:v3+s15+$0xFFFFFE00 ss:$0x1], $0xffff;
	_ =	sdelay $0x4  }
0x22b: {  	v6 =	vadd.s32 $0x2800, v2;
	v7 =	vadd.s32 $0x5000, v2;
	v8 =	vadd.s32 $0x7800, v2  }
0x22c: {  	v9 =	vadd.s32 $0xA000, v2;
	v10 =	vadd.s32 $0xC800, v2;
	v11 =	vadd.s32 $0xF000, v2  }
0x22d: {  	[tilespmem:v2+s4+$0x0] =	vst.idx.add.f32.msk $0xffff, v5  }
0x22e: {  	v5 =	vld.idx.msk [tilespmem:v3+s15+$0xFFFFFE80 ss:$0x1], $0xffff;
	_ =	sdelay $0x5  }
0x22f: {  	[tilespmem:v6+s4+$0x0] =	vst.idx.add.f32.msk $0xffff, v5  }
0x230: {  	v5 =	vld.idx.msk [tilespmem:v3+s15+$0xFFFFFF00 ss:$0x1], $0xffff;
	_ =	sdelay $0x5  }
0x231: {  	[tilespmem:v7+s4+$0x0] =	vst.idx.add.f32.msk $0xffff, v5  }
0x232: {  	v5 =	vld.idx.msk [tilespmem:v3+s15+$0xFFFFFF80 ss:$0x1], $0xffff;
	_ =	sdelay $0x5  }
0x233: {  	[tilespmem:v8+s4+$0x0] =	vst.idx.add.f32.msk $0xffff, v5  }
0x234: {  	v5 =	vld.idx.msk [tilespmem:v3+s15+$0x0 ss:$0x1], $0xffff;
	_ =	sdelay $0x5  }
0x235: {  	[tilespmem:v9+s4+$0x0] =	vst.idx.add.f32.msk $0xffff, v5  }
0x236: {  	v5 =	vld.idx.msk [tilespmem:v3+s15+$0x80 ss:$0x1], $0xffff;
	_ =	sdelay $0x5  }
0x237: {  	[tilespmem:v10+s4+$0x0] =	vst.idx.add.f32.msk $0xffff, v5  }
0x238: {  	v5 =	vld.idx.msk [tilespmem:v3+s15+$0x100 ss:$0x1], $0xffff;
	_ =	sdelay $0x5  }
0x239: {  	[tilespmem:v11+s4+$0x0] =	vst.idx.add.f32.msk $0xffff, v5  }
0x23a: {  	v5 =	vld.idx.msk [tilespmem:v3+s15+$0x180 ss:$0x1], $0xffff  }
0x23b: {  	v6 =	vadd.s32 $0x11800, v2;
	_ =	sdelay $0x2  }
.Ltmp19:
0x23c: {  	(pc) =	sbr.rel @p2 .LBB2_37-.Ltmp19, $4  }
0x23d: {  	_ = 	snop  }
0x23e: {  	[tilespmem:v6+s4+$0x0] =	vst.idx.add.f32.msk $0xffff, v5  }
0x23f: {  	s15 =	sshra.s32 s16, $0x2;
	[tilespmem:v2+s5+$0x0] =	vst.idx.add.f32.msk $0xffff, v1  }
0x240: {  	s16 =	sadd.s32 $0x40, s16;
	v2 =	vld.idx.msk [tilespmem:v4+s15+$0x0 ss:$0x1], $0xffff  }
0x241: {  	_ =	sdelay $0x3  }
0x242: {  	v4 =	vld.idx.msk [tilespmem:v3+s15+$0xFFFFFE00 ss:$0x1], $0xffff;
	_ =	sdelay $0x4  }
0x243: {  	[tilespmem:v2+s4+$0x0] =	vst.idx.add.f32.msk $0xffff, v4  }
0x244: {  	v57 =	vadd.s32 $0x2800, v2;
	v5 =	vld.idx.msk [tilespmem:v3+s15+$0xFFFFFE80 ss:$0x1], $0xffff;
	_ =	sdelay $0x4  }
0x245: {  	[tilespmem:v57+s4+$0x0] =	vst.idx.add.f32.msk $0xffff, v5  }
0x246: {  	v58 =	vadd.s32 $0x5000, v2;
	v5 =	vld.idx.msk [tilespmem:v3+s15+$0xFFFFFF00 ss:$0x1], $0xffff;
	_ =	sdelay $0x4  }
0x247: {  	[tilespmem:v58+s4+$0x0] =	vst.idx.add.f32.msk $0xffff, v5  }
0x248: {  	v59 =	vadd.s32 $0x7800, v2;
	v5 =	vld.idx.msk [tilespmem:v3+s15+$0xFFFFFF80 ss:$0x1], $0xffff;
	_ =	sdelay $0x4  }
0x249: {  	[tilespmem:v59+s4+$0x0] =	vst.idx.add.f32.msk $0xffff, v5  }
0x24a: {  	v60 =	vadd.s32 $0xA000, v2;
	v5 =	vld.idx.msk [tilespmem:v3+s15+$0x0 ss:$0x1], $0xffff;
	_ =	sdelay $0x4  }
0x24b: {  	[tilespmem:v60+s4+$0x0] =	vst.idx.add.f32.msk $0xffff, v5  }
0x24c: {  	v61 =	vadd.s32 $0xC800, v2;
	v5 =	vld.idx.msk [tilespmem:v3+s15+$0x80 ss:$0x1], $0xffff;
	_ =	sdelay $0x4  }
0x24d: {  	[tilespmem:v61+s4+$0x0] =	vst.idx.add.f32.msk $0xffff, v5  }
0x24e: {  	v62 =	vadd.s32 $0xF000, v2;
	v5 =	vld.idx.msk [tilespmem:v3+s15+$0x100 ss:$0x1], $0xffff;
	_ =	sdelay $0x4  }
0x24f: {  	[tilespmem:v62+s4+$0x0] =	vst.idx.add.f32.msk $0xffff, v5  }
0x250: {  	s11 =	sadd.s32 $0x1, s11;
	v63 =	vadd.s32 $0x11800, v2;
	v3 =	vld.idx.msk [tilespmem:v3+s15+$0x180 ss:$0x1], $0xffff  }
0x251: {  	p2 =	sne.s32 s11, $0xC  }
.Ltmp20:
0x252: {  	_ = 	snop;
	(pc) =	sbr.rel @p2 .LBB2_36-.Ltmp20, $3  }
0x253: {  	_ =	sdelay $0x1  }
0x254: {  	[tilespmem:v63+s4+$0x0] =	vst.idx.add.f32.msk $0xffff, v3  }
0x255: {  	s12 =	sadd.s32 $0x80, s12;
	s14 =	sadd.s32 $0x400, s14;
	[tilespmem:v2+s5+$0x0] =	vst.idx.add.f32.msk $0xffff, v1  }
0x256: {  	_ =	swait.ge [sflag:s6], $0x3000  }
0x257: {  	[sflag:s6] =	ssyncset.done $0x0  }
0x258: {  	[sflag:s6] =	ssyncadd.s32 $0xFFFFD000  }
0x259: {  	_ =	swait.ge [sflag:s7], $0x600  }
0x25a: {  	[sflag:s7] =	ssyncset.done $0x0  }
0x25b: {  	s11 =	simm.s32 $0x0;
	s12 =	rddreg [dreg:$0xe];
	[sflag:s7] =	ssyncadd.s32 $0xFFFFFA00  }
0x25c: {  	[tilespmem:s11], [sflag:$0x1] =	stream.linear.gather [hbm4b:s12+s11], $0x3000, $0x38;
	[tilespmem:$0x1D400] =	vst v63  }
0x25d: {  	s14 =	simm.s32 $0x3200;
	s12 =	simm.s32 $0x6600  }
0x25e: {  	[tilespmem:s8], [sflag:$0x3] =	stream.linear.gather [hbm4b:s26+s11], $0x600, $0x38;
	[tilespmem:$0x1D400] =	vst v63  }
.LBB2_40:
0x25f: {  	v4 =	vmov s12  }
0x260: {  	v3 =	vmov s14;
	_ =	sdelay $0x2  }
0x261: {  	s15 =	simm.s32 $0x0  }
0x262: {  	s16 =	simm.s32 $0x40;
	v2 =	vld.idx.msk [tilespmem:v4+s15+$0x0 ss:$0x1], $0xffff  }
.LBB2_41:
0x263: {  	p2 =	sne.s32 s16, $0x1C0;
	v5 =	vld.idx.msk [tilespmem:v3+s15+$0xFFFFFE00 ss:$0x1], $0xffff;
	_ =	sdelay $0x4  }
0x264: {  	v6 =	vadd.s32 $0x2800, v2;
	v7 =	vadd.s32 $0x5000, v2;
	v8 =	vadd.s32 $0x7800, v2  }
0x265: {  	v9 =	vadd.s32 $0xA000, v2;
	v10 =	vadd.s32 $0xC800, v2;
	v11 =	vadd.s32 $0xF000, v2  }
0x266: {  	[tilespmem:v2+s4+$0x0] =	vst.idx.add.f32.msk $0xffff, v5  }
0x267: {  	v5 =	vld.idx.msk [tilespmem:v3+s15+$0xFFFFFE80 ss:$0x1], $0xffff;
	_ =	sdelay $0x5  }
0x268: {  	[tilespmem:v6+s4+$0x0] =	vst.idx.add.f32.msk $0xffff, v5  }
0x269: {  	v5 =	vld.idx.msk [tilespmem:v3+s15+$0xFFFFFF00 ss:$0x1], $0xffff;
	_ =	sdelay $0x5  }
0x26a: {  	[tilespmem:v7+s4+$0x0] =	vst.idx.add.f32.msk $0xffff, v5  }
0x26b: {  	v5 =	vld.idx.msk [tilespmem:v3+s15+$0xFFFFFF80 ss:$0x1], $0xffff;
	_ =	sdelay $0x5  }
0x26c: {  	[tilespmem:v8+s4+$0x0] =	vst.idx.add.f32.msk $0xffff, v5  }
0x26d: {  	v5 =	vld.idx.msk [tilespmem:v3+s15+$0x0 ss:$0x1], $0xffff;
	_ =	sdelay $0x5  }
0x26e: {  	[tilespmem:v9+s4+$0x0] =	vst.idx.add.f32.msk $0xffff, v5  }
0x26f: {  	v5 =	vld.idx.msk [tilespmem:v3+s15+$0x80 ss:$0x1], $0xffff;
	_ =	sdelay $0x5  }
0x270: {  	[tilespmem:v10+s4+$0x0] =	vst.idx.add.f32.msk $0xffff, v5  }
0x271: {  	v5 =	vld.idx.msk [tilespmem:v3+s15+$0x100 ss:$0x1], $0xffff;
	_ =	sdelay $0x5  }
0x272: {  	[tilespmem:v11+s4+$0x0] =	vst.idx.add.f32.msk $0xffff, v5  }
0x273: {  	v5 =	vld.idx.msk [tilespmem:v3+s15+$0x180 ss:$0x1], $0xffff  }
0x274: {  	v6 =	vadd.s32 $0x11800, v2;
	_ =	sdelay $0x2  }
.Ltmp21:
0x275: {  	(pc) =	sbr.rel @p2 .LBB2_41-.Ltmp21, $4  }
0x276: {  	_ = 	snop  }
0x277: {  	[tilespmem:v6+s4+$0x0] =	vst.idx.add.f32.msk $0xffff, v5  }
0x278: {  	s15 =	sshra.s32 s16, $0x2;
	[tilespmem:v2+s5+$0x0] =	vst.idx.add.f32.msk $0xffff, v1  }
0x279: {  	s16 =	sadd.s32 $0x40, s16;
	v2 =	vld.idx.msk [tilespmem:v4+s15+$0x0 ss:$0x1], $0xffff  }
0x27a: {  	_ =	sdelay $0x3  }
0x27b: {  	v4 =	vld.idx.msk [tilespmem:v3+s15+$0xFFFFFE00 ss:$0x1], $0xffff;
	_ =	sdelay $0x4  }
0x27c: {  	[tilespmem:v2+s4+$0x0] =	vst.idx.add.f32.msk $0xffff, v4  }
0x27d: {  	v57 =	vadd.s32 $0x2800, v2;
	v5 =	vld.idx.msk [tilespmem:v3+s15+$0xFFFFFE80 ss:$0x1], $0xffff;
	_ =	sdelay $0x4  }
0x27e: {  	[tilespmem:v57+s4+$0x0] =	vst.idx.add.f32.msk $0xffff, v5  }
0x27f: {  	v58 =	vadd.s32 $0x5000, v2;
	v5 =	vld.idx.msk [tilespmem:v3+s15+$0xFFFFFF00 ss:$0x1], $0xffff;
	_ =	sdelay $0x4  }
0x280: {  	[tilespmem:v58+s4+$0x0] =	vst.idx.add.f32.msk $0xffff, v5  }
0x281: {  	v59 =	vadd.s32 $0x7800, v2;
	v5 =	vld.idx.msk [tilespmem:v3+s15+$0xFFFFFF80 ss:$0x1], $0xffff;
	_ =	sdelay $0x4  }
0x282: {  	[tilespmem:v59+s4+$0x0] =	vst.idx.add.f32.msk $0xffff, v5  }
0x283: {  	v60 =	vadd.s32 $0xA000, v2;
	v5 =	vld.idx.msk [tilespmem:v3+s15+$0x0 ss:$0x1], $0xffff;
	_ =	sdelay $0x4  }
0x284: {  	[tilespmem:v60+s4+$0x0] =	vst.idx.add.f32.msk $0xffff, v5  }
0x285: {  	v61 =	vadd.s32 $0xC800, v2;
	v5 =	vld.idx.msk [tilespmem:v3+s15+$0x80 ss:$0x1], $0xffff;
	_ =	sdelay $0x4  }
0x286: {  	[tilespmem:v61+s4+$0x0] =	vst.idx.add.f32.msk $0xffff, v5  }
0x287: {  	v62 =	vadd.s32 $0xF000, v2;
	v5 =	vld.idx.msk [tilespmem:v3+s15+$0x100 ss:$0x1], $0xffff;
	_ =	sdelay $0x4  }
0x288: {  	[tilespmem:v62+s4+$0x0] =	vst.idx.add.f32.msk $0xffff, v5  }
0x289: {  	s11 =	sadd.s32 $0x1, s11;
	v63 =	vadd.s32 $0x11800, v2;
	v3 =	vld.idx.msk [tilespmem:v3+s15+$0x180 ss:$0x1], $0xffff  }
0x28a: {  	p2 =	sne.s32 s11, $0xC  }
.Ltmp22:
0x28b: {  	_ = 	snop;
	(pc) =	sbr.rel @p2 .LBB2_40-.Ltmp22, $3  }
0x28c: {  	_ =	sdelay $0x1  }
0x28d: {  	[tilespmem:v63+s4+$0x0] =	vst.idx.add.f32.msk $0xffff, v3  }
0x28e: {  	s12 =	sadd.s32 $0x80, s12;
	s14 =	sadd.s32 $0x400, s14;
	[tilespmem:v2+s5+$0x0] =	vst.idx.add.f32.msk $0xffff, v1  }
0x28f: {  	_ =	swait.ge [sflag:s30], $0x3000  }
0x290: {  	[sflag:s30] =	ssyncset.done $0x0  }
0x291: {  	[sflag:s30] =	ssyncadd.s32 $0xFFFFD000  }
0x292: {  	_ =	swait.ge [sflag:s31], $0x600  }
0x293: {  	[sflag:s31] =	ssyncset.done $0x0  }
0x294: {  	s11 =	simm.s32 $0x0;
	s12 =	rddreg [dreg:$0xf];
	[sflag:s31] =	ssyncadd.s32 $0xFFFFFA00  }
0x295: {  	[tilespmem:s2], [sflag:$0x2] =	stream.linear.gather [hbm4b:s12+s11], $0x3000, $0x38;
	[tilespmem:$0x1D400] =	vst v63  }
0x296: {  	s14 =	simm.s32 $0x200;
	s12 =	simm.s32 $0x6000  }
0x297: {  	[tilespmem:s3], [sflag:$0x4] =	stream.linear.gather [hbm4b:s28+s11], $0x600, $0x38;
	[tilespmem:$0x1D400] =	vst v63  }
.LBB2_44:
0x298: {  	v4 =	vmov s12  }
0x299: {  	v3 =	vmov s14;
	_ =	sdelay $0x2  }
0x29a: {  	s15 =	simm.s32 $0x0  }
0x29b: {  	s16 =	simm.s32 $0x40;
	v2 =	vld.idx.msk [tilespmem:v4+s15+$0x0 ss:$0x1], $0xffff  }
.LBB2_45:
0x29c: {  	p2 =	sne.s32 s16, $0x1C0;
	v5 =	vld.idx.msk [tilespmem:v3+s15+$0xFFFFFE00 ss:$0x1], $0xffff;
	_ =	sdelay $0x4  }
0x29d: {  	v6 =	vadd.s32 $0x2800, v2;
	v7 =	vadd.s32 $0x5000, v2;
	v8 =	vadd.s32 $0x7800, v2  }
0x29e: {  	v9 =	vadd.s32 $0xA000, v2;
	v10 =	vadd.s32 $0xC800, v2;
	v11 =	vadd.s32 $0xF000, v2  }
0x29f: {  	[tilespmem:v2+s4+$0x0] =	vst.idx.add.f32.msk $0xffff, v5  }
0x2a0: {  	v5 =	vld.idx.msk [tilespmem:v3+s15+$0xFFFFFE80 ss:$0x1], $0xffff;
	_ =	sdelay $0x5  }
0x2a1: {  	[tilespmem:v6+s4+$0x0] =	vst.idx.add.f32.msk $0xffff, v5  }
0x2a2: {  	v5 =	vld.idx.msk [tilespmem:v3+s15+$0xFFFFFF00 ss:$0x1], $0xffff;
	_ =	sdelay $0x5  }
0x2a3: {  	[tilespmem:v7+s4+$0x0] =	vst.idx.add.f32.msk $0xffff, v5  }
0x2a4: {  	v5 =	vld.idx.msk [tilespmem:v3+s15+$0xFFFFFF80 ss:$0x1], $0xffff;
	_ =	sdelay $0x5  }
0x2a5: {  	[tilespmem:v8+s4+$0x0] =	vst.idx.add.f32.msk $0xffff, v5  }
0x2a6: {  	v5 =	vld.idx.msk [tilespmem:v3+s15+$0x0 ss:$0x1], $0xffff;
	_ =	sdelay $0x5  }
0x2a7: {  	[tilespmem:v9+s4+$0x0] =	vst.idx.add.f32.msk $0xffff, v5  }
0x2a8: {  	v5 =	vld.idx.msk [tilespmem:v3+s15+$0x80 ss:$0x1], $0xffff;
	_ =	sdelay $0x5  }
0x2a9: {  	[tilespmem:v10+s4+$0x0] =	vst.idx.add.f32.msk $0xffff, v5  }
0x2aa: {  	v5 =	vld.idx.msk [tilespmem:v3+s15+$0x100 ss:$0x1], $0xffff;
	_ =	sdelay $0x5  }
0x2ab: {  	[tilespmem:v11+s4+$0x0] =	vst.idx.add.f32.msk $0xffff, v5  }
0x2ac: {  	v5 =	vld.idx.msk [tilespmem:v3+s15+$0x180 ss:$0x1], $0xffff  }
0x2ad: {  	v6 =	vadd.s32 $0x11800, v2;
	_ =	sdelay $0x2  }
.Ltmp23:
0x2ae: {  	(pc) =	sbr.rel @p2 .LBB2_45-.Ltmp23, $4  }
0x2af: {  	_ = 	snop  }
0x2b0: {  	[tilespmem:v6+s4+$0x0] =	vst.idx.add.f32.msk $0xffff, v5  }
0x2b1: {  	s15 =	sshra.s32 s16, $0x2;
	[tilespmem:v2+s5+$0x0] =	vst.idx.add.f32.msk $0xffff, v1  }
0x2b2: {  	s16 =	sadd.s32 $0x40, s16;
	v2 =	vld.idx.msk [tilespmem:v4+s15+$0x0 ss:$0x1], $0xffff  }
0x2b3: {  	_ =	sdelay $0x3  }
0x2b4: {  	v4 =	vld.idx.msk [tilespmem:v3+s15+$0xFFFFFE00 ss:$0x1], $0xffff;
	_ =	sdelay $0x4  }
0x2b5: {  	[tilespmem:v2+s4+$0x0] =	vst.idx.add.f32.msk $0xffff, v4  }
0x2b6: {  	v57 =	vadd.s32 $0x2800, v2;
	v5 =	vld.idx.msk [tilespmem:v3+s15+$0xFFFFFE80 ss:$0x1], $0xffff;
	_ =	sdelay $0x4  }
0x2b7: {  	[tilespmem:v57+s4+$0x0] =	vst.idx.add.f32.msk $0xffff, v5  }
0x2b8: {  	v58 =	vadd.s32 $0x5000, v2;
	v5 =	vld.idx.msk [tilespmem:v3+s15+$0xFFFFFF00 ss:$0x1], $0xffff;
	_ =	sdelay $0x4  }
0x2b9: {  	[tilespmem:v58+s4+$0x0] =	vst.idx.add.f32.msk $0xffff, v5  }
0x2ba: {  	v59 =	vadd.s32 $0x7800, v2;
	v5 =	vld.idx.msk [tilespmem:v3+s15+$0xFFFFFF80 ss:$0x1], $0xffff;
	_ =	sdelay $0x4  }
0x2bb: {  	[tilespmem:v59+s4+$0x0] =	vst.idx.add.f32.msk $0xffff, v5  }
0x2bc: {  	v60 =	vadd.s32 $0xA000, v2;
	v5 =	vld.idx.msk [tilespmem:v3+s15+$0x0 ss:$0x1], $0xffff;
	_ =	sdelay $0x4  }
0x2bd: {  	[tilespmem:v60+s4+$0x0] =	vst.idx.add.f32.msk $0xffff, v5  }
0x2be: {  	v61 =	vadd.s32 $0xC800, v2;
	v5 =	vld.idx.msk [tilespmem:v3+s15+$0x80 ss:$0x1], $0xffff;
	_ =	sdelay $0x4  }
0x2bf: {  	[tilespmem:v61+s4+$0x0] =	vst.idx.add.f32.msk $0xffff, v5  }
0x2c0: {  	v62 =	vadd.s32 $0xF000, v2;
	v5 =	vld.idx.msk [tilespmem:v3+s15+$0x100 ss:$0x1], $0xffff;
	_ =	sdelay $0x4  }
0x2c1: {  	[tilespmem:v62+s4+$0x0] =	vst.idx.add.f32.msk $0xffff, v5  }
0x2c2: {  	s11 =	sadd.s32 $0x1, s11;
	v63 =	vadd.s32 $0x11800, v2;
	v3 =	vld.idx.msk [tilespmem:v3+s15+$0x180 ss:$0x1], $0xffff  }
0x2c3: {  	p2 =	sne.s32 s11, $0xC  }
.Ltmp24:
0x2c4: {  	_ = 	snop;
	(pc) =	sbr.rel @p2 .LBB2_44-.Ltmp24, $3  }
0x2c5: {  	_ =	sdelay $0x1  }
0x2c6: {  	[tilespmem:v63+s4+$0x0] =	vst.idx.add.f32.msk $0xffff, v3  }
0x2c7: {  	s12 =	sadd.s32 $0x80, s12;
	s14 =	sadd.s32 $0x400, s14;
	[tilespmem:v2+s5+$0x0] =	vst.idx.add.f32.msk $0xffff, v1  }
0x2c8: {  	_ =	swait.ge [sflag:s6], $0x3000  }
0x2c9: {  	[sflag:s6] =	ssyncset.done $0x0  }
0x2ca: {  	[sflag:s6] =	ssyncadd.s32 $0xFFFFD000  }
0x2cb: {  	_ =	swait.ge [sflag:s7], $0x600  }
0x2cc: {  	[sflag:s7] =	ssyncset.done $0x0  }
0x2cd: {  	s11 =	simm.s32 $0x0;
	s12 =	rddreg [dreg:$0x10];
	[sflag:s7] =	ssyncadd.s32 $0xFFFFFA00  }
0x2ce: {  	[tilespmem:s11], [sflag:$0x1] =	stream.linear.gather [hbm4b:s12+s11], $0x3000, $0x38;
	[tilespmem:$0x1D400] =	vst v63  }
0x2cf: {  	s14 =	simm.s32 $0x3200;
	s12 =	simm.s32 $0x6600  }
0x2d0: {  	[tilespmem:s8], [sflag:$0x3] =	stream.linear.gather [hbm4b:s29+s11], $0x600, $0x38;
	[tilespmem:$0x1D400] =	vst v63  }
.LBB2_48:
0x2d1: {  	v4 =	vmov s12  }
0x2d2: {  	v3 =	vmov s14;
	_ =	sdelay $0x2  }
0x2d3: {  	s15 =	simm.s32 $0x0  }
0x2d4: {  	s16 =	simm.s32 $0x40;
	v2 =	vld.idx.msk [tilespmem:v4+s15+$0x0 ss:$0x1], $0xffff  }
.LBB2_49:
0x2d5: {  	p2 =	sne.s32 s16, $0x1C0;
	v5 =	vld.idx.msk [tilespmem:v3+s15+$0xFFFFFE00 ss:$0x1], $0xffff;
	_ =	sdelay $0x4  }
0x2d6: {  	v6 =	vadd.s32 $0x2800, v2;
	v7 =	vadd.s32 $0x5000, v2;
	v8 =	vadd.s32 $0x7800, v2  }
0x2d7: {  	v9 =	vadd.s32 $0xA000, v2;
	v10 =	vadd.s32 $0xC800, v2;
	v11 =	vadd.s32 $0xF000, v2  }
0x2d8: {  	[tilespmem:v2+s4+$0x0] =	vst.idx.add.f32.msk $0xffff, v5  }
0x2d9: {  	v5 =	vld.idx.msk [tilespmem:v3+s15+$0xFFFFFE80 ss:$0x1], $0xffff;
	_ =	sdelay $0x5  }
0x2da: {  	[tilespmem:v6+s4+$0x0] =	vst.idx.add.f32.msk $0xffff, v5  }
0x2db: {  	v5 =	vld.idx.msk [tilespmem:v3+s15+$0xFFFFFF00 ss:$0x1], $0xffff;
	_ =	sdelay $0x5  }
0x2dc: {  	[tilespmem:v7+s4+$0x0] =	vst.idx.add.f32.msk $0xffff, v5  }
0x2dd: {  	v5 =	vld.idx.msk [tilespmem:v3+s15+$0xFFFFFF80 ss:$0x1], $0xffff;
	_ =	sdelay $0x5  }
0x2de: {  	[tilespmem:v8+s4+$0x0] =	vst.idx.add.f32.msk $0xffff, v5  }
0x2df: {  	v5 =	vld.idx.msk [tilespmem:v3+s15+$0x0 ss:$0x1], $0xffff;
	_ =	sdelay $0x5  }
0x2e0: {  	[tilespmem:v9+s4+$0x0] =	vst.idx.add.f32.msk $0xffff, v5  }
0x2e1: {  	v5 =	vld.idx.msk [tilespmem:v3+s15+$0x80 ss:$0x1], $0xffff;
	_ =	sdelay $0x5  }
0x2e2: {  	[tilespmem:v10+s4+$0x0] =	vst.idx.add.f32.msk $0xffff, v5  }
0x2e3: {  	v5 =	vld.idx.msk [tilespmem:v3+s15+$0x100 ss:$0x1], $0xffff;
	_ =	sdelay $0x5  }
0x2e4: {  	[tilespmem:v11+s4+$0x0] =	vst.idx.add.f32.msk $0xffff, v5  }
0x2e5: {  	v5 =	vld.idx.msk [tilespmem:v3+s15+$0x180 ss:$0x1], $0xffff  }
0x2e6: {  	v6 =	vadd.s32 $0x11800, v2;
	_ =	sdelay $0x2  }
.Ltmp25:
0x2e7: {  	(pc) =	sbr.rel @p2 .LBB2_49-.Ltmp25, $4  }
0x2e8: {  	_ = 	snop  }
0x2e9: {  	[tilespmem:v6+s4+$0x0] =	vst.idx.add.f32.msk $0xffff, v5  }
0x2ea: {  	s15 =	sshra.s32 s16, $0x2;
	[tilespmem:v2+s5+$0x0] =	vst.idx.add.f32.msk $0xffff, v1  }
0x2eb: {  	s16 =	sadd.s32 $0x40, s16;
	v2 =	vld.idx.msk [tilespmem:v4+s15+$0x0 ss:$0x1], $0xffff  }
0x2ec: {  	_ =	sdelay $0x3  }
0x2ed: {  	v4 =	vld.idx.msk [tilespmem:v3+s15+$0xFFFFFE00 ss:$0x1], $0xffff;
	_ =	sdelay $0x4  }
0x2ee: {  	[tilespmem:v2+s4+$0x0] =	vst.idx.add.f32.msk $0xffff, v4  }
0x2ef: {  	v57 =	vadd.s32 $0x2800, v2;
	v5 =	vld.idx.msk [tilespmem:v3+s15+$0xFFFFFE80 ss:$0x1], $0xffff;
	_ =	sdelay $0x4  }
0x2f0: {  	[tilespmem:v57+s4+$0x0] =	vst.idx.add.f32.msk $0xffff, v5  }
0x2f1: {  	v58 =	vadd.s32 $0x5000, v2;
	v5 =	vld.idx.msk [tilespmem:v3+s15+$0xFFFFFF00 ss:$0x1], $0xffff;
	_ =	sdelay $0x4  }
0x2f2: {  	[tilespmem:v58+s4+$0x0] =	vst.idx.add.f32.msk $0xffff, v5  }
0x2f3: {  	v59 =	vadd.s32 $0x7800, v2;
	v5 =	vld.idx.msk [tilespmem:v3+s15+$0xFFFFFF80 ss:$0x1], $0xffff;
	_ =	sdelay $0x4  }
0x2f4: {  	[tilespmem:v59+s4+$0x0] =	vst.idx.add.f32.msk $0xffff, v5  }
0x2f5: {  	v60 =	vadd.s32 $0xA000, v2;
	v5 =	vld.idx.msk [tilespmem:v3+s15+$0x0 ss:$0x1], $0xffff;
	_ =	sdelay $0x4  }
0x2f6: {  	[tilespmem:v60+s4+$0x0] =	vst.idx.add.f32.msk $0xffff, v5  }
0x2f7: {  	v61 =	vadd.s32 $0xC800, v2;
	v5 =	vld.idx.msk [tilespmem:v3+s15+$0x80 ss:$0x1], $0xffff;
	_ =	sdelay $0x4  }
0x2f8: {  	[tilespmem:v61+s4+$0x0] =	vst.idx.add.f32.msk $0xffff, v5  }
0x2f9: {  	v62 =	vadd.s32 $0xF000, v2;
	v5 =	vld.idx.msk [tilespmem:v3+s15+$0x100 ss:$0x1], $0xffff;
	_ =	sdelay $0x4  }
0x2fa: {  	[tilespmem:v62+s4+$0x0] =	vst.idx.add.f32.msk $0xffff, v5  }
0x2fb: {  	s11 =	sadd.s32 $0x1, s11;
	v63 =	vadd.s32 $0x11800, v2;
	v3 =	vld.idx.msk [tilespmem:v3+s15+$0x180 ss:$0x1], $0xffff  }
0x2fc: {  	p2 =	sne.s32 s11, $0xC  }
.Ltmp26:
0x2fd: {  	_ = 	snop;
	(pc) =	sbr.rel @p2 .LBB2_48-.Ltmp26, $3  }
0x2fe: {  	_ =	sdelay $0x1  }
0x2ff: {  	[tilespmem:v63+s4+$0x0] =	vst.idx.add.f32.msk $0xffff, v3  }
0x300: {  	s12 =	sadd.s32 $0x80, s12;
	s14 =	sadd.s32 $0x400, s14;
	[tilespmem:v2+s5+$0x0] =	vst.idx.add.f32.msk $0xffff, v1  }
0x301: {  	_ =	swait.ge [sflag:s30], $0x3000  }
0x302: {  	[sflag:s30] =	ssyncset.done $0x0  }
0x303: {  	[sflag:s30] =	ssyncadd.s32 $0xFFFFD000  }
0x304: {  	_ =	swait.ge [sflag:s31], $0x600  }
0x305: {  	s11 =	simm.s32 $0x0;
	[sflag:s31] =	ssyncset.done $0x0  }
0x306: {  	s12 =	simm.s32 $0x6000;
	s14 =	simm.s32 $0x200;
	[sflag:s31] =	ssyncadd.s32 $0xFFFFFA00  }
.LBB2_52:
0x307: {  	v4 =	vmov s12  }
0x308: {  	v3 =	vmov s14;
	_ =	sdelay $0x2  }
0x309: {  	s15 =	simm.s32 $0x0  }
0x30a: {  	s16 =	simm.s32 $0x40;
	v2 =	vld.idx.msk [tilespmem:v4+s15+$0x0 ss:$0x1], $0xffff  }
.LBB2_53:
0x30b: {  	p2 =	sne.s32 s16, $0x1C0;
	v5 =	vld.idx.msk [tilespmem:v3+s15+$0xFFFFFE00 ss:$0x1], $0xffff;
	_ =	sdelay $0x4  }
0x30c: {  	v6 =	vadd.s32 $0x2800, v2;
	v7 =	vadd.s32 $0x5000, v2;
	v8 =	vadd.s32 $0x7800, v2  }
0x30d: {  	v9 =	vadd.s32 $0xA000, v2;
	v10 =	vadd.s32 $0xC800, v2;
	v11 =	vadd.s32 $0xF000, v2  }
0x30e: {  	[tilespmem:v2+s4+$0x0] =	vst.idx.add.f32.msk $0xffff, v5  }
0x30f: {  	v5 =	vld.idx.msk [tilespmem:v3+s15+$0xFFFFFE80 ss:$0x1], $0xffff;
	_ =	sdelay $0x5  }
0x310: {  	[tilespmem:v6+s4+$0x0] =	vst.idx.add.f32.msk $0xffff, v5  }
0x311: {  	v5 =	vld.idx.msk [tilespmem:v3+s15+$0xFFFFFF00 ss:$0x1], $0xffff;
	_ =	sdelay $0x5  }
0x312: {  	[tilespmem:v7+s4+$0x0] =	vst.idx.add.f32.msk $0xffff, v5  }
0x313: {  	v5 =	vld.idx.msk [tilespmem:v3+s15+$0xFFFFFF80 ss:$0x1], $0xffff;
	_ =	sdelay $0x5  }
0x314: {  	[tilespmem:v8+s4+$0x0] =	vst.idx.add.f32.msk $0xffff, v5  }
0x315: {  	v5 =	vld.idx.msk [tilespmem:v3+s15+$0x0 ss:$0x1], $0xffff;
	_ =	sdelay $0x5  }
0x316: {  	[tilespmem:v9+s4+$0x0] =	vst.idx.add.f32.msk $0xffff, v5  }
0x317: {  	v5 =	vld.idx.msk [tilespmem:v3+s15+$0x80 ss:$0x1], $0xffff;
	_ =	sdelay $0x5  }
0x318: {  	[tilespmem:v10+s4+$0x0] =	vst.idx.add.f32.msk $0xffff, v5  }
0x319: {  	v5 =	vld.idx.msk [tilespmem:v3+s15+$0x100 ss:$0x1], $0xffff;
	_ =	sdelay $0x5  }
0x31a: {  	[tilespmem:v11+s4+$0x0] =	vst.idx.add.f32.msk $0xffff, v5  }
0x31b: {  	v5 =	vld.idx.msk [tilespmem:v3+s15+$0x180 ss:$0x1], $0xffff  }
0x31c: {  	v6 =	vadd.s32 $0x11800, v2;
	_ =	sdelay $0x2  }
.Ltmp27:
0x31d: {  	(pc) =	sbr.rel @p2 .LBB2_53-.Ltmp27, $4  }
0x31e: {  	_ = 	snop  }
0x31f: {  	[tilespmem:v6+s4+$0x0] =	vst.idx.add.f32.msk $0xffff, v5  }
0x320: {  	s15 =	sshra.s32 s16, $0x2;
	[tilespmem:v2+s5+$0x0] =	vst.idx.add.f32.msk $0xffff, v1  }
0x321: {  	s16 =	sadd.s32 $0x40, s16;
	v2 =	vld.idx.msk [tilespmem:v4+s15+$0x0 ss:$0x1], $0xffff  }
0x322: {  	_ =	sdelay $0x3  }
0x323: {  	v4 =	vld.idx.msk [tilespmem:v3+s15+$0xFFFFFE00 ss:$0x1], $0xffff;
	_ =	sdelay $0x4  }
0x324: {  	[tilespmem:v2+s4+$0x0] =	vst.idx.add.f32.msk $0xffff, v4  }
0x325: {  	v57 =	vadd.s32 $0x2800, v2;
	v5 =	vld.idx.msk [tilespmem:v3+s15+$0xFFFFFE80 ss:$0x1], $0xffff;
	_ =	sdelay $0x4  }
0x326: {  	[tilespmem:v57+s4+$0x0] =	vst.idx.add.f32.msk $0xffff, v5  }
0x327: {  	v58 =	vadd.s32 $0x5000, v2;
	v5 =	vld.idx.msk [tilespmem:v3+s15+$0xFFFFFF00 ss:$0x1], $0xffff;
	_ =	sdelay $0x4  }
0x328: {  	[tilespmem:v58+s4+$0x0] =	vst.idx.add.f32.msk $0xffff, v5  }
0x329: {  	v59 =	vadd.s32 $0x7800, v2;
	v5 =	vld.idx.msk [tilespmem:v3+s15+$0xFFFFFF80 ss:$0x1], $0xffff;
	_ =	sdelay $0x4  }
0x32a: {  	[tilespmem:v59+s4+$0x0] =	vst.idx.add.f32.msk $0xffff, v5  }
0x32b: {  	v60 =	vadd.s32 $0xA000, v2;
	v5 =	vld.idx.msk [tilespmem:v3+s15+$0x0 ss:$0x1], $0xffff;
	_ =	sdelay $0x4  }
0x32c: {  	[tilespmem:v60+s4+$0x0] =	vst.idx.add.f32.msk $0xffff, v5  }
0x32d: {  	v61 =	vadd.s32 $0xC800, v2;
	v5 =	vld.idx.msk [tilespmem:v3+s15+$0x80 ss:$0x1], $0xffff;
	_ =	sdelay $0x4  }
0x32e: {  	[tilespmem:v61+s4+$0x0] =	vst.idx.add.f32.msk $0xffff, v5  }
0x32f: {  	v62 =	vadd.s32 $0xF000, v2;
	v5 =	vld.idx.msk [tilespmem:v3+s15+$0x100 ss:$0x1], $0xffff;
	_ =	sdelay $0x4  }
0x330: {  	[tilespmem:v62+s4+$0x0] =	vst.idx.add.f32.msk $0xffff, v5  }
0x331: {  	s11 =	sadd.s32 $0x1, s11;
	v63 =	vadd.s32 $0x11800, v2;
	v3 =	vld.idx.msk [tilespmem:v3+s15+$0x180 ss:$0x1], $0xffff  }
0x332: {  	p2 =	sne.s32 s11, $0xC  }
.Ltmp28:
0x333: {  	_ = 	snop;
	(pc) =	sbr.rel @p2 .LBB2_52-.Ltmp28, $3  }
0x334: {  	_ =	sdelay $0x1  }
0x335: {  	[tilespmem:v63+s4+$0x0] =	vst.idx.add.f32.msk $0xffff, v3  }
0x336: {  	s12 =	sadd.s32 $0x80, s12;
	s14 =	sadd.s32 $0x400, s14;
	[tilespmem:v2+s5+$0x0] =	vst.idx.add.f32.msk $0xffff, v1  }
.Ltmp29:
0x337: {  	(pc) =	sbr.rel @p1 .LBB2_60-.Ltmp29, $1  }
0x338: {  	_ =	sdelay $0x3  }
0x339: {  	s11 =	simm.s32 $0x0;
	s12 =	rddreg [dreg:$0x12]  }
0x33a: {  	[tilespmem:s11], [sflag:$0x5] =	stream.linear.gather [hbm4b:s12+s11], $0x1000, $0x38;
	[tilespmem:$0x1D400] =	vst v63  }
0x33b: {  	_ =	swait.ge [sflag:s9], $0x1000  }
0x33c: {  	[sflag:s9] =	ssyncset.done $0x0  }
0x33d: {  	s12 =	simm.s32 $0x6000;
	s14 =	rddreg [dreg:$0x13];
	[sflag:s9] =	ssyncadd.s32 $0xFFFFF000  }
0x33e: {  	[tilespmem:s12], [sflag:$0x5] =	stream.linear.gather [hbm4b:s14+s11], $0x200, $0x38;
	[tilespmem:$0x1D400] =	vst v63  }
0x33f: {  	_ =	swait.ge [sflag:s9], $0x200  }
0x340: {  	[sflag:s9] =	ssyncset.done $0x0  }
0x341: {  	s14 =	simm.s32 $0x200;
	[sflag:s9] =	ssyncadd.s32 $0xFFFFFE00  }
.LBB2_57:
0x342: {  	v4 =	vmov s12  }
0x343: {  	v3 =	vmov s14;
	_ =	sdelay $0x2  }
0x344: {  	s15 =	simm.s32 $0x0  }
0x345: {  	s16 =	simm.s32 $0x40;
	v2 =	vld.idx.msk [tilespmem:v4+s15+$0x0 ss:$0x1], $0xffff  }
.LBB2_58:
0x346: {  	p2 =	sne.s32 s16, $0x1C0;
	v5 =	vld.idx.msk [tilespmem:v3+s15+$0xFFFFFE00 ss:$0x1], $0xffff;
	_ =	sdelay $0x4  }
0x347: {  	v6 =	vadd.s32 $0x2800, v2;
	v7 =	vadd.s32 $0x5000, v2;
	v8 =	vadd.s32 $0x7800, v2  }
0x348: {  	v9 =	vadd.s32 $0xA000, v2;
	v10 =	vadd.s32 $0xC800, v2;
	v11 =	vadd.s32 $0xF000, v2  }
0x349: {  	[tilespmem:v2+s4+$0x0] =	vst.idx.add.f32.msk $0xffff, v5  }
0x34a: {  	v5 =	vld.idx.msk [tilespmem:v3+s15+$0xFFFFFE80 ss:$0x1], $0xffff;
	_ =	sdelay $0x5  }
0x34b: {  	[tilespmem:v6+s4+$0x0] =	vst.idx.add.f32.msk $0xffff, v5  }
0x34c: {  	v5 =	vld.idx.msk [tilespmem:v3+s15+$0xFFFFFF00 ss:$0x1], $0xffff;
	_ =	sdelay $0x5  }
0x34d: {  	[tilespmem:v7+s4+$0x0] =	vst.idx.add.f32.msk $0xffff, v5  }
0x34e: {  	v5 =	vld.idx.msk [tilespmem:v3+s15+$0xFFFFFF80 ss:$0x1], $0xffff;
	_ =	sdelay $0x5  }
0x34f: {  	[tilespmem:v8+s4+$0x0] =	vst.idx.add.f32.msk $0xffff, v5  }
0x350: {  	v5 =	vld.idx.msk [tilespmem:v3+s15+$0x0 ss:$0x1], $0xffff;
	_ =	sdelay $0x5  }
0x351: {  	[tilespmem:v9+s4+$0x0] =	vst.idx.add.f32.msk $0xffff, v5  }
0x352: {  	v5 =	vld.idx.msk [tilespmem:v3+s15+$0x80 ss:$0x1], $0xffff;
	_ =	sdelay $0x5  }
0x353: {  	[tilespmem:v10+s4+$0x0] =	vst.idx.add.f32.msk $0xffff, v5  }
0x354: {  	v5 =	vld.idx.msk [tilespmem:v3+s15+$0x100 ss:$0x1], $0xffff;
	_ =	sdelay $0x5  }
0x355: {  	[tilespmem:v11+s4+$0x0] =	vst.idx.add.f32.msk $0xffff, v5  }
0x356: {  	v5 =	vld.idx.msk [tilespmem:v3+s15+$0x180 ss:$0x1], $0xffff  }
0x357: {  	v6 =	vadd.s32 $0x11800, v2;
	_ =	sdelay $0x2  }
.Ltmp30:
0x358: {  	(pc) =	sbr.rel @p2 .LBB2_58-.Ltmp30, $4  }
0x359: {  	_ = 	snop  }
0x35a: {  	[tilespmem:v6+s4+$0x0] =	vst.idx.add.f32.msk $0xffff, v5  }
0x35b: {  	s15 =	sshra.s32 s16, $0x2;
	[tilespmem:v2+s5+$0x0] =	vst.idx.add.f32.msk $0xffff, v1  }
0x35c: {  	s16 =	sadd.s32 $0x40, s16;
	v2 =	vld.idx.msk [tilespmem:v4+s15+$0x0 ss:$0x1], $0xffff  }
0x35d: {  	_ =	sdelay $0x3  }
0x35e: {  	v4 =	vld.idx.msk [tilespmem:v3+s15+$0xFFFFFE00 ss:$0x1], $0xffff;
	_ =	sdelay $0x4  }
0x35f: {  	[tilespmem:v2+s4+$0x0] =	vst.idx.add.f32.msk $0xffff, v4  }
0x360: {  	v57 =	vadd.s32 $0x2800, v2;
	v5 =	vld.idx.msk [tilespmem:v3+s15+$0xFFFFFE80 ss:$0x1], $0xffff;
	_ =	sdelay $0x4  }
0x361: {  	[tilespmem:v57+s4+$0x0] =	vst.idx.add.f32.msk $0xffff, v5  }
0x362: {  	v58 =	vadd.s32 $0x5000, v2;
	v5 =	vld.idx.msk [tilespmem:v3+s15+$0xFFFFFF00 ss:$0x1], $0xffff;
	_ =	sdelay $0x4  }
0x363: {  	[tilespmem:v58+s4+$0x0] =	vst.idx.add.f32.msk $0xffff, v5  }
0x364: {  	v59 =	vadd.s32 $0x7800, v2;
	v5 =	vld.idx.msk [tilespmem:v3+s15+$0xFFFFFF80 ss:$0x1], $0xffff;
	_ =	sdelay $0x4  }
0x365: {  	[tilespmem:v59+s4+$0x0] =	vst.idx.add.f32.msk $0xffff, v5  }
0x366: {  	v60 =	vadd.s32 $0xA000, v2;
	v5 =	vld.idx.msk [tilespmem:v3+s15+$0x0 ss:$0x1], $0xffff;
	_ =	sdelay $0x4  }
0x367: {  	[tilespmem:v60+s4+$0x0] =	vst.idx.add.f32.msk $0xffff, v5  }
0x368: {  	v61 =	vadd.s32 $0xC800, v2;
	v5 =	vld.idx.msk [tilespmem:v3+s15+$0x80 ss:$0x1], $0xffff;
	_ =	sdelay $0x4  }
0x369: {  	[tilespmem:v61+s4+$0x0] =	vst.idx.add.f32.msk $0xffff, v5  }
0x36a: {  	v62 =	vadd.s32 $0xF000, v2;
	v5 =	vld.idx.msk [tilespmem:v3+s15+$0x100 ss:$0x1], $0xffff;
	_ =	sdelay $0x4  }
0x36b: {  	[tilespmem:v62+s4+$0x0] =	vst.idx.add.f32.msk $0xffff, v5  }
0x36c: {  	s11 =	sadd.s32 $0x1, s11;
	v63 =	vadd.s32 $0x11800, v2;
	v3 =	vld.idx.msk [tilespmem:v3+s15+$0x180 ss:$0x1], $0xffff  }
0x36d: {  	p2 =	sne.s32 s11, $0x4  }
.Ltmp31:
0x36e: {  	_ = 	snop;
	(pc) =	sbr.rel @p2 .LBB2_57-.Ltmp31, $4  }
.Ltmp32:
0x36f: {  	_ = 	snop;
	(pc) =	sbr.rel @!p2 .LBB2_60-.Ltmp32, $4  }
0x370: {  	_ = 	snop  }
0x371: {  	[tilespmem:v63+s4+$0x0] =	vst.idx.add.f32.msk $0xffff, v3  }
0x372: {  	s12 =	sadd.s32 $0x80, s12;
	s14 =	sadd.s32 $0x400, s14;
	[tilespmem:v2+s5+$0x0] =	vst.idx.add.f32.msk $0xffff, v1  }
0x373: {  	_ = 	snop  }
.LBB2_61:
0x374: {  	_ =	sfence.sel $0x180000  }
0x375: {  	[bflag:$0x0] =	sbarrier.arrive $0xFFFF  }
0x376: {  	_ =	strace $0x90000047  }
0x377: {  	s0 =	stileid.u32;
	[bflag:$0x2] =	sbarrier.arrive $0xFFFF  }
0x378: {  	p0 =	sne.s32 s0, $0x0;
	s0 =	rddreg [dreg:$0x3]  }
0x379: {  	s0 =	sadd.s32 @!p0 $0x100000, s0  }
0x37a: {  	[sflag:s0] =	ssyncadd.tile.s32 @!p0 $0x1;
	_ =	shalt  }
.Lfunc_end2:
_tile_overlayer_lowered:
.L_overlay_start_2:
0x37b: {  	(tag) =	ssettag $0x2  }
0x37c: {  	s0 =	rddreg [dreg:$0x0];
	s2 =	stileid.u32  }
0x37d: {  	s1 =	rddreg [dreg:$0x1];
	p0 =	sne.s32 s2, $0x0  }
0x37e: {  	s3 =	rddreg [dreg:$0x2];
	[bflag:$0x3] =	sbarrier.arrive $0xFFFF;
	s2 =	simm.s32 @!p0 $0x1C05  }
0x37f: {  	[timem:s3], [sflag:s2] =	dma.local @!p0 [hbm:s0], s1  }
0x380: {  	s0 =	simm.s32 @!p0 $0x5  }
0x381: {  	_ =	swait.ge @!p0 [sflag:s0], s1  }
0x382: {  	s1 =	ssub.s32 @!p0 $0x0, s1;
	[sflag:s0] =	ssyncset.done @!p0 $0x0  }
0x383: {  	[sflag:s0] =	ssyncadd.s32 @!p0 s1  }
0x384: {  	[bflag:$0x3] =	sbarrier.arrive $0xFFFF  }
0x385: {  	_ =	shalt  }

</sc_bundles>
